<compile_context>
chip_gen: v7x
topology: tpu7x:2x2x1
jax: 0.10.2.dev20260603
libtpu: 0.0.44.dev20260713+nightly
codegen_flags: <defaults>
</compile_context>

<pallas_src>
import functools

import jax
import jax.numpy as jnp
from jax import lax
from jax.experimental import pallas as pl
from jax.experimental.pallas import tpu as pltpu
from jax.experimental.pallas import tpu_sc as plsc

NC = 2
NS = 16
NW = NC * NS


def _deg_body(g4, ones_h, zeros_h, out, sidx, didx, ones_v, zbuf,
              dbuf, acc_s, acc_d, ss, sd):
    npad = acc_s.shape[0]
    per_tile = npad // NS
    cid = lax.axis_index("c")
    sid = lax.axis_index("s")
    wid = cid * NS + sid
    nch = sidx.shape[0]
    depth = 8

    pltpu.sync_copy(g4.at[0, wid], sidx)
    pltpu.sync_copy(g4.at[1, wid], didx)
    pltpu.sync_copy(ones_h, ones_v)
    pltpu.sync_copy(zeros_h, zbuf)

    base = sid * per_tile
    pltpu.sync_copy(zbuf, acc_s.at[pl.ds(base, per_tile)])
    pltpu.sync_copy(zbuf, acc_d.at[pl.ds(base, per_tile)])
    plsc.subcore_barrier()

    unroll = 5
    ngr = nch // unroll
    assert nch % unroll == 0

    def body(gi, carry):
        for u in range(unroll):
            j = gi * unroll + u
            pltpu.async_copy(ones_v, acc_s.at[sidx.at[j]], ss, add=True)
            pltpu.async_copy(ones_v, acc_d.at[didx.at[j]], sd, add=True)

        @pl.when(gi >= depth)
        def _():
            for _u in range(unroll):
                pltpu.make_async_copy(ones_v, acc_s.at[sidx.at[0]],
                                      ss).wait()
                pltpu.make_async_copy(ones_v, acc_d.at[didx.at[0]],
                                      sd).wait()

        return carry

    lax.fori_loop(0, ngr, body, 0)

    def drain(gi, carry):
        for _u in range(unroll):
            pltpu.make_async_copy(ones_v, acc_s.at[sidx.at[0]], ss).wait()
            pltpu.make_async_copy(ones_v, acc_d.at[didx.at[0]], sd).wait()
        return carry

    lax.fori_loop(0, min(depth, ngr), drain, 0)
    plsc.subcore_barrier()

    pltpu.sync_copy(acc_s.at[pl.ds(base, per_tile)], dbuf)
    pltpu.sync_copy(dbuf, out.at[pl.ds(cid * 2 * npad + base, per_tile)])
    pltpu.sync_copy(acc_d.at[pl.ds(base, per_tile)], dbuf)
    pltpu.sync_copy(dbuf, out.at[pl.ds((cid * 2 + 1) * npad + base,
                                       per_tile)])


NBUF = 4


def _agg_body(ys, g4, zeros_h, out,
              sb0, sb1, sb2, sb3, db0, db1, db2, db3, r0, r1, r2, r3, acc,
              ss0, ss1, ss2, ss3, ds0, ds1, ds2, ds3,
              gs0, gs1, gs2, gs3, cs0, cs1, cs2, cs3):
    npad, dd = acc.shape
    rows_per_tile = npad // NS
    chunk = r0.shape[0]
    nch = g4.shape[2]
    ncopy = rows_per_tile // chunk
    cid = lax.axis_index("c")
    sid = lax.axis_index("s")
    wid = cid * NS + sid

    sb = (sb0, sb1, sb2, sb3)
    db = (db0, db1, db2, db3)
    rows = (r0, r1, r2, r3)
    ssem = (ss0, ss1, ss2, ss3)
    dsem = (ds0, ds1, ds2, ds3)
    gsem = (gs0, gs1, gs2, gs3)
    csem = (cs0, cs1, cs2, cs3)

    pltpu.sync_copy(zeros_h, r0)
    rowbase = sid * rows_per_tile
    for k in range(ncopy):
        sl = pl.ds(rowbase + k * chunk, chunk)
        pltpu.async_copy(r0, acc.at[sl], gs0)
    for k in range(ncopy):
        sl = pl.ds(rowbase + k * chunk, chunk)
        pltpu.make_async_copy(r0, acc.at[sl], gs0).wait()
    plsc.subcore_barrier()

    def _prep(t, j):
        pltpu.async_copy(g4.at[0, wid, j], sb[t], ssem[t])
        pltpu.async_copy(g4.at[1, wid, j], db[t], dsem[t])
        pltpu.make_async_copy(g4.at[0, wid, 0], sb[t], ssem[t]).wait()
        pltpu.async_copy(ys.at[sb[t]], rows[t], gsem[t])

    for b in range(min(3, nch)):
        _prep(b, b)

    def group(gi, carry):
        for b in range(NBUF):
            j = NBUF * gi + b
            s = b
            pltpu.make_async_copy(ys.at[pl.ds(0, chunk)], rows[s],
                                  gsem[s]).wait()
            pltpu.make_async_copy(g4.at[1, wid, 0], db[s], dsem[s]).wait()
            pltpu.async_copy(rows[s], acc.at[db[s]], csem[s], add=True)
            t = (b + 3) % NBUF

            @pl.when(j + 3 < nch)
            def _():
                @pl.when(j >= 1)
                def _():
                    pltpu.make_async_copy(rows[t], acc.at[db[t]],
                                          csem[t]).wait()

                _prep(t, j + 3)

        return carry

    ngroups = (nch - 1) // NBUF
    lax.fori_loop(0, ngroups, group, 0)
    for j in range(ngroups * NBUF, nch):
        s = j % NBUF
        pltpu.make_async_copy(ys.at[pl.ds(0, chunk)], rows[s],
                              gsem[s]).wait()
        pltpu.make_async_copy(g4.at[1, wid, 0], db[s], dsem[s]).wait()
        pltpu.async_copy(rows[s], acc.at[db[s]], csem[s], add=True)
    for j in range(max(nch - NBUF, 0), nch):
        s = j % NBUF
        pltpu.make_async_copy(rows[s], acc.at[db[s]], csem[s]).wait()
    plsc.subcore_barrier()

    for k in range(ncopy):
        b = k % 2
        sl = pl.ds(rowbase + k * chunk, chunk)
        if k >= 2:
            slp = pl.ds(rowbase + (k - 2) * chunk, chunk)
            pltpu.make_async_copy(rows[b], out.at[cid, slp],
                                  gsem[b]).wait()
        pltpu.sync_copy(acc.at[sl], rows[b])
        pltpu.async_copy(rows[b], out.at[cid, sl], gsem[b])
    for k in range(max(ncopy - 2, 0), ncopy):
        b = k % 2
        sl = pl.ds(rowbase + k * chunk, chunk)
        pltpu.make_async_copy(rows[b], out.at[cid, sl], gsem[b]).wait()


def _mm_body(x_ref, w_ref, o_ref):
    o_ref[...] = jnp.dot(x_ref[...], w_ref[...],
                         preferred_element_type=jnp.float32)


def _scale_body(z_ref, deg_ref, o_ref):
    norm = lax.rsqrt(jnp.maximum(deg_ref[:, 0:1], 1.0))
    o_ref[...] = z_ref[...] * norm


def _fin_body(a0_ref, a1_ref, deg_ref, b_ref, o_ref):
    norm = lax.rsqrt(jnp.maximum(deg_ref[:, 1:2], 1.0))
    s = (a0_ref[0] + a1_ref[0]) * norm + b_ref[...]
    o_ref[...] = jnp.maximum(s, 0.0)


def kernel(g, features, W, b):
    n, d = features.shape
    e = g.shape[1]
    d_out = W.shape[1]

    chunk = 80
    assert e % (NW * chunk) == 0
    nch = e // (NW * chunk)
    npad = ((n + NS * 128 - 1) // (NS * 128)) * (NS * 128)
    deg_pt = npad // NS
    assert (npad // NS) % chunk == 0

    g32 = g.astype(jnp.int32)
    g4 = g32.reshape(2, NW, nch, chunk)

    mesh = plsc.VectorSubcoreMesh(core_axis_name="c", subcore_axis_name="s",
                                  num_cores=NC, num_subcores=NS)

    deg_fn = functools.partial(
        pl.kernel,
        out_type=jax.ShapeDtypeStruct((NC * 2 * npad,), jnp.float32),
        mesh=mesh,
        scratch_types=[
            pltpu.VMEM((nch, chunk), jnp.int32),
            pltpu.VMEM((nch, chunk), jnp.int32),
            pltpu.VMEM((chunk,), jnp.float32),
            pltpu.VMEM((deg_pt,), jnp.float32),
            pltpu.VMEM((deg_pt,), jnp.float32),
            pltpu.VMEM_SHARED((npad,), jnp.float32),
            pltpu.VMEM_SHARED((npad,), jnp.float32),
            pltpu.SemaphoreType.DMA,
            pltpu.SemaphoreType.DMA,
        ],
    )(_deg_body)
    degp = deg_fn(g4,
                  jnp.ones((chunk,), jnp.float32),
                  jnp.zeros((deg_pt,), jnp.float32))
    deg2t = degp.reshape(2, 2, npad).sum(axis=0).T

    blk = 2000
    grid = (n // blk,)
    z = pl.pallas_call(
        _mm_body,
        grid=grid,
        in_specs=[
            pl.BlockSpec((blk, d), lambda i: (i, 0)),
            pl.BlockSpec((d, d_out), lambda i: (0, 0)),
        ],
        out_specs=pl.BlockSpec((blk, d_out), lambda i: (i, 0)),
        out_shape=jax.ShapeDtypeStruct((n, d_out), jnp.float32),
    )(features, W)

    ys = pl.pallas_call(
        _scale_body,
        grid=grid,
        in_specs=[
            pl.BlockSpec((blk, d_out), lambda i: (i, 0)),
            pl.BlockSpec((blk, 2), lambda i: (i, 0)),
        ],
        out_specs=pl.BlockSpec((blk, d_out), lambda i: (i, 0)),
        out_shape=jax.ShapeDtypeStruct((n, d_out), jnp.float32),
    )(z, deg2t)

    agg_fn = functools.partial(
        pl.kernel,
        out_type=jax.ShapeDtypeStruct((NC, npad, d_out), jnp.float32),
        mesh=mesh,
        scratch_types=(
            [pltpu.VMEM((chunk,), jnp.int32) for _ in range(2 * NBUF)]
            + [pltpu.VMEM((chunk, d_out), jnp.float32) for _ in range(NBUF)]
            + [pltpu.VMEM_SHARED((npad, d_out), jnp.float32)]
            + [pltpu.SemaphoreType.DMA for _ in range(4 * NBUF)]
        ),
    )(_agg_body)
    parts = agg_fn(ys, g4,
                   jnp.zeros((chunk, d_out), jnp.float32))

    out = pl.pallas_call(
        _fin_body,
        grid=grid,
        in_specs=[
            pl.BlockSpec((1, blk, d_out), lambda i: (0, i, 0)),
            pl.BlockSpec((1, blk, d_out), lambda i: (1, i, 0)),
            pl.BlockSpec((blk, 2), lambda i: (i, 0)),
            pl.BlockSpec((1, d_out), lambda i: (0, 0)),
        ],
        out_specs=pl.BlockSpec((blk, d_out), lambda i: (i, 0)),
        out_shape=jax.ShapeDtypeStruct((n, d_out), jnp.float32),
    )(parts, parts, deg2t, b.reshape(1, d_out))

    return (g, out)

# --- scband reference (transcript-rebuilt; emitter-appended) ---
"""Pipeline reference for scband-gcn-5317169512671 (READ-ONLY COPY).

The authoritative reference and input builder live on the scoring server;
editing this copy changes nothing except your own understanding.
"""

import jax, jax.numpy as jnp
import numpy as np


def setup_inputs(seed: int = 0) -> dict:
    key = jax.random.key(seed)
    k1, k2, k3 = jax.random.split(key, 3)
    N, E, D_IN, D_OUT = 10000, 320000, 128, 128
    features = jax.random.normal(k1, (N, D_IN), dtype=jnp.float32)
    g = jax.random.randint(k2, (2, E), 0, N, dtype=jnp.int32).astype(jnp.int64)
    W = jax.random.normal(k3, (D_IN, D_OUT), dtype=jnp.float32) * 0.05
    b = jnp.zeros((D_OUT,), dtype=jnp.float32)
    return {"g": g, "features": features, "W": W, "b": b}


def reference(g, features, W, b):
    # GCN layer with symmetric ('both') normalization, like DGL GraphConv:
    # h = ReLU( D_dst^{-1/2} * A * D_src^{-1/2} * X * W + b )
    src = g[0]
    dst = g[1]
    N = features.shape[0]
    ones = jnp.ones(src.shape[0], dtype=jnp.float32)
    deg_out = jnp.zeros((N,), dtype=jnp.float32).at[src].add(ones)
    deg_in = jnp.zeros((N,), dtype=jnp.float32).at[dst].add(ones)
    norm_src = jax.lax.rsqrt(jnp.clip(deg_out, 1.0, None))
    norm_dst = jax.lax.rsqrt(jnp.clip(deg_in, 1.0, None))
    h = features * norm_src[:, None]
    msg = jnp.take(h, src, axis=0)
    agg = jnp.zeros((N, features.shape[1]), dtype=jnp.float32).at[dst].add(msg)
    agg = agg * norm_dst[:, None]
    out = agg @ W + b
    out = jax.nn.relu(out)
    return (g, out)

if __name__ == "__main__":
    import jax
    _d = setup_inputs()
    print(jax.jit(kernel)(*tuple(_d.values())))

</pallas_src>

<mosaic_0001>
#map = affine_map<(d0, d1) -> (0, 0, 0, 0)>
#map1 = affine_map<(d0, d1) -> (0)>
module attributes {stable_mosaic.version = 14 : i64} {
  func.func @_deg_body(%arg0: i32, %arg1: i32, %arg2: memref<2x32x125x80xi32, #tpu.memory_space<hbm>>, %arg3: memref<80xf32, #tpu.memory_space<hbm>>, %arg4: memref<640xf32, #tpu.memory_space<hbm>>, %arg5: memref<40960xf32, #tpu.memory_space<hbm>>, %arg6: memref<125x80xi32, #tpu.memory_space<vmem>>, %arg7: memref<125x80xi32, #tpu.memory_space<vmem>>, %arg8: memref<80xf32, #tpu.memory_space<vmem>>, %arg9: memref<640xf32, #tpu.memory_space<vmem>>, %arg10: memref<640xf32, #tpu.memory_space<vmem>>, %arg11: memref<10240xf32, #tpu.memory_space<vmem_shared>>, %arg12: memref<10240xf32, #tpu.memory_space<vmem_shared>>, %arg13: memref<!tpu.dma_semaphore, #tpu.memory_space<semaphore_mem>>, %arg14: memref<!tpu.dma_semaphore, #tpu.memory_space<semaphore_mem>>) attributes {dimension_semantics = [#tpu.dimension_semantics<core_parallel>, #tpu.dimension_semantics<subcore_parallel>], iteration_bounds = array<i64: 2, 16>, scalar_prefetch = 0 : i64, scratch_operands = 9 : i64, tpu.core_type = #tpu.core_type<sc_vector_subcore>, window_params = [{transform_indices = #map}, {transform_indices = #map1}, {transform_indices = #map1}, {transform_indices = #map1}]} {
    %mul3A = arith.constant 16 : i32
    %mul3A_0 = arith.muli %arg0, %mul3A : i32
    %add3A = arith.addi %mul3A_0, %arg1 : i32
    %run_scoped3A = arith.constant 0 : i32
    "tpu.region"() ({
      %run_scoped3A_28 = tpu.sem_alloc : memref<!tpu.dma_semaphore, #tpu.memory_space<semaphore_mem>>
      %dma_start3A = arith.constant 0 : i32
      %dma_start3A_29 = arith.constant 0 : i32
      %dma_start3A_30 = tpu.memref_slice %arg2[%run_scoped3A, %add3A, %dma_start3A, %dma_start3A_29] : memref<2x32x125x80xi32, #tpu.memory_space<hbm>> -> memref<1x1x125x80xi32, #tpu.memory_space<hbm>>
      %dma_start3A_31 = tpu.memref_squeeze %dma_start3A_30 : memref<1x1x125x80xi32, #tpu.memory_space<hbm>> -> memref<125x80xi32, #tpu.memory_space<hbm>>
      %dma_start3A_32 = arith.constant 0 : i32
      %dma_start3A_33 = arith.constant 0 : i32
      %dma_start3A_34 = tpu.memref_slice %arg2[%run_scoped3A, %add3A, %dma_start3A_32, %dma_start3A_33] : memref<2x32x125x80xi32, #tpu.memory_space<hbm>> -> memref<1x1x125x80xi32, #tpu.memory_space<hbm>>
      %dma_start3A_35 = tpu.memref_squeeze %dma_start3A_34 : memref<1x1x125x80xi32, #tpu.memory_space<hbm>> -> memref<125x80xi32, #tpu.memory_space<hbm>>
      tpu.enqueue_dma source(%dma_start3A_35 : memref<125x80xi32, #tpu.memory_space<hbm>>) target(%arg6 : memref<125x80xi32, #tpu.memory_space<vmem>>) target_semaphore(%run_scoped3A_28 : memref<!tpu.dma_semaphore, #tpu.memory_space<semaphore_mem>>)
      %dma_wait3A = arith.constant 0 : i32
      %dma_wait3A_36 = arith.constant 0 : i32
      %dma_wait3A_37 = tpu.memref_slice %arg2[%run_scoped3A, %add3A, %dma_wait3A, %dma_wait3A_36] : memref<2x32x125x80xi32, #tpu.memory_space<hbm>> -> memref<1x1x125x80xi32, #tpu.memory_space<hbm>>
      %dma_wait3A_38 = tpu.memref_squeeze %dma_wait3A_37 : memref<1x1x125x80xi32, #tpu.memory_space<hbm>> -> memref<125x80xi32, #tpu.memory_space<hbm>>
      %dma_wait3A_39 = arith.constant 0 : i32
      %dma_wait3A_40 = arith.constant 0 : i32
      %dma_wait3A_41 = tpu.memref_slice %arg2[%run_scoped3A, %add3A, %dma_wait3A_39, %dma_wait3A_40] : memref<2x32x125x80xi32, #tpu.memory_space<hbm>> -> memref<1x1x125x80xi32, #tpu.memory_space<hbm>>
      %dma_wait3A_42 = tpu.memref_squeeze %dma_wait3A_41 : memref<1x1x125x80xi32, #tpu.memory_space<hbm>> -> memref<125x80xi32, #tpu.memory_space<hbm>>
      tpu.wait_dma2 semaphore(%run_scoped3A_28 : memref<!tpu.dma_semaphore, #tpu.memory_space<semaphore_mem>>) src(%dma_wait3A_42 : memref<125x80xi32, #tpu.memory_space<hbm>>) dst(%arg6 : memref<125x80xi32, #tpu.memory_space<vmem>>)
      tpu.yield
    }) : () -> ()
    %run_scoped3A_1 = arith.constant 1 : i32
    "tpu.region"() ({
      %run_scoped3A_28 = tpu.sem_alloc : memref<!tpu.dma_semaphore, #tpu.memory_space<semaphore_mem>>
      %dma_start3A = arith.constant 0 : i32
      %dma_start3A_29 = arith.constant 0 : i32
      %dma_start3A_30 = tpu.memref_slice %arg2[%run_scoped3A_1, %add3A, %dma_start3A, %dma_start3A_29] : memref<2x32x125x80xi32, #tpu.memory_space<hbm>> -> memref<1x1x125x80xi32, #tpu.memory_space<hbm>>
      %dma_start3A_31 = tpu.memref_squeeze %dma_start3A_30 : memref<1x1x125x80xi32, #tpu.memory_space<hbm>> -> memref<125x80xi32, #tpu.memory_space<hbm>>
      %dma_start3A_32 = arith.constant 0 : i32
      %dma_start3A_33 = arith.constant 0 : i32
      %dma_start3A_34 = tpu.memref_slice %arg2[%run_scoped3A_1, %add3A, %dma_start3A_32, %dma_start3A_33] : memref<2x32x125x80xi32, #tpu.memory_space<hbm>> -> memref<1x1x125x80xi32, #tpu.memory_space<hbm>>
      %dma_start3A_35 = tpu.memref_squeeze %dma_start3A_34 : memref<1x1x125x80xi32, #tpu.memory_space<hbm>> -> memref<125x80xi32, #tpu.memory_space<hbm>>
      tpu.enqueue_dma source(%dma_start3A_35 : memref<125x80xi32, #tpu.memory_space<hbm>>) target(%arg7 : memref<125x80xi32, #tpu.memory_space<vmem>>) target_semaphore(%run_scoped3A_28 : memref<!tpu.dma_semaphore, #tpu.memory_space<semaphore_mem>>)
      %dma_wait3A = arith.constant 0 : i32
      %dma_wait3A_36 = arith.constant 0 : i32
      %dma_wait3A_37 = tpu.memref_slice %arg2[%run_scoped3A_1, %add3A, %dma_wait3A, %dma_wait3A_36] : memref<2x32x125x80xi32, #tpu.memory_space<hbm>> -> memref<1x1x125x80xi32, #tpu.memory_space<hbm>>
      %dma_wait3A_38 = tpu.memref_squeeze %dma_wait3A_37 : memref<1x1x125x80xi32, #tpu.memory_space<hbm>> -> memref<125x80xi32, #tpu.memory_space<hbm>>
      %dma_wait3A_39 = arith.constant 0 : i32
      %dma_wait3A_40 = arith.constant 0 : i32
      %dma_wait3A_41 = tpu.memref_slice %arg2[%run_scoped3A_1, %add3A, %dma_wait3A_39, %dma_wait3A_40] : memref<2x32x125x80xi32, #tpu.memory_space<hbm>> -> memref<1x1x125x80xi32, #tpu.memory_space<hbm>>
      %dma_wait3A_42 = tpu.memref_squeeze %dma_wait3A_41 : memref<1x1x125x80xi32, #tpu.memory_space<hbm>> -> memref<125x80xi32, #tpu.memory_space<hbm>>
      tpu.wait_dma2 semaphore(%run_scoped3A_28 : memref<!tpu.dma_semaphore, #tpu.memory_space<semaphore_mem>>) src(%dma_wait3A_42 : memref<125x80xi32, #tpu.memory_space<hbm>>) dst(%arg7 : memref<125x80xi32, #tpu.memory_space<vmem>>)
      tpu.yield
    }) : () -> ()
    "tpu.region"() ({
      %run_scoped3A_28 = tpu.sem_alloc : memref<!tpu.dma_semaphore, #tpu.memory_space<semaphore_mem>>
      tpu.enqueue_dma source(%arg3 : memref<80xf32, #tpu.memory_space<hbm>>) target(%arg8 : memref<80xf32, #tpu.memory_space<vmem>>) target_semaphore(%run_scoped3A_28 : memref<!tpu.dma_semaphore, #tpu.memory_space<semaphore_mem>>)
      tpu.wait_dma2 semaphore(%run_scoped3A_28 : memref<!tpu.dma_semaphore, #tpu.memory_space<semaphore_mem>>) src(%arg3 : memref<80xf32, #tpu.memory_space<hbm>>) dst(%arg8 : memref<80xf32, #tpu.memory_space<vmem>>)
      tpu.yield
    }) : () -> ()
    "tpu.region"() ({
      %run_scoped3A_28 = tpu.sem_alloc : memref<!tpu.dma_semaphore, #tpu.memory_space<semaphore_mem>>
      tpu.enqueue_dma source(%arg4 : memref<640xf32, #tpu.memory_space<hbm>>) target(%arg9 : memref<640xf32, #tpu.memory_space<vmem>>) target_semaphore(%run_scoped3A_28 : memref<!tpu.dma_semaphore, #tpu.memory_space<semaphore_mem>>)
      tpu.wait_dma2 semaphore(%run_scoped3A_28 : memref<!tpu.dma_semaphore, #tpu.memory_space<semaphore_mem>>) src(%arg4 : memref<640xf32, #tpu.memory_space<hbm>>) dst(%arg9 : memref<640xf32, #tpu.memory_space<vmem>>)
      tpu.yield
    }) : () -> ()
    %mul3A_2 = arith.constant 640 : i32
    %mul3A_3 = arith.muli %arg1, %mul3A_2 : i32
    "tpu.region"() ({
      %run_scoped3A_28 = tpu.sem_alloc : memref<!tpu.dma_semaphore, #tpu.memory_space<semaphore_mem>>
      %dma_start3A = tpu.memref_slice %arg11[%mul3A_3] : memref<10240xf32, #tpu.memory_space<vmem_shared>> -> memref<640xf32, #tpu.memory_space<vmem_shared>>
      %dma_start3A_29 = tpu.memref_slice %arg11[%mul3A_3] : memref<10240xf32, #tpu.memory_space<vmem_shared>> -> memref<640xf32, #tpu.memory_space<vmem_shared>>
      tpu.enqueue_dma source(%arg9 : memref<640xf32, #tpu.memory_space<vmem>>) target(%dma_start3A_29 : memref<640xf32, #tpu.memory_space<vmem_shared>>) target_semaphore(%run_scoped3A_28 : memref<!tpu.dma_semaphore, #tpu.memory_space<semaphore_mem>>)
      %dma_wait3A = tpu.memref_slice %arg11[%mul3A_3] : memref<10240xf32, #tpu.memory_space<vmem_shared>> -> memref<640xf32, #tpu.memory_space<vmem_shared>>
      %dma_wait3A_30 = tpu.memref_slice %arg11[%mul3A_3] : memref<10240xf32, #tpu.memory_space<vmem_shared>> -> memref<640xf32, #tpu.memory_space<vmem_shared>>
      tpu.wait_dma2 semaphore(%run_scoped3A_28 : memref<!tpu.dma_semaphore, #tpu.memory_space<semaphore_mem>>) src(%arg9 : memref<640xf32, #tpu.memory_space<vmem>>) dst(%dma_wait3A_30 : memref<640xf32, #tpu.memory_space<vmem_shared>>)
      tpu.yield
    }) : () -> ()
    "tpu.region"() ({
      %run_scoped3A_28 = tpu.sem_alloc : memref<!tpu.dma_semaphore, #tpu.memory_space<semaphore_mem>>
      %dma_start3A = tpu.memref_slice %arg12[%mul3A_3] : memref<10240xf32, #tpu.memory_space<vmem_shared>> -> memref<640xf32, #tpu.memory_space<vmem_shared>>
      %dma_start3A_29 = tpu.memref_slice %arg12[%mul3A_3] : memref<10240xf32, #tpu.memory_space<vmem_shared>> -> memref<640xf32, #tpu.memory_space<vmem_shared>>
      tpu.enqueue_dma source(%arg9 : memref<640xf32, #tpu.memory_space<vmem>>) target(%dma_start3A_29 : memref<640xf32, #tpu.memory_space<vmem_shared>>) target_semaphore(%run_scoped3A_28 : memref<!tpu.dma_semaphore, #tpu.memory_space<semaphore_mem>>)
      %dma_wait3A = tpu.memref_slice %arg12[%mul3A_3] : memref<10240xf32, #tpu.memory_space<vmem_shared>> -> memref<640xf32, #tpu.memory_space<vmem_shared>>
      %dma_wait3A_30 = tpu.memref_slice %arg12[%mul3A_3] : memref<10240xf32, #tpu.memory_space<vmem_shared>> -> memref<640xf32, #tpu.memory_space<vmem_shared>>
      tpu.wait_dma2 semaphore(%run_scoped3A_28 : memref<!tpu.dma_semaphore, #tpu.memory_space<semaphore_mem>>) src(%arg9 : memref<640xf32, #tpu.memory_space<vmem>>) dst(%dma_wait3A_30 : memref<640xf32, #tpu.memory_space<vmem_shared>>)
      tpu.yield
    }) : () -> ()
    %barrier3A = arith.constant 0 : index
    tpu.barrier barrier_id(%barrier3A)
    %scan3A = arith.constant 0 : i32
    %scan3A_4 = arith.constant 0 : i32
    %scan3A_5 = arith.constant 25 : i32
    %scan3A_6 = arith.addi %scan3A_4, %scan3A_5 : i32
    %scan3A_7 = arith.constant 1 : i32
    scf.for %scan3A_28 = %scan3A_4 to %scan3A_6 step %scan3A_7  : i32 {
      %mul3A_29 = arith.constant 5 : i32
      %mul3A_30 = arith.muli %scan3A_28, %mul3A_29 : i32
      %add3A_31 = arith.constant 0 : i32
      %add3A_32 = arith.addi %mul3A_30, %add3A_31 : i32
      %dma_start3A = arith.constant 0 : i32
      %dma_start3A_33 = tpu.memref_slice %arg6[%add3A_32, %dma_start3A] : memref<125x80xi32, #tpu.memory_space<vmem>> -> memref<1x80xi32, #tpu.memory_space<vmem>>
      %dma_start3A_34 = tpu.memref_squeeze %dma_start3A_33 : memref<1x80xi32, #tpu.memory_space<vmem>> -> memref<80xi32, #tpu.memory_space<vmem>>
      %dma_start3A_35 = arith.constant 0 : i32
      %dma_start3A_36 = tpu.memref_slice %arg11[%dma_start3A_35] : memref<10240xf32, #tpu.memory_space<vmem_shared>> -> memref<10240xf32, #tpu.memory_space<vmem_shared>>
      tpu.enqueue_indirect_dma source(%arg8 : memref<80xf32, #tpu.memory_space<vmem>>) target(%dma_start3A_36 : memref<10240xf32, #tpu.memory_space<vmem_shared>>) offsets(%dma_start3A_34 : memref<80xi32, #tpu.memory_space<vmem>>) semaphore(%arg13 : memref<!tpu.dma_semaphore, #tpu.memory_space<semaphore_mem>>) {add = true}
      %dma_start3A_37 = arith.constant 0 : i32
      %dma_start3A_38 = tpu.memref_slice %arg7[%add3A_32, %dma_start3A_37] : memref<125x80xi32, #tpu.memory_space<vmem>> -> memref<1x80xi32, #tpu.memory_space<vmem>>
      %dma_start3A_39 = tpu.memref_squeeze %dma_start3A_38 : memref<1x80xi32, #tpu.memory_space<vmem>> -> memref<80xi32, #tpu.memory_space<vmem>>
      %dma_start3A_40 = arith.constant 0 : i32
      %dma_start3A_41 = tpu.memref_slice %arg12[%dma_start3A_40] : memref<10240xf32, #tpu.memory_space<vmem_shared>> -> memref<10240xf32, #tpu.memory_space<vmem_shared>>
      tpu.enqueue_indirect_dma source(%arg8 : memref<80xf32, #tpu.memory_space<vmem>>) target(%dma_start3A_41 : memref<10240xf32, #tpu.memory_space<vmem_shared>>) offsets(%dma_start3A_39 : memref<80xi32, #tpu.memory_space<vmem>>) semaphore(%arg14 : memref<!tpu.dma_semaphore, #tpu.memory_space<semaphore_mem>>) {add = true}
      %mul3A_42 = arith.constant 5 : i32
      %mul3A_43 = arith.muli %scan3A_28, %mul3A_42 : i32
      %add3A_44 = arith.constant 1 : i32
      %add3A_45 = arith.addi %mul3A_43, %add3A_44 : i32
      %dma_start3A_46 = arith.constant 0 : i32
      %dma_start3A_47 = tpu.memref_slice %arg6[%add3A_45, %dma_start3A_46] : memref<125x80xi32, #tpu.memory_space<vmem>> -> memref<1x80xi32, #tpu.memory_space<vmem>>
      %dma_start3A_48 = tpu.memref_squeeze %dma_start3A_47 : memref<1x80xi32, #tpu.memory_space<vmem>> -> memref<80xi32, #tpu.memory_space<vmem>>
      %dma_start3A_49 = arith.constant 0 : i32
      %dma_start3A_50 = tpu.memref_slice %arg11[%dma_start3A_49] : memref<10240xf32, #tpu.memory_space<vmem_shared>> -> memref<10240xf32, #tpu.memory_space<vmem_shared>>
      tpu.enqueue_indirect_dma source(%arg8 : memref<80xf32, #tpu.memory_space<vmem>>) target(%dma_start3A_50 : memref<10240xf32, #tpu.memory_space<vmem_shared>>) offsets(%dma_start3A_48 : memref<80xi32, #tpu.memory_space<vmem>>) semaphore(%arg13 : memref<!tpu.dma_semaphore, #tpu.memory_space<semaphore_mem>>) {add = true}
      %dma_start3A_51 = arith.constant 0 : i32
      %dma_start3A_52 = tpu.memref_slice %arg7[%add3A_45, %dma_start3A_51] : memref<125x80xi32, #tpu.memory_space<vmem>> -> memref<1x80xi32, #tpu.memory_space<vmem>>
      %dma_start3A_53 = tpu.memref_squeeze %dma_start3A_52 : memref<1x80xi32, #tpu.memory_space<vmem>> -> memref<80xi32, #tpu.memory_space<vmem>>
      %dma_start3A_54 = arith.constant 0 : i32
      %dma_start3A_55 = tpu.memref_slice %arg12[%dma_start3A_54] : memref<10240xf32, #tpu.memory_space<vmem_shared>> -> memref<10240xf32, #tpu.memory_space<vmem_shared>>
      tpu.enqueue_indirect_dma source(%arg8 : memref<80xf32, #tpu.memory_space<vmem>>) target(%dma_start3A_55 : memref<10240xf32, #tpu.memory_space<vmem_shared>>) offsets(%dma_start3A_53 : memref<80xi32, #tpu.memory_space<vmem>>) semaphore(%arg14 : memref<!tpu.dma_semaphore, #tpu.memory_space<semaphore_mem>>) {add = true}
      %mul3A_56 = arith.constant 5 : i32
      %mul3A_57 = arith.muli %scan3A_28, %mul3A_56 : i32
      %add3A_58 = arith.constant 2 : i32
      %add3A_59 = arith.addi %mul3A_57, %add3A_58 : i32
      %dma_start3A_60 = arith.constant 0 : i32
      %dma_start3A_61 = tpu.memref_slice %arg6[%add3A_59, %dma_start3A_60] : memref<125x80xi32, #tpu.memory_space<vmem>> -> memref<1x80xi32, #tpu.memory_space<vmem>>
      %dma_start3A_62 = tpu.memref_squeeze %dma_start3A_61 : memref<1x80xi32, #tpu.memory_space<vmem>> -> memref<80xi32, #tpu.memory_space<vmem>>
      %dma_start3A_63 = arith.constant 0 : i32
      %dma_start3A_64 = tpu.memref_slice %arg11[%dma_start3A_63] : memref<10240xf32, #tpu.memory_space<vmem_shared>> -> memref<10240xf32, #tpu.memory_space<vmem_shared>>
      tpu.enqueue_indirect_dma source(%arg8 : memref<80xf32, #tpu.memory_space<vmem>>) target(%dma_start3A_64 : memref<10240xf32, #tpu.memory_space<vmem_shared>>) offsets(%dma_start3A_62 : memref<80xi32, #tpu.memory_space<vmem>>) semaphore(%arg13 : memref<!tpu.dma_semaphore, #tpu.memory_space<semaphore_mem>>) {add = true}
      %dma_start3A_65 = arith.constant 0 : i32
      %dma_start3A_66 = tpu.memref_slice %arg7[%add3A_59, %dma_start3A_65] : memref<125x80xi32, #tpu.memory_space<vmem>> -> memref<1x80xi32, #tpu.memory_space<vmem>>
      %dma_start3A_67 = tpu.memref_squeeze %dma_start3A_66 : memref<1x80xi32, #tpu.memory_space<vmem>> -> memref<80xi32, #tpu.memory_space<vmem>>
      %dma_start3A_68 = arith.constant 0 : i32
      %dma_start3A_69 = tpu.memref_slice %arg12[%dma_start3A_68] : memref<10240xf32, #tpu.memory_space<vmem_shared>> -> memref<10240xf32, #tpu.memory_space<vmem_shared>>
      tpu.enqueue_indirect_dma source(%arg8 : memref<80xf32, #tpu.memory_space<vmem>>) target(%dma_start3A_69 : memref<10240xf32, #tpu.memory_space<vmem_shared>>) offsets(%dma_start3A_67 : memref<80xi32, #tpu.memory_space<vmem>>) semaphore(%arg14 : memref<!tpu.dma_semaphore, #tpu.memory_space<semaphore_mem>>) {add = true}
      %mul3A_70 = arith.constant 5 : i32
      %mul3A_71 = arith.muli %scan3A_28, %mul3A_70 : i32
      %add3A_72 = arith.constant 3 : i32
      %add3A_73 = arith.addi %mul3A_71, %add3A_72 : i32
      %dma_start3A_74 = arith.constant 0 : i32
      %dma_start3A_75 = tpu.memref_slice %arg6[%add3A_73, %dma_start3A_74] : memref<125x80xi32, #tpu.memory_space<vmem>> -> memref<1x80xi32, #tpu.memory_space<vmem>>
      %dma_start3A_76 = tpu.memref_squeeze %dma_start3A_75 : memref<1x80xi32, #tpu.memory_space<vmem>> -> memref<80xi32, #tpu.memory_space<vmem>>
      %dma_start3A_77 = arith.constant 0 : i32
      %dma_start3A_78 = tpu.memref_slice %arg11[%dma_start3A_77] : memref<10240xf32, #tpu.memory_space<vmem_shared>> -> memref<10240xf32, #tpu.memory_space<vmem_shared>>
      tpu.enqueue_indirect_dma source(%arg8 : memref<80xf32, #tpu.memory_space<vmem>>) target(%dma_start3A_78 : memref<10240xf32, #tpu.memory_space<vmem_shared>>) offsets(%dma_start3A_76 : memref<80xi32, #tpu.memory_space<vmem>>) semaphore(%arg13 : memref<!tpu.dma_semaphore, #tpu.memory_space<semaphore_mem>>) {add = true}
      %dma_start3A_79 = arith.constant 0 : i32
      %dma_start3A_80 = tpu.memref_slice %arg7[%add3A_73, %dma_start3A_79] : memref<125x80xi32, #tpu.memory_space<vmem>> -> memref<1x80xi32, #tpu.memory_space<vmem>>
      %dma_start3A_81 = tpu.memref_squeeze %dma_start3A_80 : memref<1x80xi32, #tpu.memory_space<vmem>> -> memref<80xi32, #tpu.memory_space<vmem>>
      %dma_start3A_82 = arith.constant 0 : i32
      %dma_start3A_83 = tpu.memref_slice %arg12[%dma_start3A_82] : memref<10240xf32, #tpu.memory_space<vmem_shared>> -> memref<10240xf32, #tpu.memory_space<vmem_shared>>
      tpu.enqueue_indirect_dma source(%arg8 : memref<80xf32, #tpu.memory_space<vmem>>) target(%dma_start3A_83 : memref<10240xf32, #tpu.memory_space<vmem_shared>>) offsets(%dma_start3A_81 : memref<80xi32, #tpu.memory_space<vmem>>) semaphore(%arg14 : memref<!tpu.dma_semaphore, #tpu.memory_space<semaphore_mem>>) {add = true}
      %mul3A_84 = arith.constant 5 : i32
      %mul3A_85 = arith.muli %scan3A_28, %mul3A_84 : i32
      %add3A_86 = arith.constant 4 : i32
      %add3A_87 = arith.addi %mul3A_85, %add3A_86 : i32
      %dma_start3A_88 = arith.constant 0 : i32
      %dma_start3A_89 = tpu.memref_slice %arg6[%add3A_87, %dma_start3A_88] : memref<125x80xi32, #tpu.memory_space<vmem>> -> memref<1x80xi32, #tpu.memory_space<vmem>>
      %dma_start3A_90 = tpu.memref_squeeze %dma_start3A_89 : memref<1x80xi32, #tpu.memory_space<vmem>> -> memref<80xi32, #tpu.memory_space<vmem>>
      %dma_start3A_91 = arith.constant 0 : i32
      %dma_start3A_92 = tpu.memref_slice %arg11[%dma_start3A_91] : memref<10240xf32, #tpu.memory_space<vmem_shared>> -> memref<10240xf32, #tpu.memory_space<vmem_shared>>
      tpu.enqueue_indirect_dma source(%arg8 : memref<80xf32, #tpu.memory_space<vmem>>) target(%dma_start3A_92 : memref<10240xf32, #tpu.memory_space<vmem_shared>>) offsets(%dma_start3A_90 : memref<80xi32, #tpu.memory_space<vmem>>) semaphore(%arg13 : memref<!tpu.dma_semaphore, #tpu.memory_space<semaphore_mem>>) {add = true}
      %dma_start3A_93 = arith.constant 0 : i32
      %dma_start3A_94 = tpu.memref_slice %arg7[%add3A_87, %dma_start3A_93] : memref<125x80xi32, #tpu.memory_space<vmem>> -> memref<1x80xi32, #tpu.memory_space<vmem>>
      %dma_start3A_95 = tpu.memref_squeeze %dma_start3A_94 : memref<1x80xi32, #tpu.memory_space<vmem>> -> memref<80xi32, #tpu.memory_space<vmem>>
      %dma_start3A_96 = arith.constant 0 : i32
      %dma_start3A_97 = tpu.memref_slice %arg12[%dma_start3A_96] : memref<10240xf32, #tpu.memory_space<vmem_shared>> -> memref<10240xf32, #tpu.memory_space<vmem_shared>>
      tpu.enqueue_indirect_dma source(%arg8 : memref<80xf32, #tpu.memory_space<vmem>>) target(%dma_start3A_97 : memref<10240xf32, #tpu.memory_space<vmem_shared>>) offsets(%dma_start3A_95 : memref<80xi32, #tpu.memory_space<vmem>>) semaphore(%arg14 : memref<!tpu.dma_semaphore, #tpu.memory_space<semaphore_mem>>) {add = true}
      %ge3A = arith.constant 8 : i32
      %ge3A_98 = arith.cmpi sge, %scan3A_28, %ge3A : i32
      %convert_element_type3A = arith.extui %ge3A_98 : i1 to i32
      %cond3A = arith.constant 0 : i32
      %cond3A_99 = arith.cmpi ne, %convert_element_type3A, %cond3A : i32
      scf.if %cond3A_99 {
        %dma_wait3A = arith.constant 0 : i32
        %dma_wait3A_100 = arith.constant 0 : i32
        %dma_wait3A_101 = tpu.memref_slice %arg6[%dma_wait3A, %dma_wait3A_100] : memref<125x80xi32, #tpu.memory_space<vmem>> -> memref<1x80xi32, #tpu.memory_space<vmem>>
        %dma_wait3A_102 = tpu.memref_squeeze %dma_wait3A_101 : memref<1x80xi32, #tpu.memory_space<vmem>> -> memref<80xi32, #tpu.memory_space<vmem>>
        %dma_wait3A_103 = arith.constant 0 : i32
        %dma_wait3A_104 = tpu.memref_slice %arg11[%dma_wait3A_103] : memref<10240xf32, #tpu.memory_space<vmem_shared>> -> memref<10240xf32, #tpu.memory_space<vmem_shared>>
        tpu.wait_indirect_dma semaphore(%arg13 : memref<!tpu.dma_semaphore, #tpu.memory_space<semaphore_mem>>) src(%arg8 : memref<80xf32, #tpu.memory_space<vmem>>) dst(%dma_wait3A_104 : memref<10240xf32, #tpu.memory_space<vmem_shared>>)
        %dma_wait3A_105 = arith.constant 0 : i32
        %dma_wait3A_106 = arith.constant 0 : i32
        %dma_wait3A_107 = tpu.memref_slice %arg7[%dma_wait3A_105, %dma_wait3A_106] : memref<125x80xi32, #tpu.memory_space<vmem>> -> memref<1x80xi32, #tpu.memory_space<vmem>>
        %dma_wait3A_108 = tpu.memref_squeeze %dma_wait3A_107 : memref<1x80xi32, #tpu.memory_space<vmem>> -> memref<80xi32, #tpu.memory_space<vmem>>
        %dma_wait3A_109 = arith.constant 0 : i32
        %dma_wait3A_110 = tpu.memref_slice %arg12[%dma_wait3A_109] : memref<10240xf32, #tpu.memory_space<vmem_shared>> -> memref<10240xf32, #tpu.memory_space<vmem_shared>>
        tpu.wait_indirect_dma semaphore(%arg14 : memref<!tpu.dma_semaphore, #tpu.memory_space<semaphore_mem>>) src(%arg8 : memref<80xf32, #tpu.memory_space<vmem>>) dst(%dma_wait3A_110 : memref<10240xf32, #tpu.memory_space<vmem_shared>>)
        %dma_wait3A_111 = arith.constant 0 : i32
        %dma_wait3A_112 = arith.constant 0 : i32
        %dma_wait3A_113 = tpu.memref_slice %arg6[%dma_wait3A_111, %dma_wait3A_112] : memref<125x80xi32, #tpu.memory_space<vmem>> -> memref<1x80xi32, #tpu.memory_space<vmem>>
        %dma_wait3A_114 = tpu.memref_squeeze %dma_wait3A_113 : memref<1x80xi32, #tpu.memory_space<vmem>> -> memref<80xi32, #tpu.memory_space<vmem>>
        %dma_wait3A_115 = arith.constant 0 : i32
        %dma_wait3A_116 = tpu.memref_slice %arg11[%dma_wait3A_115] : memref<10240xf32, #tpu.memory_space<vmem_shared>> -> memref<10240xf32, #tpu.memory_space<vmem_shared>>
        tpu.wait_indirect_dma semaphore(%arg13 : memref<!tpu.dma_semaphore, #tpu.memory_space<semaphore_mem>>) src(%arg8 : memref<80xf32, #tpu.memory_space<vmem>>) dst(%dma_wait3A_116 : memref<10240xf32, #tpu.memory_space<vmem_shared>>)
        %dma_wait3A_117 = arith.constant 0 : i32
        %dma_wait3A_118 = arith.constant 0 : i32
        %dma_wait3A_119 = tpu.memref_slice %arg7[%dma_wait3A_117, %dma_wait3A_118] : memref<125x80xi32, #tpu.memory_space<vmem>> -> memref<1x80xi32, #tpu.memory_space<vmem>>
        %dma_wait3A_120 = tpu.memref_squeeze %dma_wait3A_119 : memref<1x80xi32, #tpu.memory_space<vmem>> -> memref<80xi32, #tpu.memory_space<vmem>>
        %dma_wait3A_121 = arith.constant 0 : i32
        %dma_wait3A_122 = tpu.memref_slice %arg12[%dma_wait3A_121] : memref<10240xf32, #tpu.memory_space<vmem_shared>> -> memref<10240xf32, #tpu.memory_space<vmem_shared>>
        tpu.wait_indirect_dma semaphore(%arg14 : memref<!tpu.dma_semaphore, #tpu.memory_space<semaphore_mem>>) src(%arg8 : memref<80xf32, #tpu.memory_space<vmem>>) dst(%dma_wait3A_122 : memref<10240xf32, #tpu.memory_space<vmem_shared>>)
        %dma_wait3A_123 = arith.constant 0 : i32
        %dma_wait3A_124 = arith.constant 0 : i32
        %dma_wait3A_125 = tpu.memref_slice %arg6[%dma_wait3A_123, %dma_wait3A_124] : memref<125x80xi32, #tpu.memory_space<vmem>> -> memref<1x80xi32, #tpu.memory_space<vmem>>
        %dma_wait3A_126 = tpu.memref_squeeze %dma_wait3A_125 : memref<1x80xi32, #tpu.memory_space<vmem>> -> memref<80xi32, #tpu.memory_space<vmem>>
        %dma_wait3A_127 = arith.constant 0 : i32
        %dma_wait3A_128 = tpu.memref_slice %arg11[%dma_wait3A_127] : memref<10240xf32, #tpu.memory_space<vmem_shared>> -> memref<10240xf32, #tpu.memory_space<vmem_shared>>
        tpu.wait_indirect_dma semaphore(%arg13 : memref<!tpu.dma_semaphore, #tpu.memory_space<semaphore_mem>>) src(%arg8 : memref<80xf32, #tpu.memory_space<vmem>>) dst(%dma_wait3A_128 : memref<10240xf32, #tpu.memory_space<vmem_shared>>)
        %dma_wait3A_129 = arith.constant 0 : i32
        %dma_wait3A_130 = arith.constant 0 : i32
        %dma_wait3A_131 = tpu.memref_slice %arg7[%dma_wait3A_129, %dma_wait3A_130] : memref<125x80xi32, #tpu.memory_space<vmem>> -> memref<1x80xi32, #tpu.memory_space<vmem>>
        %dma_wait3A_132 = tpu.memref_squeeze %dma_wait3A_131 : memref<1x80xi32, #tpu.memory_space<vmem>> -> memref<80xi32, #tpu.memory_space<vmem>>
        %dma_wait3A_133 = arith.constant 0 : i32
        %dma_wait3A_134 = tpu.memref_slice %arg12[%dma_wait3A_133] : memref<10240xf32, #tpu.memory_space<vmem_shared>> -> memref<10240xf32, #tpu.memory_space<vmem_shared>>
        tpu.wait_indirect_dma semaphore(%arg14 : memref<!tpu.dma_semaphore, #tpu.memory_space<semaphore_mem>>) src(%arg8 : memref<80xf32, #tpu.memory_space<vmem>>) dst(%dma_wait3A_134 : memref<10240xf32, #tpu.memory_space<vmem_shared>>)
        %dma_wait3A_135 = arith.constant 0 : i32
        %dma_wait3A_136 = arith.constant 0 : i32
        %dma_wait3A_137 = tpu.memref_slice %arg6[%dma_wait3A_135, %dma_wait3A_136] : memref<125x80xi32, #tpu.memory_space<vmem>> -> memref<1x80xi32, #tpu.memory_space<vmem>>
        %dma_wait3A_138 = tpu.memref_squeeze %dma_wait3A_137 : memref<1x80xi32, #tpu.memory_space<vmem>> -> memref<80xi32, #tpu.memory_space<vmem>>
        %dma_wait3A_139 = arith.constant 0 : i32
        %dma_wait3A_140 = tpu.memref_slice %arg11[%dma_wait3A_139] : memref<10240xf32, #tpu.memory_space<vmem_shared>> -> memref<10240xf32, #tpu.memory_space<vmem_shared>>
        tpu.wait_indirect_dma semaphore(%arg13 : memref<!tpu.dma_semaphore, #tpu.memory_space<semaphore_mem>>) src(%arg8 : memref<80xf32, #tpu.memory_space<vmem>>) dst(%dma_wait3A_140 : memref<10240xf32, #tpu.memory_space<vmem_shared>>)
        %dma_wait3A_141 = arith.constant 0 : i32
        %dma_wait3A_142 = arith.constant 0 : i32
        %dma_wait3A_143 = tpu.memref_slice %arg7[%dma_wait3A_141, %dma_wait3A_142] : memref<125x80xi32, #tpu.memory_space<vmem>> -> memref<1x80xi32, #tpu.memory_space<vmem>>
        %dma_wait3A_144 = tpu.memref_squeeze %dma_wait3A_143 : memref<1x80xi32, #tpu.memory_space<vmem>> -> memref<80xi32, #tpu.memory_space<vmem>>
        %dma_wait3A_145 = arith.constant 0 : i32
        %dma_wait3A_146 = tpu.memref_slice %arg12[%dma_wait3A_145] : memref<10240xf32, #tpu.memory_space<vmem_shared>> -> memref<10240xf32, #tpu.memory_space<vmem_shared>>
        tpu.wait_indirect_dma semaphore(%arg14 : memref<!tpu.dma_semaphore, #tpu.memory_space<semaphore_mem>>) src(%arg8 : memref<80xf32, #tpu.memory_space<vmem>>) dst(%dma_wait3A_146 : memref<10240xf32, #tpu.memory_space<vmem_shared>>)
        %dma_wait3A_147 = arith.constant 0 : i32
        %dma_wait3A_148 = arith.constant 0 : i32
        %dma_wait3A_149 = tpu.memref_slice %arg6[%dma_wait3A_147, %dma_wait3A_148] : memref<125x80xi32, #tpu.memory_space<vmem>> -> memref<1x80xi32, #tpu.memory_space<vmem>>
        %dma_wait3A_150 = tpu.memref_squeeze %dma_wait3A_149 : memref<1x80xi32, #tpu.memory_space<vmem>> -> memref<80xi32, #tpu.memory_space<vmem>>
        %dma_wait3A_151 = arith.constant 0 : i32
        %dma_wait3A_152 = tpu.memref_slice %arg11[%dma_wait3A_151] : memref<10240xf32, #tpu.memory_space<vmem_shared>> -> memref<10240xf32, #tpu.memory_space<vmem_shared>>
        tpu.wait_indirect_dma semaphore(%arg13 : memref<!tpu.dma_semaphore, #tpu.memory_space<semaphore_mem>>) src(%arg8 : memref<80xf32, #tpu.memory_space<vmem>>) dst(%dma_wait3A_152 : memref<10240xf32, #tpu.memory_space<vmem_shared>>)
        %dma_wait3A_153 = arith.constant 0 : i32
        %dma_wait3A_154 = arith.constant 0 : i32
        %dma_wait3A_155 = tpu.memref_slice %arg7[%dma_wait3A_153, %dma_wait3A_154] : memref<125x80xi32, #tpu.memory_space<vmem>> -> memref<1x80xi32, #tpu.memory_space<vmem>>
        %dma_wait3A_156 = tpu.memref_squeeze %dma_wait3A_155 : memref<1x80xi32, #tpu.memory_space<vmem>> -> memref<80xi32, #tpu.memory_space<vmem>>
        %dma_wait3A_157 = arith.constant 0 : i32
        %dma_wait3A_158 = tpu.memref_slice %arg12[%dma_wait3A_157] : memref<10240xf32, #tpu.memory_space<vmem_shared>> -> memref<10240xf32, #tpu.memory_space<vmem_shared>>
        tpu.wait_indirect_dma semaphore(%arg14 : memref<!tpu.dma_semaphore, #tpu.memory_space<semaphore_mem>>) src(%arg8 : memref<80xf32, #tpu.memory_space<vmem>>) dst(%dma_wait3A_158 : memref<10240xf32, #tpu.memory_space<vmem_shared>>)
      } else {
      }
    }
    %scan3A_8 = arith.constant 25 : i32
    %scan3A_9 = arith.constant 0 : i32
    %scan3A_10 = arith.constant 0 : i32
    %scan3A_11 = arith.constant 8 : i32
    %scan3A_12 = arith.addi %scan3A_10, %scan3A_11 : i32
    %scan3A_13 = arith.constant 1 : i32
    scf.for %scan3A_28 = %scan3A_10 to %scan3A_12 step %scan3A_13  : i32 {
      %dma_wait3A = arith.constant 0 : i32
      %dma_wait3A_29 = arith.constant 0 : i32
      %dma_wait3A_30 = tpu.memref_slice %arg6[%dma_wait3A, %dma_wait3A_29] : memref<125x80xi32, #tpu.memory_space<vmem>> -> memref<1x80xi32, #tpu.memory_space<vmem>>
      %dma_wait3A_31 = tpu.memref_squeeze %dma_wait3A_30 : memref<1x80xi32, #tpu.memory_space<vmem>> -> memref<80xi32, #tpu.memory_space<vmem>>
      %dma_wait3A_32 = arith.constant 0 : i32
      %dma_wait3A_33 = tpu.memref_slice %arg11[%dma_wait3A_32] : memref<10240xf32, #tpu.memory_space<vmem_shared>> -> memref<10240xf32, #tpu.memory_space<vmem_shared>>
      tpu.wait_indirect_dma semaphore(%arg13 : memref<!tpu.dma_semaphore, #tpu.memory_space<semaphore_mem>>) src(%arg8 : memref<80xf32, #tpu.memory_space<vmem>>) dst(%dma_wait3A_33 : memref<10240xf32, #tpu.memory_space<vmem_shared>>)
      %dma_wait3A_34 = arith.constant 0 : i32
      %dma_wait3A_35 = arith.constant 0 : i32
      %dma_wait3A_36 = tpu.memref_slice %arg7[%dma_wait3A_34, %dma_wait3A_35] : memref<125x80xi32, #tpu.memory_space<vmem>> -> memref<1x80xi32, #tpu.memory_space<vmem>>
      %dma_wait3A_37 = tpu.memref_squeeze %dma_wait3A_36 : memref<1x80xi32, #tpu.memory_space<vmem>> -> memref<80xi32, #tpu.memory_space<vmem>>
      %dma_wait3A_38 = arith.constant 0 : i32
      %dma_wait3A_39 = tpu.memref_slice %arg12[%dma_wait3A_38] : memref<10240xf32, #tpu.memory_space<vmem_shared>> -> memref<10240xf32, #tpu.memory_space<vmem_shared>>
      tpu.wait_indirect_dma semaphore(%arg14 : memref<!tpu.dma_semaphore, #tpu.memory_space<semaphore_mem>>) src(%arg8 : memref<80xf32, #tpu.memory_space<vmem>>) dst(%dma_wait3A_39 : memref<10240xf32, #tpu.memory_space<vmem_shared>>)
      %dma_wait3A_40 = arith.constant 0 : i32
      %dma_wait3A_41 = arith.constant 0 : i32
      %dma_wait3A_42 = tpu.memref_slice %arg6[%dma_wait3A_40, %dma_wait3A_41] : memref<125x80xi32, #tpu.memory_space<vmem>> -> memref<1x80xi32, #tpu.memory_space<vmem>>
      %dma_wait3A_43 = tpu.memref_squeeze %dma_wait3A_42 : memref<1x80xi32, #tpu.memory_space<vmem>> -> memref<80xi32, #tpu.memory_space<vmem>>
      %dma_wait3A_44 = arith.constant 0 : i32
      %dma_wait3A_45 = tpu.memref_slice %arg11[%dma_wait3A_44] : memref<10240xf32, #tpu.memory_space<vmem_shared>> -> memref<10240xf32, #tpu.memory_space<vmem_shared>>
      tpu.wait_indirect_dma semaphore(%arg13 : memref<!tpu.dma_semaphore, #tpu.memory_space<semaphore_mem>>) src(%arg8 : memref<80xf32, #tpu.memory_space<vmem>>) dst(%dma_wait3A_45 : memref<10240xf32, #tpu.memory_space<vmem_shared>>)
      %dma_wait3A_46 = arith.constant 0 : i32
      %dma_wait3A_47 = arith.constant 0 : i32
      %dma_wait3A_48 = tpu.memref_slice %arg7[%dma_wait3A_46, %dma_wait3A_47] : memref<125x80xi32, #tpu.memory_space<vmem>> -> memref<1x80xi32, #tpu.memory_space<vmem>>
      %dma_wait3A_49 = tpu.memref_squeeze %dma_wait3A_48 : memref<1x80xi32, #tpu.memory_space<vmem>> -> memref<80xi32, #tpu.memory_space<vmem>>
      %dma_wait3A_50 = arith.constant 0 : i32
      %dma_wait3A_51 = tpu.memref_slice %arg12[%dma_wait3A_50] : memref<10240xf32, #tpu.memory_space<vmem_shared>> -> memref<10240xf32, #tpu.memory_space<vmem_shared>>
      tpu.wait_indirect_dma semaphore(%arg14 : memref<!tpu.dma_semaphore, #tpu.memory_space<semaphore_mem>>) src(%arg8 : memref<80xf32, #tpu.memory_space<vmem>>) dst(%dma_wait3A_51 : memref<10240xf32, #tpu.memory_space<vmem_shared>>)
      %dma_wait3A_52 = arith.constant 0 : i32
      %dma_wait3A_53 = arith.constant 0 : i32
      %dma_wait3A_54 = tpu.memref_slice %arg6[%dma_wait3A_52, %dma_wait3A_53] : memref<125x80xi32, #tpu.memory_space<vmem>> -> memref<1x80xi32, #tpu.memory_space<vmem>>
      %dma_wait3A_55 = tpu.memref_squeeze %dma_wait3A_54 : memref<1x80xi32, #tpu.memory_space<vmem>> -> memref<80xi32, #tpu.memory_space<vmem>>
      %dma_wait3A_56 = arith.constant 0 : i32
      %dma_wait3A_57 = tpu.memref_slice %arg11[%dma_wait3A_56] : memref<10240xf32, #tpu.memory_space<vmem_shared>> -> memref<10240xf32, #tpu.memory_space<vmem_shared>>
      tpu.wait_indirect_dma semaphore(%arg13 : memref<!tpu.dma_semaphore, #tpu.memory_space<semaphore_mem>>) src(%arg8 : memref<80xf32, #tpu.memory_space<vmem>>) dst(%dma_wait3A_57 : memref<10240xf32, #tpu.memory_space<vmem_shared>>)
      %dma_wait3A_58 = arith.constant 0 : i32
      %dma_wait3A_59 = arith.constant 0 : i32
      %dma_wait3A_60 = tpu.memref_slice %arg7[%dma_wait3A_58, %dma_wait3A_59] : memref<125x80xi32, #tpu.memory_space<vmem>> -> memref<1x80xi32, #tpu.memory_space<vmem>>
      %dma_wait3A_61 = tpu.memref_squeeze %dma_wait3A_60 : memref<1x80xi32, #tpu.memory_space<vmem>> -> memref<80xi32, #tpu.memory_space<vmem>>
      %dma_wait3A_62 = arith.constant 0 : i32
      %dma_wait3A_63 = tpu.memref_slice %arg12[%dma_wait3A_62] : memref<10240xf32, #tpu.memory_space<vmem_shared>> -> memref<10240xf32, #tpu.memory_space<vmem_shared>>
      tpu.wait_indirect_dma semaphore(%arg14 : memref<!tpu.dma_semaphore, #tpu.memory_space<semaphore_mem>>) src(%arg8 : memref<80xf32, #tpu.memory_space<vmem>>) dst(%dma_wait3A_63 : memref<10240xf32, #tpu.memory_space<vmem_shared>>)
      %dma_wait3A_64 = arith.constant 0 : i32
      %dma_wait3A_65 = arith.constant 0 : i32
      %dma_wait3A_66 = tpu.memref_slice %arg6[%dma_wait3A_64, %dma_wait3A_65] : memref<125x80xi32, #tpu.memory_space<vmem>> -> memref<1x80xi32, #tpu.memory_space<vmem>>
      %dma_wait3A_67 = tpu.memref_squeeze %dma_wait3A_66 : memref<1x80xi32, #tpu.memory_space<vmem>> -> memref<80xi32, #tpu.memory_space<vmem>>
      %dma_wait3A_68 = arith.constant 0 : i32
      %dma_wait3A_69 = tpu.memref_slice %arg11[%dma_wait3A_68] : memref<10240xf32, #tpu.memory_space<vmem_shared>> -> memref<10240xf32, #tpu.memory_space<vmem_shared>>
      tpu.wait_indirect_dma semaphore(%arg13 : memref<!tpu.dma_semaphore, #tpu.memory_space<semaphore_mem>>) src(%arg8 : memref<80xf32, #tpu.memory_space<vmem>>) dst(%dma_wait3A_69 : memref<10240xf32, #tpu.memory_space<vmem_shared>>)
      %dma_wait3A_70 = arith.constant 0 : i32
      %dma_wait3A_71 = arith.constant 0 : i32
      %dma_wait3A_72 = tpu.memref_slice %arg7[%dma_wait3A_70, %dma_wait3A_71] : memref<125x80xi32, #tpu.memory_space<vmem>> -> memref<1x80xi32, #tpu.memory_space<vmem>>
      %dma_wait3A_73 = tpu.memref_squeeze %dma_wait3A_72 : memref<1x80xi32, #tpu.memory_space<vmem>> -> memref<80xi32, #tpu.memory_space<vmem>>
      %dma_wait3A_74 = arith.constant 0 : i32
      %dma_wait3A_75 = tpu.memref_slice %arg12[%dma_wait3A_74] : memref<10240xf32, #tpu.memory_space<vmem_shared>> -> memref<10240xf32, #tpu.memory_space<vmem_shared>>
      tpu.wait_indirect_dma semaphore(%arg14 : memref<!tpu.dma_semaphore, #tpu.memory_space<semaphore_mem>>) src(%arg8 : memref<80xf32, #tpu.memory_space<vmem>>) dst(%dma_wait3A_75 : memref<10240xf32, #tpu.memory_space<vmem_shared>>)
      %dma_wait3A_76 = arith.constant 0 : i32
      %dma_wait3A_77 = arith.constant 0 : i32
      %dma_wait3A_78 = tpu.memref_slice %arg6[%dma_wait3A_76, %dma_wait3A_77] : memref<125x80xi32, #tpu.memory_space<vmem>> -> memref<1x80xi32, #tpu.memory_space<vmem>>
      %dma_wait3A_79 = tpu.memref_squeeze %dma_wait3A_78 : memref<1x80xi32, #tpu.memory_space<vmem>> -> memref<80xi32, #tpu.memory_space<vmem>>
      %dma_wait3A_80 = arith.constant 0 : i32
      %dma_wait3A_81 = tpu.memref_slice %arg11[%dma_wait3A_80] : memref<10240xf32, #tpu.memory_space<vmem_shared>> -> memref<10240xf32, #tpu.memory_space<vmem_shared>>
      tpu.wait_indirect_dma semaphore(%arg13 : memref<!tpu.dma_semaphore, #tpu.memory_space<semaphore_mem>>) src(%arg8 : memref<80xf32, #tpu.memory_space<vmem>>) dst(%dma_wait3A_81 : memref<10240xf32, #tpu.memory_space<vmem_shared>>)
      %dma_wait3A_82 = arith.constant 0 : i32
      %dma_wait3A_83 = arith.constant 0 : i32
      %dma_wait3A_84 = tpu.memref_slice %arg7[%dma_wait3A_82, %dma_wait3A_83] : memref<125x80xi32, #tpu.memory_space<vmem>> -> memref<1x80xi32, #tpu.memory_space<vmem>>
      %dma_wait3A_85 = tpu.memref_squeeze %dma_wait3A_84 : memref<1x80xi32, #tpu.memory_space<vmem>> -> memref<80xi32, #tpu.memory_space<vmem>>
      %dma_wait3A_86 = arith.constant 0 : i32
      %dma_wait3A_87 = tpu.memref_slice %arg12[%dma_wait3A_86] : memref<10240xf32, #tpu.memory_space<vmem_shared>> -> memref<10240xf32, #tpu.memory_space<vmem_shared>>
      tpu.wait_indirect_dma semaphore(%arg14 : memref<!tpu.dma_semaphore, #tpu.memory_space<semaphore_mem>>) src(%arg8 : memref<80xf32, #tpu.memory_space<vmem>>) dst(%dma_wait3A_87 : memref<10240xf32, #tpu.memory_space<vmem_shared>>)
    }
    %scan3A_14 = arith.constant 8 : i32
    %barrier3A_15 = arith.constant 0 : index
    tpu.barrier barrier_id(%barrier3A_15)
    "tpu.region"() ({
      %run_scoped3A_28 = tpu.sem_alloc : memref<!tpu.dma_semaphore, #tpu.memory_space<semaphore_mem>>
      %dma_start3A = tpu.memref_slice %arg11[%mul3A_3] : memref<10240xf32, #tpu.memory_space<vmem_shared>> -> memref<640xf32, #tpu.memory_space<vmem_shared>>
      %dma_start3A_29 = tpu.memref_slice %arg11[%mul3A_3] : memref<10240xf32, #tpu.memory_space<vmem_shared>> -> memref<640xf32, #tpu.memory_space<vmem_shared>>
      tpu.enqueue_dma source(%dma_start3A_29 : memref<640xf32, #tpu.memory_space<vmem_shared>>) target(%arg10 : memref<640xf32, #tpu.memory_space<vmem>>) target_semaphore(%run_scoped3A_28 : memref<!tpu.dma_semaphore, #tpu.memory_space<semaphore_mem>>)
      %dma_wait3A = tpu.memref_slice %arg11[%mul3A_3] : memref<10240xf32, #tpu.memory_space<vmem_shared>> -> memref<640xf32, #tpu.memory_space<vmem_shared>>
      %dma_wait3A_30 = tpu.memref_slice %arg11[%mul3A_3] : memref<10240xf32, #tpu.memory_space<vmem_shared>> -> memref<640xf32, #tpu.memory_space<vmem_shared>>
      tpu.wait_dma2 semaphore(%run_scoped3A_28 : memref<!tpu.dma_semaphore, #tpu.memory_space<semaphore_mem>>) src(%dma_wait3A_30 : memref<640xf32, #tpu.memory_space<vmem_shared>>) dst(%arg10 : memref<640xf32, #tpu.memory_space<vmem>>)
      tpu.yield
    }) : () -> ()
    %mul3A_16 = arith.constant 2 : i32
    %mul3A_17 = arith.muli %arg0, %mul3A_16 : i32
    %mul3A_18 = arith.constant 10240 : i32
    %mul3A_19 = arith.muli %mul3A_17, %mul3A_18 : i32
    %add3A_20 = arith.addi %mul3A_19, %mul3A_3 : i32
    "tpu.region"() ({
      %run_scoped3A_28 = tpu.sem_alloc : memref<!tpu.dma_semaphore, #tpu.memory_space<semaphore_mem>>
      %dma_start3A = tpu.memref_slice %arg5[%add3A_20] : memref<40960xf32, #tpu.memory_space<hbm>> -> memref<640xf32, #tpu.memory_space<hbm>>
      %dma_start3A_29 = tpu.memref_slice %arg5[%add3A_20] : memref<40960xf32, #tpu.memory_space<hbm>> -> memref<640xf32, #tpu.memory_space<hbm>>
      tpu.enqueue_dma source(%arg10 : memref<640xf32, #tpu.memory_space<vmem>>) target(%dma_start3A_29 : memref<640xf32, #tpu.memory_space<hbm>>) target_semaphore(%run_scoped3A_28 : memref<!tpu.dma_semaphore, #tpu.memory_space<semaphore_mem>>)
      %dma_wait3A = tpu.memref_slice %arg5[%add3A_20] : memref<40960xf32, #tpu.memory_space<hbm>> -> memref<640xf32, #tpu.memory_space<hbm>>
      %dma_wait3A_30 = tpu.memref_slice %arg5[%add3A_20] : memref<40960xf32, #tpu.memory_space<hbm>> -> memref<640xf32, #tpu.memory_space<hbm>>
      tpu.wait_dma2 semaphore(%run_scoped3A_28 : memref<!tpu.dma_semaphore, #tpu.memory_space<semaphore_mem>>) src(%arg10 : memref<640xf32, #tpu.memory_space<vmem>>) dst(%dma_wait3A_30 : memref<640xf32, #tpu.memory_space<hbm>>)
      tpu.yield
    }) : () -> ()
    "tpu.region"() ({
      %run_scoped3A_28 = tpu.sem_alloc : memref<!tpu.dma_semaphore, #tpu.memory_space<semaphore_mem>>
      %dma_start3A = tpu.memref_slice %arg12[%mul3A_3] : memref<10240xf32, #tpu.memory_space<vmem_shared>> -> memref<640xf32, #tpu.memory_space<vmem_shared>>
      %dma_start3A_29 = tpu.memref_slice %arg12[%mul3A_3] : memref<10240xf32, #tpu.memory_space<vmem_shared>> -> memref<640xf32, #tpu.memory_space<vmem_shared>>
      tpu.enqueue_dma source(%dma_start3A_29 : memref<640xf32, #tpu.memory_space<vmem_shared>>) target(%arg10 : memref<640xf32, #tpu.memory_space<vmem>>) target_semaphore(%run_scoped3A_28 : memref<!tpu.dma_semaphore, #tpu.memory_space<semaphore_mem>>)
      %dma_wait3A = tpu.memref_slice %arg12[%mul3A_3] : memref<10240xf32, #tpu.memory_space<vmem_shared>> -> memref<640xf32, #tpu.memory_space<vmem_shared>>
      %dma_wait3A_30 = tpu.memref_slice %arg12[%mul3A_3] : memref<10240xf32, #tpu.memory_space<vmem_shared>> -> memref<640xf32, #tpu.memory_space<vmem_shared>>
      tpu.wait_dma2 semaphore(%run_scoped3A_28 : memref<!tpu.dma_semaphore, #tpu.memory_space<semaphore_mem>>) src(%dma_wait3A_30 : memref<640xf32, #tpu.memory_space<vmem_shared>>) dst(%arg10 : memref<640xf32, #tpu.memory_space<vmem>>)
      tpu.yield
    }) : () -> ()
    %mul3A_21 = arith.constant 2 : i32
    %mul3A_22 = arith.muli %arg0, %mul3A_21 : i32
    %add3A_23 = arith.constant 1 : i32
    %add3A_24 = arith.addi %mul3A_22, %add3A_23 : i32
    %mul3A_25 = arith.constant 10240 : i32
    %mul3A_26 = arith.muli %add3A_24, %mul3A_25 : i32
    %add3A_27 = arith.addi %mul3A_26, %mul3A_3 : i32
    "tpu.region"() ({
      %run_scoped3A_28 = tpu.sem_alloc : memref<!tpu.dma_semaphore, #tpu.memory_space<semaphore_mem>>
      %dma_start3A = tpu.memref_slice %arg5[%add3A_27] : memref<40960xf32, #tpu.memory_space<hbm>> -> memref<640xf32, #tpu.memory_space<hbm>>
      %dma_start3A_29 = tpu.memref_slice %arg5[%add3A_27] : memref<40960xf32, #tpu.memory_space<hbm>> -> memref<640xf32, #tpu.memory_space<hbm>>
      tpu.enqueue_dma source(%arg10 : memref<640xf32, #tpu.memory_space<vmem>>) target(%dma_start3A_29 : memref<640xf32, #tpu.memory_space<hbm>>) target_semaphore(%run_scoped3A_28 : memref<!tpu.dma_semaphore, #tpu.memory_space<semaphore_mem>>)
      %dma_wait3A = tpu.memref_slice %arg5[%add3A_27] : memref<40960xf32, #tpu.memory_space<hbm>> -> memref<640xf32, #tpu.memory_space<hbm>>
      %dma_wait3A_30 = tpu.memref_slice %arg5[%add3A_27] : memref<40960xf32, #tpu.memory_space<hbm>> -> memref<640xf32, #tpu.memory_space<hbm>>
      tpu.wait_dma2 semaphore(%run_scoped3A_28 : memref<!tpu.dma_semaphore, #tpu.memory_space<semaphore_mem>>) src(%arg10 : memref<640xf32, #tpu.memory_space<vmem>>) dst(%dma_wait3A_30 : memref<640xf32, #tpu.memory_space<hbm>>)
      tpu.yield
    }) : () -> ()
    return
  }
}

#map = affine_map<(d0, d1) -> (0, 0)>
#map1 = affine_map<(d0, d1) -> (0, 0, 0, 0)>
#map2 = affine_map<(d0, d1) -> (0, 0, 0)>
module attributes {stable_mosaic.version = 14 : i64} {
  func.func @_agg_body(%arg0: i32, %arg1: i32, %arg2: memref<10000x128xf32, #tpu.memory_space<hbm>>, %arg3: memref<2x32x125x80xi32, #tpu.memory_space<hbm>>, %arg4: memref<80x128xf32, #tpu.memory_space<hbm>>, %arg5: memref<2x10240x128xf32, #tpu.memory_space<hbm>>, %arg6: memref<80xi32, #tpu.memory_space<vmem>>, %arg7: memref<80xi32, #tpu.memory_space<vmem>>, %arg8: memref<80xi32, #tpu.memory_space<vmem>>, %arg9: memref<80xi32, #tpu.memory_space<vmem>>, %arg10: memref<80xi32, #tpu.memory_space<vmem>>, %arg11: memref<80xi32, #tpu.memory_space<vmem>>, %arg12: memref<80xi32, #tpu.memory_space<vmem>>, %arg13: memref<80xi32, #tpu.memory_space<vmem>>, %arg14: memref<80x128xf32, #tpu.memory_space<vmem>>, %arg15: memref<80x128xf32, #tpu.memory_space<vmem>>, %arg16: memref<80x128xf32, #tpu.memory_space<vmem>>, %arg17: memref<80x128xf32, #tpu.memory_space<vmem>>, %arg18: memref<10240x128xf32, #tpu.memory_space<vmem_shared>>, %arg19: memref<!tpu.dma_semaphore, #tpu.memory_space<semaphore_mem>>, %arg20: memref<!tpu.dma_semaphore, #tpu.memory_space<semaphore_mem>>, %arg21: memref<!tpu.dma_semaphore, #tpu.memory_space<semaphore_mem>>, %arg22: memref<!tpu.dma_semaphore, #tpu.memory_space<semaphore_mem>>, %arg23: memref<!tpu.dma_semaphore, #tpu.memory_space<semaphore_mem>>, %arg24: memref<!tpu.dma_semaphore, #tpu.memory_space<semaphore_mem>>, %arg25: memref<!tpu.dma_semaphore, #tpu.memory_space<semaphore_mem>>, %arg26: memref<!tpu.dma_semaphore, #tpu.memory_space<semaphore_mem>>, %arg27: memref<!tpu.dma_semaphore, #tpu.memory_space<semaphore_mem>>, %arg28: memref<!tpu.dma_semaphore, #tpu.memory_space<semaphore_mem>>, %arg29: memref<!tpu.dma_semaphore, #tpu.memory_space<semaphore_mem>>, %arg30: memref<!tpu.dma_semaphore, #tpu.memory_space<semaphore_mem>>, %arg31: memref<!tpu.dma_semaphore, #tpu.memory_space<semaphore_mem>>, %arg32: memref<!tpu.dma_semaphore, #tpu.memory_space<semaphore_mem>>, %arg33: memref<!tpu.dma_semaphore, #tpu.memory_space<semaphore_mem>>, %arg34: memref<!tpu.dma_semaphore, #tpu.memory_space<semaphore_mem>>) attributes {dimension_semantics = [#tpu.dimension_semantics<core_parallel>, #tpu.dimension_semantics<subcore_parallel>], iteration_bounds = array<i64: 2, 16>, scalar_prefetch = 0 : i64, scratch_operands = 29 : i64, tpu.core_type = #tpu.core_type<sc_vector_subcore>, window_params = [{transform_indices = #map}, {transform_indices = #map1}, {transform_indices = #map}, {transform_indices = #map2}]} {
    %mul3A = arith.constant 16 : i32
    %mul3A_0 = arith.muli %arg0, %mul3A : i32
    %add3A = arith.addi %mul3A_0, %arg1 : i32
    "tpu.region"() ({
      %run_scoped3A = tpu.sem_alloc : memref<!tpu.dma_semaphore, #tpu.memory_space<semaphore_mem>>
      tpu.enqueue_dma source(%arg4 : memref<80x128xf32, #tpu.memory_space<hbm>>) target(%arg14 : memref<80x128xf32, #tpu.memory_space<vmem>>) target_semaphore(%run_scoped3A : memref<!tpu.dma_semaphore, #tpu.memory_space<semaphore_mem>>)
      tpu.wait_dma2 semaphore(%run_scoped3A : memref<!tpu.dma_semaphore, #tpu.memory_space<semaphore_mem>>) src(%arg4 : memref<80x128xf32, #tpu.memory_space<hbm>>) dst(%arg14 : memref<80x128xf32, #tpu.memory_space<vmem>>)
      tpu.yield
    }) : () -> ()
    %mul3A_1 = arith.constant 640 : i32
    %mul3A_2 = arith.muli %arg1, %mul3A_1 : i32
    %add3A_3 = arith.constant 0 : i32
    %add3A_4 = arith.addi %mul3A_2, %add3A_3 : i32
    %dma_start3A = arith.constant 0 : i32
    %dma_start3A_5 = tpu.memref_slice %arg18[%add3A_4, %dma_start3A] : memref<10240x128xf32, #tpu.memory_space<vmem_shared>> -> memref<80x128xf32, #tpu.memory_space<vmem_shared>>
    %dma_start3A_6 = arith.constant 0 : i32
    %dma_start3A_7 = tpu.memref_slice %arg18[%add3A_4, %dma_start3A_6] : memref<10240x128xf32, #tpu.memory_space<vmem_shared>> -> memref<80x128xf32, #tpu.memory_space<vmem_shared>>
    tpu.enqueue_dma source(%arg14 : memref<80x128xf32, #tpu.memory_space<vmem>>) target(%dma_start3A_7 : memref<80x128xf32, #tpu.memory_space<vmem_shared>>) target_semaphore(%arg27 : memref<!tpu.dma_semaphore, #tpu.memory_space<semaphore_mem>>)
    %add3A_8 = arith.constant 80 : i32
    %add3A_9 = arith.addi %mul3A_2, %add3A_8 : i32
    %dma_start3A_10 = arith.constant 0 : i32
    %dma_start3A_11 = tpu.memref_slice %arg18[%add3A_9, %dma_start3A_10] : memref<10240x128xf32, #tpu.memory_space<vmem_shared>> -> memref<80x128xf32, #tpu.memory_space<vmem_shared>>
    %dma_start3A_12 = arith.constant 0 : i32
    %dma_start3A_13 = tpu.memref_slice %arg18[%add3A_9, %dma_start3A_12] : memref<10240x128xf32, #tpu.memory_space<vmem_shared>> -> memref<80x128xf32, #tpu.memory_space<vmem_shared>>
    tpu.enqueue_dma source(%arg14 : memref<80x128xf32, #tpu.memory_space<vmem>>) target(%dma_start3A_13 : memref<80x128xf32, #tpu.memory_space<vmem_shared>>) target_semaphore(%arg27 : memref<!tpu.dma_semaphore, #tpu.memory_space<semaphore_mem>>)
    %add3A_14 = arith.constant 160 : i32
    %add3A_15 = arith.addi %mul3A_2, %add3A_14 : i32
    %dma_start3A_16 = arith.constant 0 : i32
    %dma_start3A_17 = tpu.memref_slice %arg18[%add3A_15, %dma_start3A_16] : memref<10240x128xf32, #tpu.memory_space<vmem_shared>> -> memref<80x128xf32, #tpu.memory_space<vmem_shared>>
    %dma_start3A_18 = arith.constant 0 : i32
    %dma_start3A_19 = tpu.memref_slice %arg18[%add3A_15, %dma_start3A_18] : memref<10240x128xf32, #tpu.memory_space<vmem_shared>> -> memref<80x128xf32, #tpu.memory_space<vmem_shared>>
    tpu.enqueue_dma source(%arg14 : memref<80x128xf32, #tpu.memory_space<vmem>>) target(%dma_start3A_19 : memref<80x128xf32, #tpu.memory_space<vmem_shared>>) target_semaphore(%arg27 : memref<!tpu.dma_semaphore, #tpu.memory_space<semaphore_mem>>)
    %add3A_20 = arith.constant 240 : i32
    %add3A_21 = arith.addi %mul3A_2, %add3A_20 : i32
    %dma_start3A_22 = arith.constant 0 : i32
    %dma_start3A_23 = tpu.memref_slice %arg18[%add3A_21, %dma_start3A_22] : memref<10240x128xf32, #tpu.memory_space<vmem_shared>> -> memref<80x128xf32, #tpu.memory_space<vmem_shared>>
    %dma_start3A_24 = arith.constant 0 : i32
    %dma_start3A_25 = tpu.memref_slice %arg18[%add3A_21, %dma_start3A_24] : memref<10240x128xf32, #tpu.memory_space<vmem_shared>> -> memref<80x128xf32, #tpu.memory_space<vmem_shared>>
    tpu.enqueue_dma source(%arg14 : memref<80x128xf32, #tpu.memory_space<vmem>>) target(%dma_start3A_25 : memref<80x128xf32, #tpu.memory_space<vmem_shared>>) target_semaphore(%arg27 : memref<!tpu.dma_semaphore, #tpu.memory_space<semaphore_mem>>)
    %add3A_26 = arith.constant 320 : i32
    %add3A_27 = arith.addi %mul3A_2, %add3A_26 : i32
    %dma_start3A_28 = arith.constant 0 : i32
    %dma_start3A_29 = tpu.memref_slice %arg18[%add3A_27, %dma_start3A_28] : memref<10240x128xf32, #tpu.memory_space<vmem_shared>> -> memref<80x128xf32, #tpu.memory_space<vmem_shared>>
    %dma_start3A_30 = arith.constant 0 : i32
    %dma_start3A_31 = tpu.memref_slice %arg18[%add3A_27, %dma_start3A_30] : memref<10240x128xf32, #tpu.memory_space<vmem_shared>> -> memref<80x128xf32, #tpu.memory_space<vmem_shared>>
    tpu.enqueue_dma source(%arg14 : memref<80x128xf32, #tpu.memory_space<vmem>>) target(%dma_start3A_31 : memref<80x128xf32, #tpu.memory_space<vmem_shared>>) target_semaphore(%arg27 : memref<!tpu.dma_semaphore, #tpu.memory_space<semaphore_mem>>)
    %add3A_32 = arith.constant 400 : i32
    %add3A_33 = arith.addi %mul3A_2, %add3A_32 : i32
    %dma_start3A_34 = arith.constant 0 : i32
    %dma_start3A_35 = tpu.memref_slice %arg18[%add3A_33, %dma_start3A_34] : memref<10240x128xf32, #tpu.memory_space<vmem_shared>> -> memref<80x128xf32, #tpu.memory_space<vmem_shared>>
    %dma_start3A_36 = arith.constant 0 : i32
    %dma_start3A_37 = tpu.memref_slice %arg18[%add3A_33, %dma_start3A_36] : memref<10240x128xf32, #tpu.memory_space<vmem_shared>> -> memref<80x128xf32, #tpu.memory_space<vmem_shared>>
    tpu.enqueue_dma source(%arg14 : memref<80x128xf32, #tpu.memory_space<vmem>>) target(%dma_start3A_37 : memref<80x128xf32, #tpu.memory_space<vmem_shared>>) target_semaphore(%arg27 : memref<!tpu.dma_semaphore, #tpu.memory_space<semaphore_mem>>)
    %add3A_38 = arith.constant 480 : i32
    %add3A_39 = arith.addi %mul3A_2, %add3A_38 : i32
    %dma_start3A_40 = arith.constant 0 : i32
    %dma_start3A_41 = tpu.memref_slice %arg18[%add3A_39, %dma_start3A_40] : memref<10240x128xf32, #tpu.memory_space<vmem_shared>> -> memref<80x128xf32, #tpu.memory_space<vmem_shared>>
    %dma_start3A_42 = arith.constant 0 : i32
    %dma_start3A_43 = tpu.memref_slice %arg18[%add3A_39, %dma_start3A_42] : memref<10240x128xf32, #tpu.memory_space<vmem_shared>> -> memref<80x128xf32, #tpu.memory_space<vmem_shared>>
    tpu.enqueue_dma source(%arg14 : memref<80x128xf32, #tpu.memory_space<vmem>>) target(%dma_start3A_43 : memref<80x128xf32, #tpu.memory_space<vmem_shared>>) target_semaphore(%arg27 : memref<!tpu.dma_semaphore, #tpu.memory_space<semaphore_mem>>)
    %add3A_44 = arith.constant 560 : i32
    %add3A_45 = arith.addi %mul3A_2, %add3A_44 : i32
    %dma_start3A_46 = arith.constant 0 : i32
    %dma_start3A_47 = tpu.memref_slice %arg18[%add3A_45, %dma_start3A_46] : memref<10240x128xf32, #tpu.memory_space<vmem_shared>> -> memref<80x128xf32, #tpu.memory_space<vmem_shared>>
    %dma_start3A_48 = arith.constant 0 : i32
    %dma_start3A_49 = tpu.memref_slice %arg18[%add3A_45, %dma_start3A_48] : memref<10240x128xf32, #tpu.memory_space<vmem_shared>> -> memref<80x128xf32, #tpu.memory_space<vmem_shared>>
    tpu.enqueue_dma source(%arg14 : memref<80x128xf32, #tpu.memory_space<vmem>>) target(%dma_start3A_49 : memref<80x128xf32, #tpu.memory_space<vmem_shared>>) target_semaphore(%arg27 : memref<!tpu.dma_semaphore, #tpu.memory_space<semaphore_mem>>)
    %add3A_50 = arith.constant 0 : i32
    %add3A_51 = arith.addi %mul3A_2, %add3A_50 : i32
    %dma_wait3A = arith.constant 0 : i32
    %dma_wait3A_52 = tpu.memref_slice %arg18[%add3A_51, %dma_wait3A] : memref<10240x128xf32, #tpu.memory_space<vmem_shared>> -> memref<80x128xf32, #tpu.memory_space<vmem_shared>>
    %dma_wait3A_53 = arith.constant 0 : i32
    %dma_wait3A_54 = tpu.memref_slice %arg18[%add3A_51, %dma_wait3A_53] : memref<10240x128xf32, #tpu.memory_space<vmem_shared>> -> memref<80x128xf32, #tpu.memory_space<vmem_shared>>
    tpu.wait_dma2 semaphore(%arg27 : memref<!tpu.dma_semaphore, #tpu.memory_space<semaphore_mem>>) src(%arg14 : memref<80x128xf32, #tpu.memory_space<vmem>>) dst(%dma_wait3A_54 : memref<80x128xf32, #tpu.memory_space<vmem_shared>>)
    %add3A_55 = arith.constant 80 : i32
    %add3A_56 = arith.addi %mul3A_2, %add3A_55 : i32
    %dma_wait3A_57 = arith.constant 0 : i32
    %dma_wait3A_58 = tpu.memref_slice %arg18[%add3A_56, %dma_wait3A_57] : memref<10240x128xf32, #tpu.memory_space<vmem_shared>> -> memref<80x128xf32, #tpu.memory_space<vmem_shared>>
    %dma_wait3A_59 = arith.constant 0 : i32
    %dma_wait3A_60 = tpu.memref_slice %arg18[%add3A_56, %dma_wait3A_59] : memref<10240x128xf32, #tpu.memory_space<vmem_shared>> -> memref<80x128xf32, #tpu.memory_space<vmem_shared>>
    tpu.wait_dma2 semaphore(%arg27 : memref<!tpu.dma_semaphore, #tpu.memory_space<semaphore_mem>>) src(%arg14 : memref<80x128xf32, #tpu.memory_space<vmem>>) dst(%dma_wait3A_60 : memref<80x128xf32, #tpu.memory_space<vmem_shared>>)
    %add3A_61 = arith.constant 160 : i32
    %add3A_62 = arith.addi %mul3A_2, %add3A_61 : i32
    %dma_wait3A_63 = arith.constant 0 : i32
    %dma_wait3A_64 = tpu.memref_slice %arg18[%add3A_62, %dma_wait3A_63] : memref<10240x128xf32, #tpu.memory_space<vmem_shared>> -> memref<80x128xf32, #tpu.memory_space<vmem_shared>>
    %dma_wait3A_65 = arith.constant 0 : i32
    %dma_wait3A_66 = tpu.memref_slice %arg18[%add3A_62, %dma_wait3A_65] : memref<10240x128xf32, #tpu.memory_space<vmem_shared>> -> memref<80x128xf32, #tpu.memory_space<vmem_shared>>
    tpu.wait_dma2 semaphore(%arg27 : memref<!tpu.dma_semaphore, #tpu.memory_space<semaphore_mem>>) src(%arg14 : memref<80x128xf32, #tpu.memory_space<vmem>>) dst(%dma_wait3A_66 : memref<80x128xf32, #tpu.memory_space<vmem_shared>>)
    %add3A_67 = arith.constant 240 : i32
    %add3A_68 = arith.addi %mul3A_2, %add3A_67 : i32
    %dma_wait3A_69 = arith.constant 0 : i32
    %dma_wait3A_70 = tpu.memref_slice %arg18[%add3A_68, %dma_wait3A_69] : memref<10240x128xf32, #tpu.memory_space<vmem_shared>> -> memref<80x128xf32, #tpu.memory_space<vmem_shared>>
    %dma_wait3A_71 = arith.constant 0 : i32
    %dma_wait3A_72 = tpu.memref_slice %arg18[%add3A_68, %dma_wait3A_71] : memref<10240x128xf32, #tpu.memory_space<vmem_shared>> -> memref<80x128xf32, #tpu.memory_space<vmem_shared>>
    tpu.wait_dma2 semaphore(%arg27 : memref<!tpu.dma_semaphore, #tpu.memory_space<semaphore_mem>>) src(%arg14 : memref<80x128xf32, #tpu.memory_space<vmem>>) dst(%dma_wait3A_72 : memref<80x128xf32, #tpu.memory_space<vmem_shared>>)
    %add3A_73 = arith.constant 320 : i32
    %add3A_74 = arith.addi %mul3A_2, %add3A_73 : i32
    %dma_wait3A_75 = arith.constant 0 : i32
    %dma_wait3A_76 = tpu.memref_slice %arg18[%add3A_74, %dma_wait3A_75] : memref<10240x128xf32, #tpu.memory_space<vmem_shared>> -> memref<80x128xf32, #tpu.memory_space<vmem_shared>>
    %dma_wait3A_77 = arith.constant 0 : i32
    %dma_wait3A_78 = tpu.memref_slice %arg18[%add3A_74, %dma_wait3A_77] : memref<10240x128xf32, #tpu.memory_space<vmem_shared>> -> memref<80x128xf32, #tpu.memory_space<vmem_shared>>
    tpu.wait_dma2 semaphore(%arg27 : memref<!tpu.dma_semaphore, #tpu.memory_space<semaphore_mem>>) src(%arg14 : memref<80x128xf32, #tpu.memory_space<vmem>>) dst(%dma_wait3A_78 : memref<80x128xf32, #tpu.memory_space<vmem_shared>>)
    %add3A_79 = arith.constant 400 : i32
    %add3A_80 = arith.addi %mul3A_2, %add3A_79 : i32
    %dma_wait3A_81 = arith.constant 0 : i32
    %dma_wait3A_82 = tpu.memref_slice %arg18[%add3A_80, %dma_wait3A_81] : memref<10240x128xf32, #tpu.memory_space<vmem_shared>> -> memref<80x128xf32, #tpu.memory_space<vmem_shared>>
    %dma_wait3A_83 = arith.constant 0 : i32
    %dma_wait3A_84 = tpu.memref_slice %arg18[%add3A_80, %dma_wait3A_83] : memref<10240x128xf32, #tpu.memory_space<vmem_shared>> -> memref<80x128xf32, #tpu.memory_space<vmem_shared>>
    tpu.wait_dma2 semaphore(%arg27 : memref<!tpu.dma_semaphore, #tpu.memory_space<semaphore_mem>>) src(%arg14 : memref<80x128xf32, #tpu.memory_space<vmem>>) dst(%dma_wait3A_84 : memref<80x128xf32, #tpu.memory_space<vmem_shared>>)
    %add3A_85 = arith.constant 480 : i32
    %add3A_86 = arith.addi %mul3A_2, %add3A_85 : i32
    %dma_wait3A_87 = arith.constant 0 : i32
    %dma_wait3A_88 = tpu.memref_slice %arg18[%add3A_86, %dma_wait3A_87] : memref<10240x128xf32, #tpu.memory_space<vmem_shared>> -> memref<80x128xf32, #tpu.memory_space<vmem_shared>>
    %dma_wait3A_89 = arith.constant 0 : i32
    %dma_wait3A_90 = tpu.memref_slice %arg18[%add3A_86, %dma_wait3A_89] : memref<10240x128xf32, #tpu.memory_space<vmem_shared>> -> memref<80x128xf32, #tpu.memory_space<vmem_shared>>
    tpu.wait_dma2 semaphore(%arg27 : memref<!tpu.dma_semaphore, #tpu.memory_space<semaphore_mem>>) src(%arg14 : memref<80x128xf32, #tpu.memory_space<vmem>>) dst(%dma_wait3A_90 : memref<80x128xf32, #tpu.memory_space<vmem_shared>>)
    %add3A_91 = arith.constant 560 : i32
    %add3A_92 = arith.addi %mul3A_2, %add3A_91 : i32
    %dma_wait3A_93 = arith.constant 0 : i32
    %dma_wait3A_94 = tpu.memref_slice %arg18[%add3A_92, %dma_wait3A_93] : memref<10240x128xf32, #tpu.memory_space<vmem_shared>> -> memref<80x128xf32, #tpu.memory_space<vmem_shared>>
    %dma_wait3A_95 = arith.constant 0 : i32
    %dma_wait3A_96 = tpu.memref_slice %arg18[%add3A_92, %dma_wait3A_95] : memref<10240x128xf32, #tpu.memory_space<vmem_shared>> -> memref<80x128xf32, #tpu.memory_space<vmem_shared>>
    tpu.wait_dma2 semaphore(%arg27 : memref<!tpu.dma_semaphore, #tpu.memory_space<semaphore_mem>>) src(%arg14 : memref<80x128xf32, #tpu.memory_space<vmem>>) dst(%dma_wait3A_96 : memref<80x128xf32, #tpu.memory_space<vmem_shared>>)
    %barrier3A = arith.constant 0 : index
    tpu.barrier barrier_id(%barrier3A)
    %dma_start3A_97 = arith.constant 0 : i32
    %dma_start3A_98 = arith.constant 0 : i32
    %dma_start3A_99 = arith.constant 0 : i32
    %dma_start3A_100 = tpu.memref_slice %arg3[%dma_start3A_97, %add3A, %dma_start3A_98, %dma_start3A_99] : memref<2x32x125x80xi32, #tpu.memory_space<hbm>> -> memref<1x1x1x80xi32, #tpu.memory_space<hbm>>
    %dma_start3A_101 = tpu.memref_squeeze %dma_start3A_100 : memref<1x1x1x80xi32, #tpu.memory_space<hbm>> -> memref<80xi32, #tpu.memory_space<hbm>>
    %dma_start3A_102 = arith.constant 0 : i32
    %dma_start3A_103 = tpu.memref_slice %arg3[%dma_start3A_97, %add3A, %dma_start3A_98, %dma_start3A_102] : memref<2x32x125x80xi32, #tpu.memory_space<hbm>> -> memref<1x1x1x80xi32, #tpu.memory_space<hbm>>
    %dma_start3A_104 = tpu.memref_squeeze %dma_start3A_103 : memref<1x1x1x80xi32, #tpu.memory_space<hbm>> -> memref<80xi32, #tpu.memory_space<hbm>>
    tpu.enqueue_dma source(%dma_start3A_104 : memref<80xi32, #tpu.memory_space<hbm>>) target(%arg6 : memref<80xi32, #tpu.memory_space<vmem>>) target_semaphore(%arg19 : memref<!tpu.dma_semaphore, #tpu.memory_space<semaphore_mem>>)
    %dma_start3A_105 = arith.constant 1 : i32
    %dma_start3A_106 = arith.constant 0 : i32
    %dma_start3A_107 = arith.constant 0 : i32
    %dma_start3A_108 = tpu.memref_slice %arg3[%dma_start3A_105, %add3A, %dma_start3A_106, %dma_start3A_107] : memref<2x32x125x80xi32, #tpu.memory_space<hbm>> -> memref<1x1x1x80xi32, #tpu.memory_space<hbm>>
    %dma_start3A_109 = tpu.memref_squeeze %dma_start3A_108 : memref<1x1x1x80xi32, #tpu.memory_space<hbm>> -> memref<80xi32, #tpu.memory_space<hbm>>
    %dma_start3A_110 = arith.constant 0 : i32
    %dma_start3A_111 = tpu.memref_slice %arg3[%dma_start3A_105, %add3A, %dma_start3A_106, %dma_start3A_110] : memref<2x32x125x80xi32, #tpu.memory_space<hbm>> -> memref<1x1x1x80xi32, #tpu.memory_space<hbm>>
    %dma_start3A_112 = tpu.memref_squeeze %dma_start3A_111 : memref<1x1x1x80xi32, #tpu.memory_space<hbm>> -> memref<80xi32, #tpu.memory_space<hbm>>
    tpu.enqueue_dma source(%dma_start3A_112 : memref<80xi32, #tpu.memory_space<hbm>>) target(%arg10 : memref<80xi32, #tpu.memory_space<vmem>>) target_semaphore(%arg23 : memref<!tpu.dma_semaphore, #tpu.memory_space<semaphore_mem>>)
    %dma_wait3A_113 = arith.constant 0 : i32
    %dma_wait3A_114 = arith.constant 0 : i32
    %dma_wait3A_115 = arith.constant 0 : i32
    %dma_wait3A_116 = tpu.memref_slice %arg3[%dma_wait3A_113, %add3A, %dma_wait3A_114, %dma_wait3A_115] : memref<2x32x125x80xi32, #tpu.memory_space<hbm>> -> memref<1x1x1x80xi32, #tpu.memory_space<hbm>>
    %dma_wait3A_117 = tpu.memref_squeeze %dma_wait3A_116 : memref<1x1x1x80xi32, #tpu.memory_space<hbm>> -> memref<80xi32, #tpu.memory_space<hbm>>
    %dma_wait3A_118 = arith.constant 0 : i32
    %dma_wait3A_119 = tpu.memref_slice %arg3[%dma_wait3A_113, %add3A, %dma_wait3A_114, %dma_wait3A_118] : memref<2x32x125x80xi32, #tpu.memory_space<hbm>> -> memref<1x1x1x80xi32, #tpu.memory_space<hbm>>
    %dma_wait3A_120 = tpu.memref_squeeze %dma_wait3A_119 : memref<1x1x1x80xi32, #tpu.memory_space<hbm>> -> memref<80xi32, #tpu.memory_space<hbm>>
    tpu.wait_dma2 semaphore(%arg19 : memref<!tpu.dma_semaphore, #tpu.memory_space<semaphore_mem>>) src(%dma_wait3A_120 : memref<80xi32, #tpu.memory_space<hbm>>) dst(%arg6 : memref<80xi32, #tpu.memory_space<vmem>>)
    %dma_start3A_121 = arith.constant 0 : i32
    %dma_start3A_122 = arith.constant 0 : i32
    %dma_start3A_123 = tpu.memref_slice %arg2[%dma_start3A_121, %dma_start3A_122] : memref<10000x128xf32, #tpu.memory_space<hbm>> -> memref<10000x128xf32, #tpu.memory_space<hbm>>
    tpu.enqueue_indirect_dma source(%dma_start3A_123 : memref<10000x128xf32, #tpu.memory_space<hbm>>) target(%arg14 : memref<80x128xf32, #tpu.memory_space<vmem>>) offsets(%arg6 : memref<80xi32, #tpu.memory_space<vmem>>) semaphore(%arg27 : memref<!tpu.dma_semaphore, #tpu.memory_space<semaphore_mem>>)
    %dma_start3A_124 = arith.constant 0 : i32
    %dma_start3A_125 = arith.constant 1 : i32
    %dma_start3A_126 = arith.constant 0 : i32
    %dma_start3A_127 = tpu.memref_slice %arg3[%dma_start3A_124, %add3A, %dma_start3A_125, %dma_start3A_126] : memref<2x32x125x80xi32, #tpu.memory_space<hbm>> -> memref<1x1x1x80xi32, #tpu.memory_space<hbm>>
    %dma_start3A_128 = tpu.memref_squeeze %dma_start3A_127 : memref<1x1x1x80xi32, #tpu.memory_space<hbm>> -> memref<80xi32, #tpu.memory_space<hbm>>
    %dma_start3A_129 = arith.constant 0 : i32
    %dma_start3A_130 = tpu.memref_slice %arg3[%dma_start3A_124, %add3A, %dma_start3A_125, %dma_start3A_129] : memref<2x32x125x80xi32, #tpu.memory_space<hbm>> -> memref<1x1x1x80xi32, #tpu.memory_space<hbm>>
    %dma_start3A_131 = tpu.memref_squeeze %dma_start3A_130 : memref<1x1x1x80xi32, #tpu.memory_space<hbm>> -> memref<80xi32, #tpu.memory_space<hbm>>
    tpu.enqueue_dma source(%dma_start3A_131 : memref<80xi32, #tpu.memory_space<hbm>>) target(%arg7 : memref<80xi32, #tpu.memory_space<vmem>>) target_semaphore(%arg20 : memref<!tpu.dma_semaphore, #tpu.memory_space<semaphore_mem>>)
    %dma_start3A_132 = arith.constant 1 : i32
    %dma_start3A_133 = arith.constant 1 : i32
    %dma_start3A_134 = arith.constant 0 : i32
    %dma_start3A_135 = tpu.memref_slice %arg3[%dma_start3A_132, %add3A, %dma_start3A_133, %dma_start3A_134] : memref<2x32x125x80xi32, #tpu.memory_space<hbm>> -> memref<1x1x1x80xi32, #tpu.memory_space<hbm>>
    %dma_start3A_136 = tpu.memref_squeeze %dma_start3A_135 : memref<1x1x1x80xi32, #tpu.memory_space<hbm>> -> memref<80xi32, #tpu.memory_space<hbm>>
    %dma_start3A_137 = arith.constant 0 : i32
    %dma_start3A_138 = tpu.memref_slice %arg3[%dma_start3A_132, %add3A, %dma_start3A_133, %dma_start3A_137] : memref<2x32x125x80xi32, #tpu.memory_space<hbm>> -> memref<1x1x1x80xi32, #tpu.memory_space<hbm>>
    %dma_start3A_139 = tpu.memref_squeeze %dma_start3A_138 : memref<1x1x1x80xi32, #tpu.memory_space<hbm>> -> memref<80xi32, #tpu.memory_space<hbm>>
    tpu.enqueue_dma source(%dma_start3A_139 : memref<80xi32, #tpu.memory_space<hbm>>) target(%arg11 : memref<80xi32, #tpu.memory_space<vmem>>) target_semaphore(%arg24 : memref<!tpu.dma_semaphore, #tpu.memory_space<semaphore_mem>>)
    %dma_wait3A_140 = arith.constant 0 : i32
    %dma_wait3A_141 = arith.constant 0 : i32
    %dma_wait3A_142 = arith.constant 0 : i32
    %dma_wait3A_143 = tpu.memref_slice %arg3[%dma_wait3A_140, %add3A, %dma_wait3A_141, %dma_wait3A_142] : memref<2x32x125x80xi32, #tpu.memory_space<hbm>> -> memref<1x1x1x80xi32, #tpu.memory_space<hbm>>
    %dma_wait3A_144 = tpu.memref_squeeze %dma_wait3A_143 : memref<1x1x1x80xi32, #tpu.memory_space<hbm>> -> memref<80xi32, #tpu.memory_space<hbm>>
    %dma_wait3A_145 = arith.constant 0 : i32
    %dma_wait3A_146 = tpu.memref_slice %arg3[%dma_wait3A_140, %add3A, %dma_wait3A_141, %dma_wait3A_145] : memref<2x32x125x80xi32, #tpu.memory_space<hbm>> -> memref<1x1x1x80xi32, #tpu.memory_space<hbm>>
    %dma_wait3A_147 = tpu.memref_squeeze %dma_wait3A_146 : memref<1x1x1x80xi32, #tpu.memory_space<hbm>> -> memref<80xi32, #tpu.memory_space<hbm>>
    tpu.wait_dma2 semaphore(%arg20 : memref<!tpu.dma_semaphore, #tpu.memory_space<semaphore_mem>>) src(%dma_wait3A_147 : memref<80xi32, #tpu.memory_space<hbm>>) dst(%arg7 : memref<80xi32, #tpu.memory_space<vmem>>)
    %dma_start3A_148 = arith.constant 0 : i32
    %dma_start3A_149 = arith.constant 0 : i32
    %dma_start3A_150 = tpu.memref_slice %arg2[%dma_start3A_148, %dma_start3A_149] : memref<10000x128xf32, #tpu.memory_space<hbm>> -> memref<10000x128xf32, #tpu.memory_space<hbm>>
    tpu.enqueue_indirect_dma source(%dma_start3A_150 : memref<10000x128xf32, #tpu.memory_space<hbm>>) target(%arg15 : memref<80x128xf32, #tpu.memory_space<vmem>>) offsets(%arg7 : memref<80xi32, #tpu.memory_space<vmem>>) semaphore(%arg28 : memref<!tpu.dma_semaphore, #tpu.memory_space<semaphore_mem>>)
    %dma_start3A_151 = arith.constant 0 : i32
    %dma_start3A_152 = arith.constant 2 : i32
    %dma_start3A_153 = arith.constant 0 : i32
    %dma_start3A_154 = tpu.memref_slice %arg3[%dma_start3A_151, %add3A, %dma_start3A_152, %dma_start3A_153] : memref<2x32x125x80xi32, #tpu.memory_space<hbm>> -> memref<1x1x1x80xi32, #tpu.memory_space<hbm>>
    %dma_start3A_155 = tpu.memref_squeeze %dma_start3A_154 : memref<1x1x1x80xi32, #tpu.memory_space<hbm>> -> memref<80xi32, #tpu.memory_space<hbm>>
    %dma_start3A_156 = arith.constant 0 : i32
    %dma_start3A_157 = tpu.memref_slice %arg3[%dma_start3A_151, %add3A, %dma_start3A_152, %dma_start3A_156] : memref<2x32x125x80xi32, #tpu.memory_space<hbm>> -> memref<1x1x1x80xi32, #tpu.memory_space<hbm>>
    %dma_start3A_158 = tpu.memref_squeeze %dma_start3A_157 : memref<1x1x1x80xi32, #tpu.memory_space<hbm>> -> memref<80xi32, #tpu.memory_space<hbm>>
    tpu.enqueue_dma source(%dma_start3A_158 : memref<80xi32, #tpu.memory_space<hbm>>) target(%arg8 : memref<80xi32, #tpu.memory_space<vmem>>) target_semaphore(%arg21 : memref<!tpu.dma_semaphore, #tpu.memory_space<semaphore_mem>>)
    %dma_start3A_159 = arith.constant 1 : i32
    %dma_start3A_160 = arith.constant 2 : i32
    %dma_start3A_161 = arith.constant 0 : i32
    %dma_start3A_162 = tpu.memref_slice %arg3[%dma_start3A_159, %add3A, %dma_start3A_160, %dma_start3A_161] : memref<2x32x125x80xi32, #tpu.memory_space<hbm>> -> memref<1x1x1x80xi32, #tpu.memory_space<hbm>>
    %dma_start3A_163 = tpu.memref_squeeze %dma_start3A_162 : memref<1x1x1x80xi32, #tpu.memory_space<hbm>> -> memref<80xi32, #tpu.memory_space<hbm>>
    %dma_start3A_164 = arith.constant 0 : i32
    %dma_start3A_165 = tpu.memref_slice %arg3[%dma_start3A_159, %add3A, %dma_start3A_160, %dma_start3A_164] : memref<2x32x125x80xi32, #tpu.memory_space<hbm>> -> memref<1x1x1x80xi32, #tpu.memory_space<hbm>>
    %dma_start3A_166 = tpu.memref_squeeze %dma_start3A_165 : memref<1x1x1x80xi32, #tpu.memory_space<hbm>> -> memref<80xi32, #tpu.memory_space<hbm>>
    tpu.enqueue_dma source(%dma_start3A_166 : memref<80xi32, #tpu.memory_space<hbm>>) target(%arg12 : memref<80xi32, #tpu.memory_space<vmem>>) target_semaphore(%arg25 : memref<!tpu.dma_semaphore, #tpu.memory_space<semaphore_mem>>)
    %dma_wait3A_167 = arith.constant 0 : i32
    %dma_wait3A_168 = arith.constant 0 : i32
    %dma_wait3A_169 = arith.constant 0 : i32
    %dma_wait3A_170 = tpu.memref_slice %arg3[%dma_wait3A_167, %add3A, %dma_wait3A_168, %dma_wait3A_169] : memref<2x32x125x80xi32, #tpu.memory_space<hbm>> -> memref<1x1x1x80xi32, #tpu.memory_space<hbm>>
    %dma_wait3A_171 = tpu.memref_squeeze %dma_wait3A_170 : memref<1x1x1x80xi32, #tpu.memory_space<hbm>> -> memref<80xi32, #tpu.memory_space<hbm>>
    %dma_wait3A_172 = arith.constant 0 : i32
    %dma_wait3A_173 = tpu.memref_slice %arg3[%dma_wait3A_167, %add3A, %dma_wait3A_168, %dma_wait3A_172] : memref<2x32x125x80xi32, #tpu.memory_space<hbm>> -> memref<1x1x1x80xi32, #tpu.memory_space<hbm>>
    %dma_wait3A_174 = tpu.memref_squeeze %dma_wait3A_173 : memref<1x1x1x80xi32, #tpu.memory_space<hbm>> -> memref<80xi32, #tpu.memory_space<hbm>>
    tpu.wait_dma2 semaphore(%arg21 : memref<!tpu.dma_semaphore, #tpu.memory_space<semaphore_mem>>) src(%dma_wait3A_174 : memref<80xi32, #tpu.memory_space<hbm>>) dst(%arg8 : memref<80xi32, #tpu.memory_space<vmem>>)
    %dma_start3A_175 = arith.constant 0 : i32
    %dma_start3A_176 = arith.constant 0 : i32
    %dma_start3A_177 = tpu.memref_slice %arg2[%dma_start3A_175, %dma_start3A_176] : memref<10000x128xf32, #tpu.memory_space<hbm>> -> memref<10000x128xf32, #tpu.memory_space<hbm>>
    tpu.enqueue_indirect_dma source(%dma_start3A_177 : memref<10000x128xf32, #tpu.memory_space<hbm>>) target(%arg16 : memref<80x128xf32, #tpu.memory_space<vmem>>) offsets(%arg8 : memref<80xi32, #tpu.memory_space<vmem>>) semaphore(%arg29 : memref<!tpu.dma_semaphore, #tpu.memory_space<semaphore_mem>>)
    %scan3A = arith.constant 0 : i32
    %scan3A_178 = arith.constant 0 : i32
    %scan3A_179 = arith.constant 31 : i32
    %scan3A_180 = arith.addi %scan3A_178, %scan3A_179 : i32
    %scan3A_181 = arith.constant 1 : i32
    scf.for %scan3A_341 = %scan3A_178 to %scan3A_180 step %scan3A_181  : i32 {
      %mul3A_342 = arith.constant 4 : i32
      %mul3A_343 = arith.muli %mul3A_342, %scan3A_341 : i32
      %add3A_344 = arith.constant 0 : i32
      %add3A_345 = arith.addi %mul3A_343, %add3A_344 : i32
      %dma_wait3A_346 = arith.constant 0 : i32
      %dma_wait3A_347 = arith.constant 0 : i32
      %dma_wait3A_348 = tpu.memref_slice %arg2[%dma_wait3A_346, %dma_wait3A_347] : memref<10000x128xf32, #tpu.memory_space<hbm>> -> memref<80x128xf32, #tpu.memory_space<hbm>>
      %dma_wait3A_349 = arith.constant 0 : i32
      %dma_wait3A_350 = arith.constant 0 : i32
      %dma_wait3A_351 = tpu.memref_slice %arg2[%dma_wait3A_349, %dma_wait3A_350] : memref<10000x128xf32, #tpu.memory_space<hbm>> -> memref<80x128xf32, #tpu.memory_space<hbm>>
      tpu.wait_dma2 semaphore(%arg27 : memref<!tpu.dma_semaphore, #tpu.memory_space<semaphore_mem>>) src(%dma_wait3A_351 : memref<80x128xf32, #tpu.memory_space<hbm>>) dst(%arg14 : memref<80x128xf32, #tpu.memory_space<vmem>>)
      %dma_wait3A_352 = arith.constant 1 : i32
      %dma_wait3A_353 = arith.constant 0 : i32
      %dma_wait3A_354 = arith.constant 0 : i32
      %dma_wait3A_355 = tpu.memref_slice %arg3[%dma_wait3A_352, %add3A, %dma_wait3A_353, %dma_wait3A_354] : memref<2x32x125x80xi32, #tpu.memory_space<hbm>> -> memref<1x1x1x80xi32, #tpu.memory_space<hbm>>
      %dma_wait3A_356 = tpu.memref_squeeze %dma_wait3A_355 : memref<1x1x1x80xi32, #tpu.memory_space<hbm>> -> memref<80xi32, #tpu.memory_space<hbm>>
      %dma_wait3A_357 = arith.constant 0 : i32
      %dma_wait3A_358 = tpu.memref_slice %arg3[%dma_wait3A_352, %add3A, %dma_wait3A_353, %dma_wait3A_357] : memref<2x32x125x80xi32, #tpu.memory_space<hbm>> -> memref<1x1x1x80xi32, #tpu.memory_space<hbm>>
      %dma_wait3A_359 = tpu.memref_squeeze %dma_wait3A_358 : memref<1x1x1x80xi32, #tpu.memory_space<hbm>> -> memref<80xi32, #tpu.memory_space<hbm>>
      tpu.wait_dma2 semaphore(%arg23 : memref<!tpu.dma_semaphore, #tpu.memory_space<semaphore_mem>>) src(%dma_wait3A_359 : memref<80xi32, #tpu.memory_space<hbm>>) dst(%arg10 : memref<80xi32, #tpu.memory_space<vmem>>)
      %dma_start3A_360 = arith.constant 0 : i32
      %dma_start3A_361 = arith.constant 0 : i32
      %dma_start3A_362 = tpu.memref_slice %arg18[%dma_start3A_360, %dma_start3A_361] : memref<10240x128xf32, #tpu.memory_space<vmem_shared>> -> memref<10240x128xf32, #tpu.memory_space<vmem_shared>>
      tpu.enqueue_indirect_dma source(%arg14 : memref<80x128xf32, #tpu.memory_space<vmem>>) target(%dma_start3A_362 : memref<10240x128xf32, #tpu.memory_space<vmem_shared>>) offsets(%arg10 : memref<80xi32, #tpu.memory_space<vmem>>) semaphore(%arg31 : memref<!tpu.dma_semaphore, #tpu.memory_space<semaphore_mem>>) {add = true}
      %add3A_363 = arith.constant 3 : i32
      %add3A_364 = arith.addi %add3A_345, %add3A_363 : i32
      %lt3A = arith.constant 125 : i32
      %lt3A_365 = arith.cmpi slt, %add3A_364, %lt3A : i32
      %convert_element_type3A = arith.extui %lt3A_365 : i1 to i32
      %cond3A = arith.constant 0 : i32
      %cond3A_366 = arith.cmpi ne, %convert_element_type3A, %cond3A : i32
      scf.if %cond3A_366 {
        %ge3A = arith.constant 1 : i32
        %ge3A_451 = arith.cmpi sge, %add3A_345, %ge3A : i32
        %convert_element_type3A_452 = arith.extui %ge3A_451 : i1 to i32
        %cond3A_453 = arith.constant 0 : i32
        %cond3A_454 = arith.cmpi ne, %convert_element_type3A_452, %cond3A_453 : i32
        scf.if %cond3A_454 {
          %dma_wait3A_482 = arith.constant 0 : i32
          %dma_wait3A_483 = arith.constant 0 : i32
          %dma_wait3A_484 = tpu.memref_slice %arg18[%dma_wait3A_482, %dma_wait3A_483] : memref<10240x128xf32, #tpu.memory_space<vmem_shared>> -> memref<10240x128xf32, #tpu.memory_space<vmem_shared>>
          tpu.wait_indirect_dma semaphore(%arg34 : memref<!tpu.dma_semaphore, #tpu.memory_space<semaphore_mem>>) src(%arg17 : memref<80x128xf32, #tpu.memory_space<vmem>>) dst(%dma_wait3A_484 : memref<10240x128xf32, #tpu.memory_space<vmem_shared>>)
        } else {
        }
        %add3A_455 = arith.constant 3 : i32
        %add3A_456 = arith.addi %add3A_345, %add3A_455 : i32
        %dma_start3A_457 = arith.constant 0 : i32
        %dma_start3A_458 = arith.constant 0 : i32
        %dma_start3A_459 = tpu.memref_slice %arg3[%dma_start3A_457, %add3A, %add3A_456, %dma_start3A_458] : memref<2x32x125x80xi32, #tpu.memory_space<hbm>> -> memref<1x1x1x80xi32, #tpu.memory_space<hbm>>
        %dma_start3A_460 = tpu.memref_squeeze %dma_start3A_459 : memref<1x1x1x80xi32, #tpu.memory_space<hbm>> -> memref<80xi32, #tpu.memory_space<hbm>>
        %dma_start3A_461 = arith.constant 0 : i32
        %dma_start3A_462 = tpu.memref_slice %arg3[%dma_start3A_457, %add3A, %add3A_456, %dma_start3A_461] : memref<2x32x125x80xi32, #tpu.memory_space<hbm>> -> memref<1x1x1x80xi32, #tpu.memory_space<hbm>>
        %dma_start3A_463 = tpu.memref_squeeze %dma_start3A_462 : memref<1x1x1x80xi32, #tpu.memory_space<hbm>> -> memref<80xi32, #tpu.memory_space<hbm>>
        tpu.enqueue_dma source(%dma_start3A_463 : memref<80xi32, #tpu.memory_space<hbm>>) target(%arg9 : memref<80xi32, #tpu.memory_space<vmem>>) target_semaphore(%arg22 : memref<!tpu.dma_semaphore, #tpu.memory_space<semaphore_mem>>)
        %dma_start3A_464 = arith.constant 1 : i32
        %dma_start3A_465 = arith.constant 0 : i32
        %dma_start3A_466 = tpu.memref_slice %arg3[%dma_start3A_464, %add3A, %add3A_456, %dma_start3A_465] : memref<2x32x125x80xi32, #tpu.memory_space<hbm>> -> memref<1x1x1x80xi32, #tpu.memory_space<hbm>>
        %dma_start3A_467 = tpu.memref_squeeze %dma_start3A_466 : memref<1x1x1x80xi32, #tpu.memory_space<hbm>> -> memref<80xi32, #tpu.memory_space<hbm>>
        %dma_start3A_468 = arith.constant 0 : i32
        %dma_start3A_469 = tpu.memref_slice %arg3[%dma_start3A_464, %add3A, %add3A_456, %dma_start3A_468] : memref<2x32x125x80xi32, #tpu.memory_space<hbm>> -> memref<1x1x1x80xi32, #tpu.memory_space<hbm>>
        %dma_start3A_470 = tpu.memref_squeeze %dma_start3A_469 : memref<1x1x1x80xi32, #tpu.memory_space<hbm>> -> memref<80xi32, #tpu.memory_space<hbm>>
        tpu.enqueue_dma source(%dma_start3A_470 : memref<80xi32, #tpu.memory_space<hbm>>) target(%arg13 : memref<80xi32, #tpu.memory_space<vmem>>) target_semaphore(%arg26 : memref<!tpu.dma_semaphore, #tpu.memory_space<semaphore_mem>>)
        %dma_wait3A_471 = arith.constant 0 : i32
        %dma_wait3A_472 = arith.constant 0 : i32
        %dma_wait3A_473 = arith.constant 0 : i32
        %dma_wait3A_474 = tpu.memref_slice %arg3[%dma_wait3A_471, %add3A, %dma_wait3A_472, %dma_wait3A_473] : memref<2x32x125x80xi32, #tpu.memory_space<hbm>> -> memref<1x1x1x80xi32, #tpu.memory_space<hbm>>
        %dma_wait3A_475 = tpu.memref_squeeze %dma_wait3A_474 : memref<1x1x1x80xi32, #tpu.memory_space<hbm>> -> memref<80xi32, #tpu.memory_space<hbm>>
        %dma_wait3A_476 = arith.constant 0 : i32
        %dma_wait3A_477 = tpu.memref_slice %arg3[%dma_wait3A_471, %add3A, %dma_wait3A_472, %dma_wait3A_476] : memref<2x32x125x80xi32, #tpu.memory_space<hbm>> -> memref<1x1x1x80xi32, #tpu.memory_space<hbm>>
        %dma_wait3A_478 = tpu.memref_squeeze %dma_wait3A_477 : memref<1x1x1x80xi32, #tpu.memory_space<hbm>> -> memref<80xi32, #tpu.memory_space<hbm>>
        tpu.wait_dma2 semaphore(%arg22 : memref<!tpu.dma_semaphore, #tpu.memory_space<semaphore_mem>>) src(%dma_wait3A_478 : memref<80xi32, #tpu.memory_space<hbm>>) dst(%arg9 : memref<80xi32, #tpu.memory_space<vmem>>)
        %dma_start3A_479 = arith.constant 0 : i32
        %dma_start3A_480 = arith.constant 0 : i32
        %dma_start3A_481 = tpu.memref_slice %arg2[%dma_start3A_479, %dma_start3A_480] : memref<10000x128xf32, #tpu.memory_space<hbm>> -> memref<10000x128xf32, #tpu.memory_space<hbm>>
        tpu.enqueue_indirect_dma source(%dma_start3A_481 : memref<10000x128xf32, #tpu.memory_space<hbm>>) target(%arg17 : memref<80x128xf32, #tpu.memory_space<vmem>>) offsets(%arg9 : memref<80xi32, #tpu.memory_space<vmem>>) semaphore(%arg30 : memref<!tpu.dma_semaphore, #tpu.memory_space<semaphore_mem>>)
      } else {
      }
      %mul3A_367 = arith.constant 4 : i32
      %mul3A_368 = arith.muli %mul3A_367, %scan3A_341 : i32
      %add3A_369 = arith.constant 1 : i32
      %add3A_370 = arith.addi %mul3A_368, %add3A_369 : i32
      %dma_wait3A_371 = arith.constant 0 : i32
      %dma_wait3A_372 = arith.constant 0 : i32
      %dma_wait3A_373 = tpu.memref_slice %arg2[%dma_wait3A_371, %dma_wait3A_372] : memref<10000x128xf32, #tpu.memory_space<hbm>> -> memref<80x128xf32, #tpu.memory_space<hbm>>
      %dma_wait3A_374 = arith.constant 0 : i32
      %dma_wait3A_375 = arith.constant 0 : i32
      %dma_wait3A_376 = tpu.memref_slice %arg2[%dma_wait3A_374, %dma_wait3A_375] : memref<10000x128xf32, #tpu.memory_space<hbm>> -> memref<80x128xf32, #tpu.memory_space<hbm>>
      tpu.wait_dma2 semaphore(%arg28 : memref<!tpu.dma_semaphore, #tpu.memory_space<semaphore_mem>>) src(%dma_wait3A_376 : memref<80x128xf32, #tpu.memory_space<hbm>>) dst(%arg15 : memref<80x128xf32, #tpu.memory_space<vmem>>)
      %dma_wait3A_377 = arith.constant 1 : i32
      %dma_wait3A_378 = arith.constant 0 : i32
      %dma_wait3A_379 = arith.constant 0 : i32
      %dma_wait3A_380 = tpu.memref_slice %arg3[%dma_wait3A_377, %add3A, %dma_wait3A_378, %dma_wait3A_379] : memref<2x32x125x80xi32, #tpu.memory_space<hbm>> -> memref<1x1x1x80xi32, #tpu.memory_space<hbm>>
      %dma_wait3A_381 = tpu.memref_squeeze %dma_wait3A_380 : memref<1x1x1x80xi32, #tpu.memory_space<hbm>> -> memref<80xi32, #tpu.memory_space<hbm>>
      %dma_wait3A_382 = arith.constant 0 : i32
      %dma_wait3A_383 = tpu.memref_slice %arg3[%dma_wait3A_377, %add3A, %dma_wait3A_378, %dma_wait3A_382] : memref<2x32x125x80xi32, #tpu.memory_space<hbm>> -> memref<1x1x1x80xi32, #tpu.memory_space<hbm>>
      %dma_wait3A_384 = tpu.memref_squeeze %dma_wait3A_383 : memref<1x1x1x80xi32, #tpu.memory_space<hbm>> -> memref<80xi32, #tpu.memory_space<hbm>>
      tpu.wait_dma2 semaphore(%arg24 : memref<!tpu.dma_semaphore, #tpu.memory_space<semaphore_mem>>) src(%dma_wait3A_384 : memref<80xi32, #tpu.memory_space<hbm>>) dst(%arg11 : memref<80xi32, #tpu.memory_space<vmem>>)
      %dma_start3A_385 = arith.constant 0 : i32
      %dma_start3A_386 = arith.constant 0 : i32
      %dma_start3A_387 = tpu.memref_slice %arg18[%dma_start3A_385, %dma_start3A_386] : memref<10240x128xf32, #tpu.memory_space<vmem_shared>> -> memref<10240x128xf32, #tpu.memory_space<vmem_shared>>
      tpu.enqueue_indirect_dma source(%arg15 : memref<80x128xf32, #tpu.memory_space<vmem>>) target(%dma_start3A_387 : memref<10240x128xf32, #tpu.memory_space<vmem_shared>>) offsets(%arg11 : memref<80xi32, #tpu.memory_space<vmem>>) semaphore(%arg32 : memref<!tpu.dma_semaphore, #tpu.memory_space<semaphore_mem>>) {add = true}
      %add3A_388 = arith.constant 3 : i32
      %add3A_389 = arith.addi %add3A_370, %add3A_388 : i32
      %lt3A_390 = arith.constant 125 : i32
      %lt3A_391 = arith.cmpi slt, %add3A_389, %lt3A_390 : i32
      %convert_element_type3A_392 = arith.extui %lt3A_391 : i1 to i32
      %cond3A_393 = arith.constant 0 : i32
      %cond3A_394 = arith.cmpi ne, %convert_element_type3A_392, %cond3A_393 : i32
      scf.if %cond3A_394 {
        %ge3A = arith.constant 1 : i32
        %ge3A_451 = arith.cmpi sge, %add3A_370, %ge3A : i32
        %convert_element_type3A_452 = arith.extui %ge3A_451 : i1 to i32
        %cond3A_453 = arith.constant 0 : i32
        %cond3A_454 = arith.cmpi ne, %convert_element_type3A_452, %cond3A_453 : i32
        scf.if %cond3A_454 {
          %dma_wait3A_482 = arith.constant 0 : i32
          %dma_wait3A_483 = arith.constant 0 : i32
          %dma_wait3A_484 = tpu.memref_slice %arg18[%dma_wait3A_482, %dma_wait3A_483] : memref<10240x128xf32, #tpu.memory_space<vmem_shared>> -> memref<10240x128xf32, #tpu.memory_space<vmem_shared>>
          tpu.wait_indirect_dma semaphore(%arg31 : memref<!tpu.dma_semaphore, #tpu.memory_space<semaphore_mem>>) src(%arg14 : memref<80x128xf32, #tpu.memory_space<vmem>>) dst(%dma_wait3A_484 : memref<10240x128xf32, #tpu.memory_space<vmem_shared>>)
        } else {
        }
        %add3A_455 = arith.constant 3 : i32
        %add3A_456 = arith.addi %add3A_370, %add3A_455 : i32
        %dma_start3A_457 = arith.constant 0 : i32
        %dma_start3A_458 = arith.constant 0 : i32
        %dma_start3A_459 = tpu.memref_slice %arg3[%dma_start3A_457, %add3A, %add3A_456, %dma_start3A_458] : memref<2x32x125x80xi32, #tpu.memory_space<hbm>> -> memref<1x1x1x80xi32, #tpu.memory_space<hbm>>
        %dma_start3A_460 = tpu.memref_squeeze %dma_start3A_459 : memref<1x1x1x80xi32, #tpu.memory_space<hbm>> -> memref<80xi32, #tpu.memory_space<hbm>>
        %dma_start3A_461 = arith.constant 0 : i32
        %dma_start3A_462 = tpu.memref_slice %arg3[%dma_start3A_457, %add3A, %add3A_456, %dma_start3A_461] : memref<2x32x125x80xi32, #tpu.memory_space<hbm>> -> memref<1x1x1x80xi32, #tpu.memory_space<hbm>>
        %dma_start3A_463 = tpu.memref_squeeze %dma_start3A_462 : memref<1x1x1x80xi32, #tpu.memory_space<hbm>> -> memref<80xi32, #tpu.memory_space<hbm>>
        tpu.enqueue_dma source(%dma_start3A_463 : memref<80xi32, #tpu.memory_space<hbm>>) target(%arg6 : memref<80xi32, #tpu.memory_space<vmem>>) target_semaphore(%arg19 : memref<!tpu.dma_semaphore, #tpu.memory_space<semaphore_mem>>)
        %dma_start3A_464 = arith.constant 1 : i32
        %dma_start3A_465 = arith.constant 0 : i32
        %dma_start3A_466 = tpu.memref_slice %arg3[%dma_start3A_464, %add3A, %add3A_456, %dma_start3A_465] : memref<2x32x125x80xi32, #tpu.memory_space<hbm>> -> memref<1x1x1x80xi32, #tpu.memory_space<hbm>>
        %dma_start3A_467 = tpu.memref_squeeze %dma_start3A_466 : memref<1x1x1x80xi32, #tpu.memory_space<hbm>> -> memref<80xi32, #tpu.memory_space<hbm>>
        %dma_start3A_468 = arith.constant 0 : i32
        %dma_start3A_469 = tpu.memref_slice %arg3[%dma_start3A_464, %add3A, %add3A_456, %dma_start3A_468] : memref<2x32x125x80xi32, #tpu.memory_space<hbm>> -> memref<1x1x1x80xi32, #tpu.memory_space<hbm>>
        %dma_start3A_470 = tpu.memref_squeeze %dma_start3A_469 : memref<1x1x1x80xi32, #tpu.memory_space<hbm>> -> memref<80xi32, #tpu.memory_space<hbm>>
        tpu.enqueue_dma source(%dma_start3A_470 : memref<80xi32, #tpu.memory_space<hbm>>) target(%arg10 : memref<80xi32, #tpu.memory_space<vmem>>) target_semaphore(%arg23 : memref<!tpu.dma_semaphore, #tpu.memory_space<semaphore_mem>>)
        %dma_wait3A_471 = arith.constant 0 : i32
        %dma_wait3A_472 = arith.constant 0 : i32
        %dma_wait3A_473 = arith.constant 0 : i32
        %dma_wait3A_474 = tpu.memref_slice %arg3[%dma_wait3A_471, %add3A, %dma_wait3A_472, %dma_wait3A_473] : memref<2x32x125x80xi32, #tpu.memory_space<hbm>> -> memref<1x1x1x80xi32, #tpu.memory_space<hbm>>
        %dma_wait3A_475 = tpu.memref_squeeze %dma_wait3A_474 : memref<1x1x1x80xi32, #tpu.memory_space<hbm>> -> memref<80xi32, #tpu.memory_space<hbm>>
        %dma_wait3A_476 = arith.constant 0 : i32
        %dma_wait3A_477 = tpu.memref_slice %arg3[%dma_wait3A_471, %add3A, %dma_wait3A_472, %dma_wait3A_476] : memref<2x32x125x80xi32, #tpu.memory_space<hbm>> -> memref<1x1x1x80xi32, #tpu.memory_space<hbm>>
        %dma_wait3A_478 = tpu.memref_squeeze %dma_wait3A_477 : memref<1x1x1x80xi32, #tpu.memory_space<hbm>> -> memref<80xi32, #tpu.memory_space<hbm>>
        tpu.wait_dma2 semaphore(%arg19 : memref<!tpu.dma_semaphore, #tpu.memory_space<semaphore_mem>>) src(%dma_wait3A_478 : memref<80xi32, #tpu.memory_space<hbm>>) dst(%arg6 : memref<80xi32, #tpu.memory_space<vmem>>)
        %dma_start3A_479 = arith.constant 0 : i32
        %dma_start3A_480 = arith.constant 0 : i32
        %dma_start3A_481 = tpu.memref_slice %arg2[%dma_start3A_479, %dma_start3A_480] : memref<10000x128xf32, #tpu.memory_space<hbm>> -> memref<10000x128xf32, #tpu.memory_space<hbm>>
        tpu.enqueue_indirect_dma source(%dma_start3A_481 : memref<10000x128xf32, #tpu.memory_space<hbm>>) target(%arg14 : memref<80x128xf32, #tpu.memory_space<vmem>>) offsets(%arg6 : memref<80xi32, #tpu.memory_space<vmem>>) semaphore(%arg27 : memref<!tpu.dma_semaphore, #tpu.memory_space<semaphore_mem>>)
      } else {
      }
      %mul3A_395 = arith.constant 4 : i32
      %mul3A_396 = arith.muli %mul3A_395, %scan3A_341 : i32
      %add3A_397 = arith.constant 2 : i32
      %add3A_398 = arith.addi %mul3A_396, %add3A_397 : i32
      %dma_wait3A_399 = arith.constant 0 : i32
      %dma_wait3A_400 = arith.constant 0 : i32
      %dma_wait3A_401 = tpu.memref_slice %arg2[%dma_wait3A_399, %dma_wait3A_400] : memref<10000x128xf32, #tpu.memory_space<hbm>> -> memref<80x128xf32, #tpu.memory_space<hbm>>
      %dma_wait3A_402 = arith.constant 0 : i32
      %dma_wait3A_403 = arith.constant 0 : i32
      %dma_wait3A_404 = tpu.memref_slice %arg2[%dma_wait3A_402, %dma_wait3A_403] : memref<10000x128xf32, #tpu.memory_space<hbm>> -> memref<80x128xf32, #tpu.memory_space<hbm>>
      tpu.wait_dma2 semaphore(%arg29 : memref<!tpu.dma_semaphore, #tpu.memory_space<semaphore_mem>>) src(%dma_wait3A_404 : memref<80x128xf32, #tpu.memory_space<hbm>>) dst(%arg16 : memref<80x128xf32, #tpu.memory_space<vmem>>)
      %dma_wait3A_405 = arith.constant 1 : i32
      %dma_wait3A_406 = arith.constant 0 : i32
      %dma_wait3A_407 = arith.constant 0 : i32
      %dma_wait3A_408 = tpu.memref_slice %arg3[%dma_wait3A_405, %add3A, %dma_wait3A_406, %dma_wait3A_407] : memref<2x32x125x80xi32, #tpu.memory_space<hbm>> -> memref<1x1x1x80xi32, #tpu.memory_space<hbm>>
      %dma_wait3A_409 = tpu.memref_squeeze %dma_wait3A_408 : memref<1x1x1x80xi32, #tpu.memory_space<hbm>> -> memref<80xi32, #tpu.memory_space<hbm>>
      %dma_wait3A_410 = arith.constant 0 : i32
      %dma_wait3A_411 = tpu.memref_slice %arg3[%dma_wait3A_405, %add3A, %dma_wait3A_406, %dma_wait3A_410] : memref<2x32x125x80xi32, #tpu.memory_space<hbm>> -> memref<1x1x1x80xi32, #tpu.memory_space<hbm>>
      %dma_wait3A_412 = tpu.memref_squeeze %dma_wait3A_411 : memref<1x1x1x80xi32, #tpu.memory_space<hbm>> -> memref<80xi32, #tpu.memory_space<hbm>>
      tpu.wait_dma2 semaphore(%arg25 : memref<!tpu.dma_semaphore, #tpu.memory_space<semaphore_mem>>) src(%dma_wait3A_412 : memref<80xi32, #tpu.memory_space<hbm>>) dst(%arg12 : memref<80xi32, #tpu.memory_space<vmem>>)
      %dma_start3A_413 = arith.constant 0 : i32
      %dma_start3A_414 = arith.constant 0 : i32
      %dma_start3A_415 = tpu.memref_slice %arg18[%dma_start3A_413, %dma_start3A_414] : memref<10240x128xf32, #tpu.memory_space<vmem_shared>> -> memref<10240x128xf32, #tpu.memory_space<vmem_shared>>
      tpu.enqueue_indirect_dma source(%arg16 : memref<80x128xf32, #tpu.memory_space<vmem>>) target(%dma_start3A_415 : memref<10240x128xf32, #tpu.memory_space<vmem_shared>>) offsets(%arg12 : memref<80xi32, #tpu.memory_space<vmem>>) semaphore(%arg33 : memref<!tpu.dma_semaphore, #tpu.memory_space<semaphore_mem>>) {add = true}
      %add3A_416 = arith.constant 3 : i32
      %add3A_417 = arith.addi %add3A_398, %add3A_416 : i32
      %lt3A_418 = arith.constant 125 : i32
      %lt3A_419 = arith.cmpi slt, %add3A_417, %lt3A_418 : i32
      %convert_element_type3A_420 = arith.extui %lt3A_419 : i1 to i32
      %cond3A_421 = arith.constant 0 : i32
      %cond3A_422 = arith.cmpi ne, %convert_element_type3A_420, %cond3A_421 : i32
      scf.if %cond3A_422 {
        %ge3A = arith.constant 1 : i32
        %ge3A_451 = arith.cmpi sge, %add3A_398, %ge3A : i32
        %convert_element_type3A_452 = arith.extui %ge3A_451 : i1 to i32
        %cond3A_453 = arith.constant 0 : i32
        %cond3A_454 = arith.cmpi ne, %convert_element_type3A_452, %cond3A_453 : i32
        scf.if %cond3A_454 {
          %dma_wait3A_482 = arith.constant 0 : i32
          %dma_wait3A_483 = arith.constant 0 : i32
          %dma_wait3A_484 = tpu.memref_slice %arg18[%dma_wait3A_482, %dma_wait3A_483] : memref<10240x128xf32, #tpu.memory_space<vmem_shared>> -> memref<10240x128xf32, #tpu.memory_space<vmem_shared>>
          tpu.wait_indirect_dma semaphore(%arg32 : memref<!tpu.dma_semaphore, #tpu.memory_space<semaphore_mem>>) src(%arg15 : memref<80x128xf32, #tpu.memory_space<vmem>>) dst(%dma_wait3A_484 : memref<10240x128xf32, #tpu.memory_space<vmem_shared>>)
        } else {
        }
        %add3A_455 = arith.constant 3 : i32
        %add3A_456 = arith.addi %add3A_398, %add3A_455 : i32
        %dma_start3A_457 = arith.constant 0 : i32
        %dma_start3A_458 = arith.constant 0 : i32
        %dma_start3A_459 = tpu.memref_slice %arg3[%dma_start3A_457, %add3A, %add3A_456, %dma_start3A_458] : memref<2x32x125x80xi32, #tpu.memory_space<hbm>> -> memref<1x1x1x80xi32, #tpu.memory_space<hbm>>
        %dma_start3A_460 = tpu.memref_squeeze %dma_start3A_459 : memref<1x1x1x80xi32, #tpu.memory_space<hbm>> -> memref<80xi32, #tpu.memory_space<hbm>>
        %dma_start3A_461 = arith.constant 0 : i32
        %dma_start3A_462 = tpu.memref_slice %arg3[%dma_start3A_457, %add3A, %add3A_456, %dma_start3A_461] : memref<2x32x125x80xi32, #tpu.memory_space<hbm>> -> memref<1x1x1x80xi32, #tpu.memory_space<hbm>>
        %dma_start3A_463 = tpu.memref_squeeze %dma_start3A_462 : memref<1x1x1x80xi32, #tpu.memory_space<hbm>> -> memref<80xi32, #tpu.memory_space<hbm>>
        tpu.enqueue_dma source(%dma_start3A_463 : memref<80xi32, #tpu.memory_space<hbm>>) target(%arg7 : memref<80xi32, #tpu.memory_space<vmem>>) target_semaphore(%arg20 : memref<!tpu.dma_semaphore, #tpu.memory_space<semaphore_mem>>)
        %dma_start3A_464 = arith.constant 1 : i32
        %dma_start3A_465 = arith.constant 0 : i32
        %dma_start3A_466 = tpu.memref_slice %arg3[%dma_start3A_464, %add3A, %add3A_456, %dma_start3A_465] : memref<2x32x125x80xi32, #tpu.memory_space<hbm>> -> memref<1x1x1x80xi32, #tpu.memory_space<hbm>>
        %dma_start3A_467 = tpu.memref_squeeze %dma_start3A_466 : memref<1x1x1x80xi32, #tpu.memory_space<hbm>> -> memref<80xi32, #tpu.memory_space<hbm>>
        %dma_start3A_468 = arith.constant 0 : i32
        %dma_start3A_469 = tpu.memref_slice %arg3[%dma_start3A_464, %add3A, %add3A_456, %dma_start3A_468] : memref<2x32x125x80xi32, #tpu.memory_space<hbm>> -> memref<1x1x1x80xi32, #tpu.memory_space<hbm>>
        %dma_start3A_470 = tpu.memref_squeeze %dma_start3A_469 : memref<1x1x1x80xi32, #tpu.memory_space<hbm>> -> memref<80xi32, #tpu.memory_space<hbm>>
        tpu.enqueue_dma source(%dma_start3A_470 : memref<80xi32, #tpu.memory_space<hbm>>) target(%arg11 : memref<80xi32, #tpu.memory_space<vmem>>) target_semaphore(%arg24 : memref<!tpu.dma_semaphore, #tpu.memory_space<semaphore_mem>>)
        %dma_wait3A_471 = arith.constant 0 : i32
        %dma_wait3A_472 = arith.constant 0 : i32
        %dma_wait3A_473 = arith.constant 0 : i32
        %dma_wait3A_474 = tpu.memref_slice %arg3[%dma_wait3A_471, %add3A, %dma_wait3A_472, %dma_wait3A_473] : memref<2x32x125x80xi32, #tpu.memory_space<hbm>> -> memref<1x1x1x80xi32, #tpu.memory_space<hbm>>
        %dma_wait3A_475 = tpu.memref_squeeze %dma_wait3A_474 : memref<1x1x1x80xi32, #tpu.memory_space<hbm>> -> memref<80xi32, #tpu.memory_space<hbm>>
        %dma_wait3A_476 = arith.constant 0 : i32
        %dma_wait3A_477 = tpu.memref_slice %arg3[%dma_wait3A_471, %add3A, %dma_wait3A_472, %dma_wait3A_476] : memref<2x32x125x80xi32, #tpu.memory_space<hbm>> -> memref<1x1x1x80xi32, #tpu.memory_space<hbm>>
        %dma_wait3A_478 = tpu.memref_squeeze %dma_wait3A_477 : memref<1x1x1x80xi32, #tpu.memory_space<hbm>> -> memref<80xi32, #tpu.memory_space<hbm>>
        tpu.wait_dma2 semaphore(%arg20 : memref<!tpu.dma_semaphore, #tpu.memory_space<semaphore_mem>>) src(%dma_wait3A_478 : memref<80xi32, #tpu.memory_space<hbm>>) dst(%arg7 : memref<80xi32, #tpu.memory_space<vmem>>)
        %dma_start3A_479 = arith.constant 0 : i32
        %dma_start3A_480 = arith.constant 0 : i32
        %dma_start3A_481 = tpu.memref_slice %arg2[%dma_start3A_479, %dma_start3A_480] : memref<10000x128xf32, #tpu.memory_space<hbm>> -> memref<10000x128xf32, #tpu.memory_space<hbm>>
        tpu.enqueue_indirect_dma source(%dma_start3A_481 : memref<10000x128xf32, #tpu.memory_space<hbm>>) target(%arg15 : memref<80x128xf32, #tpu.memory_space<vmem>>) offsets(%arg7 : memref<80xi32, #tpu.memory_space<vmem>>) semaphore(%arg28 : memref<!tpu.dma_semaphore, #tpu.memory_space<semaphore_mem>>)
      } else {
      }
      %mul3A_423 = arith.constant 4 : i32
      %mul3A_424 = arith.muli %mul3A_423, %scan3A_341 : i32
      %add3A_425 = arith.constant 3 : i32
      %add3A_426 = arith.addi %mul3A_424, %add3A_425 : i32
      %dma_wait3A_427 = arith.constant 0 : i32
      %dma_wait3A_428 = arith.constant 0 : i32
      %dma_wait3A_429 = tpu.memref_slice %arg2[%dma_wait3A_427, %dma_wait3A_428] : memref<10000x128xf32, #tpu.memory_space<hbm>> -> memref<80x128xf32, #tpu.memory_space<hbm>>
      %dma_wait3A_430 = arith.constant 0 : i32
      %dma_wait3A_431 = arith.constant 0 : i32
      %dma_wait3A_432 = tpu.memref_slice %arg2[%dma_wait3A_430, %dma_wait3A_431] : memref<10000x128xf32, #tpu.memory_space<hbm>> -> memref<80x128xf32, #tpu.memory_space<hbm>>
      tpu.wait_dma2 semaphore(%arg30 : memref<!tpu.dma_semaphore, #tpu.memory_space<semaphore_mem>>) src(%dma_wait3A_432 : memref<80x128xf32, #tpu.memory_space<hbm>>) dst(%arg17 : memref<80x128xf32, #tpu.memory_space<vmem>>)
      %dma_wait3A_433 = arith.constant 1 : i32
      %dma_wait3A_434 = arith.constant 0 : i32
      %dma_wait3A_435 = arith.constant 0 : i32
      %dma_wait3A_436 = tpu.memref_slice %arg3[%dma_wait3A_433, %add3A, %dma_wait3A_434, %dma_wait3A_435] : memref<2x32x125x80xi32, #tpu.memory_space<hbm>> -> memref<1x1x1x80xi32, #tpu.memory_space<hbm>>
      %dma_wait3A_437 = tpu.memref_squeeze %dma_wait3A_436 : memref<1x1x1x80xi32, #tpu.memory_space<hbm>> -> memref<80xi32, #tpu.memory_space<hbm>>
      %dma_wait3A_438 = arith.constant 0 : i32
      %dma_wait3A_439 = tpu.memref_slice %arg3[%dma_wait3A_433, %add3A, %dma_wait3A_434, %dma_wait3A_438] : memref<2x32x125x80xi32, #tpu.memory_space<hbm>> -> memref<1x1x1x80xi32, #tpu.memory_space<hbm>>
      %dma_wait3A_440 = tpu.memref_squeeze %dma_wait3A_439 : memref<1x1x1x80xi32, #tpu.memory_space<hbm>> -> memref<80xi32, #tpu.memory_space<hbm>>
      tpu.wait_dma2 semaphore(%arg26 : memref<!tpu.dma_semaphore, #tpu.memory_space<semaphore_mem>>) src(%dma_wait3A_440 : memref<80xi32, #tpu.memory_space<hbm>>) dst(%arg13 : memref<80xi32, #tpu.memory_space<vmem>>)
      %dma_start3A_441 = arith.constant 0 : i32
      %dma_start3A_442 = arith.constant 0 : i32
      %dma_start3A_443 = tpu.memref_slice %arg18[%dma_start3A_441, %dma_start3A_442] : memref<10240x128xf32, #tpu.memory_space<vmem_shared>> -> memref<10240x128xf32, #tpu.memory_space<vmem_shared>>
      tpu.enqueue_indirect_dma source(%arg17 : memref<80x128xf32, #tpu.memory_space<vmem>>) target(%dma_start3A_443 : memref<10240x128xf32, #tpu.memory_space<vmem_shared>>) offsets(%arg13 : memref<80xi32, #tpu.memory_space<vmem>>) semaphore(%arg34 : memref<!tpu.dma_semaphore, #tpu.memory_space<semaphore_mem>>) {add = true}
      %add3A_444 = arith.constant 3 : i32
      %add3A_445 = arith.addi %add3A_426, %add3A_444 : i32
      %lt3A_446 = arith.constant 125 : i32
      %lt3A_447 = arith.cmpi slt, %add3A_445, %lt3A_446 : i32
      %convert_element_type3A_448 = arith.extui %lt3A_447 : i1 to i32
      %cond3A_449 = arith.constant 0 : i32
      %cond3A_450 = arith.cmpi ne, %convert_element_type3A_448, %cond3A_449 : i32
      scf.if %cond3A_450 {
        %ge3A = arith.constant 1 : i32
        %ge3A_451 = arith.cmpi sge, %add3A_426, %ge3A : i32
        %convert_element_type3A_452 = arith.extui %ge3A_451 : i1 to i32
        %cond3A_453 = arith.constant 0 : i32
        %cond3A_454 = arith.cmpi ne, %convert_element_type3A_452, %cond3A_453 : i32
        scf.if %cond3A_454 {
          %dma_wait3A_482 = arith.constant 0 : i32
          %dma_wait3A_483 = arith.constant 0 : i32
          %dma_wait3A_484 = tpu.memref_slice %arg18[%dma_wait3A_482, %dma_wait3A_483] : memref<10240x128xf32, #tpu.memory_space<vmem_shared>> -> memref<10240x128xf32, #tpu.memory_space<vmem_shared>>
          tpu.wait_indirect_dma semaphore(%arg33 : memref<!tpu.dma_semaphore, #tpu.memory_space<semaphore_mem>>) src(%arg16 : memref<80x128xf32, #tpu.memory_space<vmem>>) dst(%dma_wait3A_484 : memref<10240x128xf32, #tpu.memory_space<vmem_shared>>)
        } else {
        }
        %add3A_455 = arith.constant 3 : i32
        %add3A_456 = arith.addi %add3A_426, %add3A_455 : i32
        %dma_start3A_457 = arith.constant 0 : i32
        %dma_start3A_458 = arith.constant 0 : i32
        %dma_start3A_459 = tpu.memref_slice %arg3[%dma_start3A_457, %add3A, %add3A_456, %dma_start3A_458] : memref<2x32x125x80xi32, #tpu.memory_space<hbm>> -> memref<1x1x1x80xi32, #tpu.memory_space<hbm>>
        %dma_start3A_460 = tpu.memref_squeeze %dma_start3A_459 : memref<1x1x1x80xi32, #tpu.memory_space<hbm>> -> memref<80xi32, #tpu.memory_space<hbm>>
        %dma_start3A_461 = arith.constant 0 : i32
        %dma_start3A_462 = tpu.memref_slice %arg3[%dma_start3A_457, %add3A, %add3A_456, %dma_start3A_461] : memref<2x32x125x80xi32, #tpu.memory_space<hbm>> -> memref<1x1x1x80xi32, #tpu.memory_space<hbm>>
        %dma_start3A_463 = tpu.memref_squeeze %dma_start3A_462 : memref<1x1x1x80xi32, #tpu.memory_space<hbm>> -> memref<80xi32, #tpu.memory_space<hbm>>
        tpu.enqueue_dma source(%dma_start3A_463 : memref<80xi32, #tpu.memory_space<hbm>>) target(%arg8 : memref<80xi32, #tpu.memory_space<vmem>>) target_semaphore(%arg21 : memref<!tpu.dma_semaphore, #tpu.memory_space<semaphore_mem>>)
        %dma_start3A_464 = arith.constant 1 : i32
        %dma_start3A_465 = arith.constant 0 : i32
        %dma_start3A_466 = tpu.memref_slice %arg3[%dma_start3A_464, %add3A, %add3A_456, %dma_start3A_465] : memref<2x32x125x80xi32, #tpu.memory_space<hbm>> -> memref<1x1x1x80xi32, #tpu.memory_space<hbm>>
        %dma_start3A_467 = tpu.memref_squeeze %dma_start3A_466 : memref<1x1x1x80xi32, #tpu.memory_space<hbm>> -> memref<80xi32, #tpu.memory_space<hbm>>
        %dma_start3A_468 = arith.constant 0 : i32
        %dma_start3A_469 = tpu.memref_slice %arg3[%dma_start3A_464, %add3A, %add3A_456, %dma_start3A_468] : memref<2x32x125x80xi32, #tpu.memory_space<hbm>> -> memref<1x1x1x80xi32, #tpu.memory_space<hbm>>
        %dma_start3A_470 = tpu.memref_squeeze %dma_start3A_469 : memref<1x1x1x80xi32, #tpu.memory_space<hbm>> -> memref<80xi32, #tpu.memory_space<hbm>>
        tpu.enqueue_dma source(%dma_start3A_470 : memref<80xi32, #tpu.memory_space<hbm>>) target(%arg12 : memref<80xi32, #tpu.memory_space<vmem>>) target_semaphore(%arg25 : memref<!tpu.dma_semaphore, #tpu.memory_space<semaphore_mem>>)
        %dma_wait3A_471 = arith.constant 0 : i32
        %dma_wait3A_472 = arith.constant 0 : i32
        %dma_wait3A_473 = arith.constant 0 : i32
        %dma_wait3A_474 = tpu.memref_slice %arg3[%dma_wait3A_471, %add3A, %dma_wait3A_472, %dma_wait3A_473] : memref<2x32x125x80xi32, #tpu.memory_space<hbm>> -> memref<1x1x1x80xi32, #tpu.memory_space<hbm>>
        %dma_wait3A_475 = tpu.memref_squeeze %dma_wait3A_474 : memref<1x1x1x80xi32, #tpu.memory_space<hbm>> -> memref<80xi32, #tpu.memory_space<hbm>>
        %dma_wait3A_476 = arith.constant 0 : i32
        %dma_wait3A_477 = tpu.memref_slice %arg3[%dma_wait3A_471, %add3A, %dma_wait3A_472, %dma_wait3A_476] : memref<2x32x125x80xi32, #tpu.memory_space<hbm>> -> memref<1x1x1x80xi32, #tpu.memory_space<hbm>>
        %dma_wait3A_478 = tpu.memref_squeeze %dma_wait3A_477 : memref<1x1x1x80xi32, #tpu.memory_space<hbm>> -> memref<80xi32, #tpu.memory_space<hbm>>
        tpu.wait_dma2 semaphore(%arg21 : memref<!tpu.dma_semaphore, #tpu.memory_space<semaphore_mem>>) src(%dma_wait3A_478 : memref<80xi32, #tpu.memory_space<hbm>>) dst(%arg8 : memref<80xi32, #tpu.memory_space<vmem>>)
        %dma_start3A_479 = arith.constant 0 : i32
        %dma_start3A_480 = arith.constant 0 : i32
        %dma_start3A_481 = tpu.memref_slice %arg2[%dma_start3A_479, %dma_start3A_480] : memref<10000x128xf32, #tpu.memory_space<hbm>> -> memref<10000x128xf32, #tpu.memory_space<hbm>>
        tpu.enqueue_indirect_dma source(%dma_start3A_481 : memref<10000x128xf32, #tpu.memory_space<hbm>>) target(%arg16 : memref<80x128xf32, #tpu.memory_space<vmem>>) offsets(%arg8 : memref<80xi32, #tpu.memory_space<vmem>>) semaphore(%arg29 : memref<!tpu.dma_semaphore, #tpu.memory_space<semaphore_mem>>)
      } else {
      }
    }
    %scan3A_182 = arith.constant 31 : i32
    %dma_wait3A_183 = arith.constant 0 : i32
    %dma_wait3A_184 = arith.constant 0 : i32
    %dma_wait3A_185 = tpu.memref_slice %arg2[%dma_wait3A_183, %dma_wait3A_184] : memref<10000x128xf32, #tpu.memory_space<hbm>> -> memref<80x128xf32, #tpu.memory_space<hbm>>
    %dma_wait3A_186 = arith.constant 0 : i32
    %dma_wait3A_187 = arith.constant 0 : i32
    %dma_wait3A_188 = tpu.memref_slice %arg2[%dma_wait3A_186, %dma_wait3A_187] : memref<10000x128xf32, #tpu.memory_space<hbm>> -> memref<80x128xf32, #tpu.memory_space<hbm>>
    tpu.wait_dma2 semaphore(%arg27 : memref<!tpu.dma_semaphore, #tpu.memory_space<semaphore_mem>>) src(%dma_wait3A_188 : memref<80x128xf32, #tpu.memory_space<hbm>>) dst(%arg14 : memref<80x128xf32, #tpu.memory_space<vmem>>)
    %dma_wait3A_189 = arith.constant 1 : i32
    %dma_wait3A_190 = arith.constant 0 : i32
    %dma_wait3A_191 = arith.constant 0 : i32
    %dma_wait3A_192 = tpu.memref_slice %arg3[%dma_wait3A_189, %add3A, %dma_wait3A_190, %dma_wait3A_191] : memref<2x32x125x80xi32, #tpu.memory_space<hbm>> -> memref<1x1x1x80xi32, #tpu.memory_space<hbm>>
    %dma_wait3A_193 = tpu.memref_squeeze %dma_wait3A_192 : memref<1x1x1x80xi32, #tpu.memory_space<hbm>> -> memref<80xi32, #tpu.memory_space<hbm>>
    %dma_wait3A_194 = arith.constant 0 : i32
    %dma_wait3A_195 = tpu.memref_slice %arg3[%dma_wait3A_189, %add3A, %dma_wait3A_190, %dma_wait3A_194] : memref<2x32x125x80xi32, #tpu.memory_space<hbm>> -> memref<1x1x1x80xi32, #tpu.memory_space<hbm>>
    %dma_wait3A_196 = tpu.memref_squeeze %dma_wait3A_195 : memref<1x1x1x80xi32, #tpu.memory_space<hbm>> -> memref<80xi32, #tpu.memory_space<hbm>>
    tpu.wait_dma2 semaphore(%arg23 : memref<!tpu.dma_semaphore, #tpu.memory_space<semaphore_mem>>) src(%dma_wait3A_196 : memref<80xi32, #tpu.memory_space<hbm>>) dst(%arg10 : memref<80xi32, #tpu.memory_space<vmem>>)
    %dma_start3A_197 = arith.constant 0 : i32
    %dma_start3A_198 = arith.constant 0 : i32
    %dma_start3A_199 = tpu.memref_slice %arg18[%dma_start3A_197, %dma_start3A_198] : memref<10240x128xf32, #tpu.memory_space<vmem_shared>> -> memref<10240x128xf32, #tpu.memory_space<vmem_shared>>
    tpu.enqueue_indirect_dma source(%arg14 : memref<80x128xf32, #tpu.memory_space<vmem>>) target(%dma_start3A_199 : memref<10240x128xf32, #tpu.memory_space<vmem_shared>>) offsets(%arg10 : memref<80xi32, #tpu.memory_space<vmem>>) semaphore(%arg31 : memref<!tpu.dma_semaphore, #tpu.memory_space<semaphore_mem>>) {add = true}
    %dma_wait3A_200 = arith.constant 0 : i32
    %dma_wait3A_201 = arith.constant 0 : i32
    %dma_wait3A_202 = tpu.memref_slice %arg18[%dma_wait3A_200, %dma_wait3A_201] : memref<10240x128xf32, #tpu.memory_space<vmem_shared>> -> memref<10240x128xf32, #tpu.memory_space<vmem_shared>>
    tpu.wait_indirect_dma semaphore(%arg32 : memref<!tpu.dma_semaphore, #tpu.memory_space<semaphore_mem>>) src(%arg15 : memref<80x128xf32, #tpu.memory_space<vmem>>) dst(%dma_wait3A_202 : memref<10240x128xf32, #tpu.memory_space<vmem_shared>>)
    %dma_wait3A_203 = arith.constant 0 : i32
    %dma_wait3A_204 = arith.constant 0 : i32
    %dma_wait3A_205 = tpu.memref_slice %arg18[%dma_wait3A_203, %dma_wait3A_204] : memref<10240x128xf32, #tpu.memory_space<vmem_shared>> -> memref<10240x128xf32, #tpu.memory_space<vmem_shared>>
    tpu.wait_indirect_dma semaphore(%arg33 : memref<!tpu.dma_semaphore, #tpu.memory_space<semaphore_mem>>) src(%arg16 : memref<80x128xf32, #tpu.memory_space<vmem>>) dst(%dma_wait3A_205 : memref<10240x128xf32, #tpu.memory_space<vmem_shared>>)
    %dma_wait3A_206 = arith.constant 0 : i32
    %dma_wait3A_207 = arith.constant 0 : i32
    %dma_wait3A_208 = tpu.memref_slice %arg18[%dma_wait3A_206, %dma_wait3A_207] : memref<10240x128xf32, #tpu.memory_space<vmem_shared>> -> memref<10240x128xf32, #tpu.memory_space<vmem_shared>>
    tpu.wait_indirect_dma semaphore(%arg34 : memref<!tpu.dma_semaphore, #tpu.memory_space<semaphore_mem>>) src(%arg17 : memref<80x128xf32, #tpu.memory_space<vmem>>) dst(%dma_wait3A_208 : memref<10240x128xf32, #tpu.memory_space<vmem_shared>>)
    %dma_wait3A_209 = arith.constant 0 : i32
    %dma_wait3A_210 = arith.constant 0 : i32
    %dma_wait3A_211 = tpu.memref_slice %arg18[%dma_wait3A_209, %dma_wait3A_210] : memref<10240x128xf32, #tpu.memory_space<vmem_shared>> -> memref<10240x128xf32, #tpu.memory_space<vmem_shared>>
    tpu.wait_indirect_dma semaphore(%arg31 : memref<!tpu.dma_semaphore, #tpu.memory_space<semaphore_mem>>) src(%arg14 : memref<80x128xf32, #tpu.memory_space<vmem>>) dst(%dma_wait3A_211 : memref<10240x128xf32, #tpu.memory_space<vmem_shared>>)
    %barrier3A_212 = arith.constant 0 : index
    tpu.barrier barrier_id(%barrier3A_212)
    %add3A_213 = arith.constant 0 : i32
    %add3A_214 = arith.addi %mul3A_2, %add3A_213 : i32
    "tpu.region"() ({
      %run_scoped3A = tpu.sem_alloc : memref<!tpu.dma_semaphore, #tpu.memory_space<semaphore_mem>>
      %dma_start3A_341 = arith.constant 0 : i32
      %dma_start3A_342 = tpu.memref_slice %arg18[%add3A_214, %dma_start3A_341] : memref<10240x128xf32, #tpu.memory_space<vmem_shared>> -> memref<80x128xf32, #tpu.memory_space<vmem_shared>>
      %dma_start3A_343 = arith.constant 0 : i32
      %dma_start3A_344 = tpu.memref_slice %arg18[%add3A_214, %dma_start3A_343] : memref<10240x128xf32, #tpu.memory_space<vmem_shared>> -> memref<80x128xf32, #tpu.memory_space<vmem_shared>>
      tpu.enqueue_dma source(%dma_start3A_344 : memref<80x128xf32, #tpu.memory_space<vmem_shared>>) target(%arg14 : memref<80x128xf32, #tpu.memory_space<vmem>>) target_semaphore(%run_scoped3A : memref<!tpu.dma_semaphore, #tpu.memory_space<semaphore_mem>>)
      %dma_wait3A_345 = arith.constant 0 : i32
      %dma_wait3A_346 = tpu.memref_slice %arg18[%add3A_214, %dma_wait3A_345] : memref<10240x128xf32, #tpu.memory_space<vmem_shared>> -> memref<80x128xf32, #tpu.memory_space<vmem_shared>>
      %dma_wait3A_347 = arith.constant 0 : i32
      %dma_wait3A_348 = tpu.memref_slice %arg18[%add3A_214, %dma_wait3A_347] : memref<10240x128xf32, #tpu.memory_space<vmem_shared>> -> memref<80x128xf32, #tpu.memory_space<vmem_shared>>
      tpu.wait_dma2 semaphore(%run_scoped3A : memref<!tpu.dma_semaphore, #tpu.memory_space<semaphore_mem>>) src(%dma_wait3A_348 : memref<80x128xf32, #tpu.memory_space<vmem_shared>>) dst(%arg14 : memref<80x128xf32, #tpu.memory_space<vmem>>)
      tpu.yield
    }) : () -> ()
    %dma_start3A_215 = arith.constant 0 : i32
    %dma_start3A_216 = tpu.memref_slice %arg5[%arg0, %add3A_214, %dma_start3A_215] : memref<2x10240x128xf32, #tpu.memory_space<hbm>> -> memref<1x80x128xf32, #tpu.memory_space<hbm>>
    %dma_start3A_217 = tpu.memref_squeeze %dma_start3A_216 : memref<1x80x128xf32, #tpu.memory_space<hbm>> -> memref<80x128xf32, #tpu.memory_space<hbm>>
    %dma_start3A_218 = arith.constant 0 : i32
    %dma_start3A_219 = tpu.memref_slice %arg5[%arg0, %add3A_214, %dma_start3A_218] : memref<2x10240x128xf32, #tpu.memory_space<hbm>> -> memref<1x80x128xf32, #tpu.memory_space<hbm>>
    %dma_start3A_220 = tpu.memref_squeeze %dma_start3A_219 : memref<1x80x128xf32, #tpu.memory_space<hbm>> -> memref<80x128xf32, #tpu.memory_space<hbm>>
    tpu.enqueue_dma source(%arg14 : memref<80x128xf32, #tpu.memory_space<vmem>>) target(%dma_start3A_220 : memref<80x128xf32, #tpu.memory_space<hbm>>) target_semaphore(%arg27 : memref<!tpu.dma_semaphore, #tpu.memory_space<semaphore_mem>>)
    %add3A_221 = arith.constant 80 : i32
    %add3A_222 = arith.addi %mul3A_2, %add3A_221 : i32
    "tpu.region"() ({
      %run_scoped3A = tpu.sem_alloc : memref<!tpu.dma_semaphore, #tpu.memory_space<semaphore_mem>>
      %dma_start3A_341 = arith.constant 0 : i32
      %dma_start3A_342 = tpu.memref_slice %arg18[%add3A_222, %dma_start3A_341] : memref<10240x128xf32, #tpu.memory_space<vmem_shared>> -> memref<80x128xf32, #tpu.memory_space<vmem_shared>>
      %dma_start3A_343 = arith.constant 0 : i32
      %dma_start3A_344 = tpu.memref_slice %arg18[%add3A_222, %dma_start3A_343] : memref<10240x128xf32, #tpu.memory_space<vmem_shared>> -> memref<80x128xf32, #tpu.memory_space<vmem_shared>>
      tpu.enqueue_dma source(%dma_start3A_344 : memref<80x128xf32, #tpu.memory_space<vmem_shared>>) target(%arg15 : memref<80x128xf32, #tpu.memory_space<vmem>>) target_semaphore(%run_scoped3A : memref<!tpu.dma_semaphore, #tpu.memory_space<semaphore_mem>>)
      %dma_wait3A_345 = arith.constant 0 : i32
      %dma_wait3A_346 = tpu.memref_slice %arg18[%add3A_222, %dma_wait3A_345] : memref<10240x128xf32, #tpu.memory_space<vmem_shared>> -> memref<80x128xf32, #tpu.memory_space<vmem_shared>>
      %dma_wait3A_347 = arith.constant 0 : i32
      %dma_wait3A_348 = tpu.memref_slice %arg18[%add3A_222, %dma_wait3A_347] : memref<10240x128xf32, #tpu.memory_space<vmem_shared>> -> memref<80x128xf32, #tpu.memory_space<vmem_shared>>
      tpu.wait_dma2 semaphore(%run_scoped3A : memref<!tpu.dma_semaphore, #tpu.memory_space<semaphore_mem>>) src(%dma_wait3A_348 : memref<80x128xf32, #tpu.memory_space<vmem_shared>>) dst(%arg15 : memref<80x128xf32, #tpu.memory_space<vmem>>)
      tpu.yield
    }) : () -> ()
    %dma_start3A_223 = arith.constant 0 : i32
    %dma_start3A_224 = tpu.memref_slice %arg5[%arg0, %add3A_222, %dma_start3A_223] : memref<2x10240x128xf32, #tpu.memory_space<hbm>> -> memref<1x80x128xf32, #tpu.memory_space<hbm>>
    %dma_start3A_225 = tpu.memref_squeeze %dma_start3A_224 : memref<1x80x128xf32, #tpu.memory_space<hbm>> -> memref<80x128xf32, #tpu.memory_space<hbm>>
    %dma_start3A_226 = arith.constant 0 : i32
    %dma_start3A_227 = tpu.memref_slice %arg5[%arg0, %add3A_222, %dma_start3A_226] : memref<2x10240x128xf32, #tpu.memory_space<hbm>> -> memref<1x80x128xf32, #tpu.memory_space<hbm>>
    %dma_start3A_228 = tpu.memref_squeeze %dma_start3A_227 : memref<1x80x128xf32, #tpu.memory_space<hbm>> -> memref<80x128xf32, #tpu.memory_space<hbm>>
    tpu.enqueue_dma source(%arg15 : memref<80x128xf32, #tpu.memory_space<vmem>>) target(%dma_start3A_228 : memref<80x128xf32, #tpu.memory_space<hbm>>) target_semaphore(%arg28 : memref<!tpu.dma_semaphore, #tpu.memory_space<semaphore_mem>>)
    %add3A_229 = arith.constant 160 : i32
    %add3A_230 = arith.addi %mul3A_2, %add3A_229 : i32
    %add3A_231 = arith.constant 0 : i32
    %add3A_232 = arith.addi %mul3A_2, %add3A_231 : i32
    %dma_wait3A_233 = arith.constant 0 : i32
    %dma_wait3A_234 = tpu.memref_slice %arg5[%arg0, %add3A_232, %dma_wait3A_233] : memref<2x10240x128xf32, #tpu.memory_space<hbm>> -> memref<1x80x128xf32, #tpu.memory_space<hbm>>
    %dma_wait3A_235 = tpu.memref_squeeze %dma_wait3A_234 : memref<1x80x128xf32, #tpu.memory_space<hbm>> -> memref<80x128xf32, #tpu.memory_space<hbm>>
    %dma_wait3A_236 = arith.constant 0 : i32
    %dma_wait3A_237 = tpu.memref_slice %arg5[%arg0, %add3A_232, %dma_wait3A_236] : memref<2x10240x128xf32, #tpu.memory_space<hbm>> -> memref<1x80x128xf32, #tpu.memory_space<hbm>>
    %dma_wait3A_238 = tpu.memref_squeeze %dma_wait3A_237 : memref<1x80x128xf32, #tpu.memory_space<hbm>> -> memref<80x128xf32, #tpu.memory_space<hbm>>
    tpu.wait_dma2 semaphore(%arg27 : memref<!tpu.dma_semaphore, #tpu.memory_space<semaphore_mem>>) src(%arg14 : memref<80x128xf32, #tpu.memory_space<vmem>>) dst(%dma_wait3A_238 : memref<80x128xf32, #tpu.memory_space<hbm>>)
    "tpu.region"() ({
      %run_scoped3A = tpu.sem_alloc : memref<!tpu.dma_semaphore, #tpu.memory_space<semaphore_mem>>
      %dma_start3A_341 = arith.constant 0 : i32
      %dma_start3A_342 = tpu.memref_slice %arg18[%add3A_230, %dma_start3A_341] : memref<10240x128xf32, #tpu.memory_space<vmem_shared>> -> memref<80x128xf32, #tpu.memory_space<vmem_shared>>
      %dma_start3A_343 = arith.constant 0 : i32
      %dma_start3A_344 = tpu.memref_slice %arg18[%add3A_230, %dma_start3A_343] : memref<10240x128xf32, #tpu.memory_space<vmem_shared>> -> memref<80x128xf32, #tpu.memory_space<vmem_shared>>
      tpu.enqueue_dma source(%dma_start3A_344 : memref<80x128xf32, #tpu.memory_space<vmem_shared>>) target(%arg14 : memref<80x128xf32, #tpu.memory_space<vmem>>) target_semaphore(%run_scoped3A : memref<!tpu.dma_semaphore, #tpu.memory_space<semaphore_mem>>)
      %dma_wait3A_345 = arith.constant 0 : i32
      %dma_wait3A_346 = tpu.memref_slice %arg18[%add3A_230, %dma_wait3A_345] : memref<10240x128xf32, #tpu.memory_space<vmem_shared>> -> memref<80x128xf32, #tpu.memory_space<vmem_shared>>
      %dma_wait3A_347 = arith.constant 0 : i32
      %dma_wait3A_348 = tpu.memref_slice %arg18[%add3A_230, %dma_wait3A_347] : memref<10240x128xf32, #tpu.memory_space<vmem_shared>> -> memref<80x128xf32, #tpu.memory_space<vmem_shared>>
      tpu.wait_dma2 semaphore(%run_scoped3A : memref<!tpu.dma_semaphore, #tpu.memory_space<semaphore_mem>>) src(%dma_wait3A_348 : memref<80x128xf32, #tpu.memory_space<vmem_shared>>) dst(%arg14 : memref<80x128xf32, #tpu.memory_space<vmem>>)
      tpu.yield
    }) : () -> ()
    %dma_start3A_239 = arith.constant 0 : i32
    %dma_start3A_240 = tpu.memref_slice %arg5[%arg0, %add3A_230, %dma_start3A_239] : memref<2x10240x128xf32, #tpu.memory_space<hbm>> -> memref<1x80x128xf32, #tpu.memory_space<hbm>>
    %dma_start3A_241 = tpu.memref_squeeze %dma_start3A_240 : memref<1x80x128xf32, #tpu.memory_space<hbm>> -> memref<80x128xf32, #tpu.memory_space<hbm>>
    %dma_start3A_242 = arith.constant 0 : i32
    %dma_start3A_243 = tpu.memref_slice %arg5[%arg0, %add3A_230, %dma_start3A_242] : memref<2x10240x128xf32, #tpu.memory_space<hbm>> -> memref<1x80x128xf32, #tpu.memory_space<hbm>>
    %dma_start3A_244 = tpu.memref_squeeze %dma_start3A_243 : memref<1x80x128xf32, #tpu.memory_space<hbm>> -> memref<80x128xf32, #tpu.memory_space<hbm>>
    tpu.enqueue_dma source(%arg14 : memref<80x128xf32, #tpu.memory_space<vmem>>) target(%dma_start3A_244 : memref<80x128xf32, #tpu.memory_space<hbm>>) target_semaphore(%arg27 : memref<!tpu.dma_semaphore, #tpu.memory_space<semaphore_mem>>)
    %add3A_245 = arith.constant 240 : i32
    %add3A_246 = arith.addi %mul3A_2, %add3A_245 : i32
    %add3A_247 = arith.constant 80 : i32
    %add3A_248 = arith.addi %mul3A_2, %add3A_247 : i32
    %dma_wait3A_249 = arith.constant 0 : i32
    %dma_wait3A_250 = tpu.memref_slice %arg5[%arg0, %add3A_248, %dma_wait3A_249] : memref<2x10240x128xf32, #tpu.memory_space<hbm>> -> memref<1x80x128xf32, #tpu.memory_space<hbm>>
    %dma_wait3A_251 = tpu.memref_squeeze %dma_wait3A_250 : memref<1x80x128xf32, #tpu.memory_space<hbm>> -> memref<80x128xf32, #tpu.memory_space<hbm>>
    %dma_wait3A_252 = arith.constant 0 : i32
    %dma_wait3A_253 = tpu.memref_slice %arg5[%arg0, %add3A_248, %dma_wait3A_252] : memref<2x10240x128xf32, #tpu.memory_space<hbm>> -> memref<1x80x128xf32, #tpu.memory_space<hbm>>
    %dma_wait3A_254 = tpu.memref_squeeze %dma_wait3A_253 : memref<1x80x128xf32, #tpu.memory_space<hbm>> -> memref<80x128xf32, #tpu.memory_space<hbm>>
    tpu.wait_dma2 semaphore(%arg28 : memref<!tpu.dma_semaphore, #tpu.memory_space<semaphore_mem>>) src(%arg15 : memref<80x128xf32, #tpu.memory_space<vmem>>) dst(%dma_wait3A_254 : memref<80x128xf32, #tpu.memory_space<hbm>>)
    "tpu.region"() ({
      %run_scoped3A = tpu.sem_alloc : memref<!tpu.dma_semaphore, #tpu.memory_space<semaphore_mem>>
      %dma_start3A_341 = arith.constant 0 : i32
      %dma_start3A_342 = tpu.memref_slice %arg18[%add3A_246, %dma_start3A_341] : memref<10240x128xf32, #tpu.memory_space<vmem_shared>> -> memref<80x128xf32, #tpu.memory_space<vmem_shared>>
      %dma_start3A_343 = arith.constant 0 : i32
      %dma_start3A_344 = tpu.memref_slice %arg18[%add3A_246, %dma_start3A_343] : memref<10240x128xf32, #tpu.memory_space<vmem_shared>> -> memref<80x128xf32, #tpu.memory_space<vmem_shared>>
      tpu.enqueue_dma source(%dma_start3A_344 : memref<80x128xf32, #tpu.memory_space<vmem_shared>>) target(%arg15 : memref<80x128xf32, #tpu.memory_space<vmem>>) target_semaphore(%run_scoped3A : memref<!tpu.dma_semaphore, #tpu.memory_space<semaphore_mem>>)
      %dma_wait3A_345 = arith.constant 0 : i32
      %dma_wait3A_346 = tpu.memref_slice %arg18[%add3A_246, %dma_wait3A_345] : memref<10240x128xf32, #tpu.memory_space<vmem_shared>> -> memref<80x128xf32, #tpu.memory_space<vmem_shared>>
      %dma_wait3A_347 = arith.constant 0 : i32
      %dma_wait3A_348 = tpu.memref_slice %arg18[%add3A_246, %dma_wait3A_347] : memref<10240x128xf32, #tpu.memory_space<vmem_shared>> -> memref<80x128xf32, #tpu.memory_space<vmem_shared>>
      tpu.wait_dma2 semaphore(%run_scoped3A : memref<!tpu.dma_semaphore, #tpu.memory_space<semaphore_mem>>) src(%dma_wait3A_348 : memref<80x128xf32, #tpu.memory_space<vmem_shared>>) dst(%arg15 : memref<80x128xf32, #tpu.memory_space<vmem>>)
      tpu.yield
    }) : () -> ()
    %dma_start3A_255 = arith.constant 0 : i32
    %dma_start3A_256 = tpu.memref_slice %arg5[%arg0, %add3A_246, %dma_start3A_255] : memref<2x10240x128xf32, #tpu.memory_space<hbm>> -> memref<1x80x128xf32, #tpu.memory_space<hbm>>
    %dma_start3A_257 = tpu.memref_squeeze %dma_start3A_256 : memref<1x80x128xf32, #tpu.memory_space<hbm>> -> memref<80x128xf32, #tpu.memory_space<hbm>>
    %dma_start3A_258 = arith.constant 0 : i32
    %dma_start3A_259 = tpu.memref_slice %arg5[%arg0, %add3A_246, %dma_start3A_258] : memref<2x10240x128xf32, #tpu.memory_space<hbm>> -> memref<1x80x128xf32, #tpu.memory_space<hbm>>
    %dma_start3A_260 = tpu.memref_squeeze %dma_start3A_259 : memref<1x80x128xf32, #tpu.memory_space<hbm>> -> memref<80x128xf32, #tpu.memory_space<hbm>>
    tpu.enqueue_dma source(%arg15 : memref<80x128xf32, #tpu.memory_space<vmem>>) target(%dma_start3A_260 : memref<80x128xf32, #tpu.memory_space<hbm>>) target_semaphore(%arg28 : memref<!tpu.dma_semaphore, #tpu.memory_space<semaphore_mem>>)
    %add3A_261 = arith.constant 320 : i32
    %add3A_262 = arith.addi %mul3A_2, %add3A_261 : i32
    %add3A_263 = arith.constant 160 : i32
    %add3A_264 = arith.addi %mul3A_2, %add3A_263 : i32
    %dma_wait3A_265 = arith.constant 0 : i32
    %dma_wait3A_266 = tpu.memref_slice %arg5[%arg0, %add3A_264, %dma_wait3A_265] : memref<2x10240x128xf32, #tpu.memory_space<hbm>> -> memref<1x80x128xf32, #tpu.memory_space<hbm>>
    %dma_wait3A_267 = tpu.memref_squeeze %dma_wait3A_266 : memref<1x80x128xf32, #tpu.memory_space<hbm>> -> memref<80x128xf32, #tpu.memory_space<hbm>>
    %dma_wait3A_268 = arith.constant 0 : i32
    %dma_wait3A_269 = tpu.memref_slice %arg5[%arg0, %add3A_264, %dma_wait3A_268] : memref<2x10240x128xf32, #tpu.memory_space<hbm>> -> memref<1x80x128xf32, #tpu.memory_space<hbm>>
    %dma_wait3A_270 = tpu.memref_squeeze %dma_wait3A_269 : memref<1x80x128xf32, #tpu.memory_space<hbm>> -> memref<80x128xf32, #tpu.memory_space<hbm>>
    tpu.wait_dma2 semaphore(%arg27 : memref<!tpu.dma_semaphore, #tpu.memory_space<semaphore_mem>>) src(%arg14 : memref<80x128xf32, #tpu.memory_space<vmem>>) dst(%dma_wait3A_270 : memref<80x128xf32, #tpu.memory_space<hbm>>)
    "tpu.region"() ({
      %run_scoped3A = tpu.sem_alloc : memref<!tpu.dma_semaphore, #tpu.memory_space<semaphore_mem>>
      %dma_start3A_341 = arith.constant 0 : i32
      %dma_start3A_342 = tpu.memref_slice %arg18[%add3A_262, %dma_start3A_341] : memref<10240x128xf32, #tpu.memory_space<vmem_shared>> -> memref<80x128xf32, #tpu.memory_space<vmem_shared>>
      %dma_start3A_343 = arith.constant 0 : i32
      %dma_start3A_344 = tpu.memref_slice %arg18[%add3A_262, %dma_start3A_343] : memref<10240x128xf32, #tpu.memory_space<vmem_shared>> -> memref<80x128xf32, #tpu.memory_space<vmem_shared>>
      tpu.enqueue_dma source(%dma_start3A_344 : memref<80x128xf32, #tpu.memory_space<vmem_shared>>) target(%arg14 : memref<80x128xf32, #tpu.memory_space<vmem>>) target_semaphore(%run_scoped3A : memref<!tpu.dma_semaphore, #tpu.memory_space<semaphore_mem>>)
      %dma_wait3A_345 = arith.constant 0 : i32
      %dma_wait3A_346 = tpu.memref_slice %arg18[%add3A_262, %dma_wait3A_345] : memref<10240x128xf32, #tpu.memory_space<vmem_shared>> -> memref<80x128xf32, #tpu.memory_space<vmem_shared>>
      %dma_wait3A_347 = arith.constant 0 : i32
      %dma_wait3A_348 = tpu.memref_slice %arg18[%add3A_262, %dma_wait3A_347] : memref<10240x128xf32, #tpu.memory_space<vmem_shared>> -> memref<80x128xf32, #tpu.memory_space<vmem_shared>>
      tpu.wait_dma2 semaphore(%run_scoped3A : memref<!tpu.dma_semaphore, #tpu.memory_space<semaphore_mem>>) src(%dma_wait3A_348 : memref<80x128xf32, #tpu.memory_space<vmem_shared>>) dst(%arg14 : memref<80x128xf32, #tpu.memory_space<vmem>>)
      tpu.yield
    }) : () -> ()
    %dma_start3A_271 = arith.constant 0 : i32
    %dma_start3A_272 = tpu.memref_slice %arg5[%arg0, %add3A_262, %dma_start3A_271] : memref<2x10240x128xf32, #tpu.memory_space<hbm>> -> memref<1x80x128xf32, #tpu.memory_space<hbm>>
    %dma_start3A_273 = tpu.memref_squeeze %dma_start3A_272 : memref<1x80x128xf32, #tpu.memory_space<hbm>> -> memref<80x128xf32, #tpu.memory_space<hbm>>
    %dma_start3A_274 = arith.constant 0 : i32
    %dma_start3A_275 = tpu.memref_slice %arg5[%arg0, %add3A_262, %dma_start3A_274] : memref<2x10240x128xf32, #tpu.memory_space<hbm>> -> memref<1x80x128xf32, #tpu.memory_space<hbm>>
    %dma_start3A_276 = tpu.memref_squeeze %dma_start3A_275 : memref<1x80x128xf32, #tpu.memory_space<hbm>> -> memref<80x128xf32, #tpu.memory_space<hbm>>
    tpu.enqueue_dma source(%arg14 : memref<80x128xf32, #tpu.memory_space<vmem>>) target(%dma_start3A_276 : memref<80x128xf32, #tpu.memory_space<hbm>>) target_semaphore(%arg27 : memref<!tpu.dma_semaphore, #tpu.memory_space<semaphore_mem>>)
    %add3A_277 = arith.constant 400 : i32
    %add3A_278 = arith.addi %mul3A_2, %add3A_277 : i32
    %add3A_279 = arith.constant 240 : i32
    %add3A_280 = arith.addi %mul3A_2, %add3A_279 : i32
    %dma_wait3A_281 = arith.constant 0 : i32
    %dma_wait3A_282 = tpu.memref_slice %arg5[%arg0, %add3A_280, %dma_wait3A_281] : memref<2x10240x128xf32, #tpu.memory_space<hbm>> -> memref<1x80x128xf32, #tpu.memory_space<hbm>>
    %dma_wait3A_283 = tpu.memref_squeeze %dma_wait3A_282 : memref<1x80x128xf32, #tpu.memory_space<hbm>> -> memref<80x128xf32, #tpu.memory_space<hbm>>
    %dma_wait3A_284 = arith.constant 0 : i32
    %dma_wait3A_285 = tpu.memref_slice %arg5[%arg0, %add3A_280, %dma_wait3A_284] : memref<2x10240x128xf32, #tpu.memory_space<hbm>> -> memref<1x80x128xf32, #tpu.memory_space<hbm>>
    %dma_wait3A_286 = tpu.memref_squeeze %dma_wait3A_285 : memref<1x80x128xf32, #tpu.memory_space<hbm>> -> memref<80x128xf32, #tpu.memory_space<hbm>>
    tpu.wait_dma2 semaphore(%arg28 : memref<!tpu.dma_semaphore, #tpu.memory_space<semaphore_mem>>) src(%arg15 : memref<80x128xf32, #tpu.memory_space<vmem>>) dst(%dma_wait3A_286 : memref<80x128xf32, #tpu.memory_space<hbm>>)
    "tpu.region"() ({
      %run_scoped3A = tpu.sem_alloc : memref<!tpu.dma_semaphore, #tpu.memory_space<semaphore_mem>>
      %dma_start3A_341 = arith.constant 0 : i32
      %dma_start3A_342 = tpu.memref_slice %arg18[%add3A_278, %dma_start3A_341] : memref<10240x128xf32, #tpu.memory_space<vmem_shared>> -> memref<80x128xf32, #tpu.memory_space<vmem_shared>>
      %dma_start3A_343 = arith.constant 0 : i32
      %dma_start3A_344 = tpu.memref_slice %arg18[%add3A_278, %dma_start3A_343] : memref<10240x128xf32, #tpu.memory_space<vmem_shared>> -> memref<80x128xf32, #tpu.memory_space<vmem_shared>>
      tpu.enqueue_dma source(%dma_start3A_344 : memref<80x128xf32, #tpu.memory_space<vmem_shared>>) target(%arg15 : memref<80x128xf32, #tpu.memory_space<vmem>>) target_semaphore(%run_scoped3A : memref<!tpu.dma_semaphore, #tpu.memory_space<semaphore_mem>>)
      %dma_wait3A_345 = arith.constant 0 : i32
      %dma_wait3A_346 = tpu.memref_slice %arg18[%add3A_278, %dma_wait3A_345] : memref<10240x128xf32, #tpu.memory_space<vmem_shared>> -> memref<80x128xf32, #tpu.memory_space<vmem_shared>>
      %dma_wait3A_347 = arith.constant 0 : i32
      %dma_wait3A_348 = tpu.memref_slice %arg18[%add3A_278, %dma_wait3A_347] : memref<10240x128xf32, #tpu.memory_space<vmem_shared>> -> memref<80x128xf32, #tpu.memory_space<vmem_shared>>
      tpu.wait_dma2 semaphore(%run_scoped3A : memref<!tpu.dma_semaphore, #tpu.memory_space<semaphore_mem>>) src(%dma_wait3A_348 : memref<80x128xf32, #tpu.memory_space<vmem_shared>>) dst(%arg15 : memref<80x128xf32, #tpu.memory_space<vmem>>)
      tpu.yield
    }) : () -> ()
    %dma_start3A_287 = arith.constant 0 : i32
    %dma_start3A_288 = tpu.memref_slice %arg5[%arg0, %add3A_278, %dma_start3A_287] : memref<2x10240x128xf32, #tpu.memory_space<hbm>> -> memref<1x80x128xf32, #tpu.memory_space<hbm>>
    %dma_start3A_289 = tpu.memref_squeeze %dma_start3A_288 : memref<1x80x128xf32, #tpu.memory_space<hbm>> -> memref<80x128xf32, #tpu.memory_space<hbm>>
    %dma_start3A_290 = arith.constant 0 : i32
    %dma_start3A_291 = tpu.memref_slice %arg5[%arg0, %add3A_278, %dma_start3A_290] : memref<2x10240x128xf32, #tpu.memory_space<hbm>> -> memref<1x80x128xf32, #tpu.memory_space<hbm>>
    %dma_start3A_292 = tpu.memref_squeeze %dma_start3A_291 : memref<1x80x128xf32, #tpu.memory_space<hbm>> -> memref<80x128xf32, #tpu.memory_space<hbm>>
    tpu.enqueue_dma source(%arg15 : memref<80x128xf32, #tpu.memory_space<vmem>>) target(%dma_start3A_292 : memref<80x128xf32, #tpu.memory_space<hbm>>) target_semaphore(%arg28 : memref<!tpu.dma_semaphore, #tpu.memory_space<semaphore_mem>>)
    %add3A_293 = arith.constant 480 : i32
    %add3A_294 = arith.addi %mul3A_2, %add3A_293 : i32
    %add3A_295 = arith.constant 320 : i32
    %add3A_296 = arith.addi %mul3A_2, %add3A_295 : i32
    %dma_wait3A_297 = arith.constant 0 : i32
    %dma_wait3A_298 = tpu.memref_slice %arg5[%arg0, %add3A_296, %dma_wait3A_297] : memref<2x10240x128xf32, #tpu.memory_space<hbm>> -> memref<1x80x128xf32, #tpu.memory_space<hbm>>
    %dma_wait3A_299 = tpu.memref_squeeze %dma_wait3A_298 : memref<1x80x128xf32, #tpu.memory_space<hbm>> -> memref<80x128xf32, #tpu.memory_space<hbm>>
    %dma_wait3A_300 = arith.constant 0 : i32
    %dma_wait3A_301 = tpu.memref_slice %arg5[%arg0, %add3A_296, %dma_wait3A_300] : memref<2x10240x128xf32, #tpu.memory_space<hbm>> -> memref<1x80x128xf32, #tpu.memory_space<hbm>>
    %dma_wait3A_302 = tpu.memref_squeeze %dma_wait3A_301 : memref<1x80x128xf32, #tpu.memory_space<hbm>> -> memref<80x128xf32, #tpu.memory_space<hbm>>
    tpu.wait_dma2 semaphore(%arg27 : memref<!tpu.dma_semaphore, #tpu.memory_space<semaphore_mem>>) src(%arg14 : memref<80x128xf32, #tpu.memory_space<vmem>>) dst(%dma_wait3A_302 : memref<80x128xf32, #tpu.memory_space<hbm>>)
    "tpu.region"() ({
      %run_scoped3A = tpu.sem_alloc : memref<!tpu.dma_semaphore, #tpu.memory_space<semaphore_mem>>
      %dma_start3A_341 = arith.constant 0 : i32
      %dma_start3A_342 = tpu.memref_slice %arg18[%add3A_294, %dma_start3A_341] : memref<10240x128xf32, #tpu.memory_space<vmem_shared>> -> memref<80x128xf32, #tpu.memory_space<vmem_shared>>
      %dma_start3A_343 = arith.constant 0 : i32
      %dma_start3A_344 = tpu.memref_slice %arg18[%add3A_294, %dma_start3A_343] : memref<10240x128xf32, #tpu.memory_space<vmem_shared>> -> memref<80x128xf32, #tpu.memory_space<vmem_shared>>
      tpu.enqueue_dma source(%dma_start3A_344 : memref<80x128xf32, #tpu.memory_space<vmem_shared>>) target(%arg14 : memref<80x128xf32, #tpu.memory_space<vmem>>) target_semaphore(%run_scoped3A : memref<!tpu.dma_semaphore, #tpu.memory_space<semaphore_mem>>)
      %dma_wait3A_345 = arith.constant 0 : i32
      %dma_wait3A_346 = tpu.memref_slice %arg18[%add3A_294, %dma_wait3A_345] : memref<10240x128xf32, #tpu.memory_space<vmem_shared>> -> memref<80x128xf32, #tpu.memory_space<vmem_shared>>
      %dma_wait3A_347 = arith.constant 0 : i32
      %dma_wait3A_348 = tpu.memref_slice %arg18[%add3A_294, %dma_wait3A_347] : memref<10240x128xf32, #tpu.memory_space<vmem_shared>> -> memref<80x128xf32, #tpu.memory_space<vmem_shared>>
      tpu.wait_dma2 semaphore(%run_scoped3A : memref<!tpu.dma_semaphore, #tpu.memory_space<semaphore_mem>>) src(%dma_wait3A_348 : memref<80x128xf32, #tpu.memory_space<vmem_shared>>) dst(%arg14 : memref<80x128xf32, #tpu.memory_space<vmem>>)
      tpu.yield
    }) : () -> ()
    %dma_start3A_303 = arith.constant 0 : i32
    %dma_start3A_304 = tpu.memref_slice %arg5[%arg0, %add3A_294, %dma_start3A_303] : memref<2x10240x128xf32, #tpu.memory_space<hbm>> -> memref<1x80x128xf32, #tpu.memory_space<hbm>>
    %dma_start3A_305 = tpu.memref_squeeze %dma_start3A_304 : memref<1x80x128xf32, #tpu.memory_space<hbm>> -> memref<80x128xf32, #tpu.memory_space<hbm>>
    %dma_start3A_306 = arith.constant 0 : i32
    %dma_start3A_307 = tpu.memref_slice %arg5[%arg0, %add3A_294, %dma_start3A_306] : memref<2x10240x128xf32, #tpu.memory_space<hbm>> -> memref<1x80x128xf32, #tpu.memory_space<hbm>>
    %dma_start3A_308 = tpu.memref_squeeze %dma_start3A_307 : memref<1x80x128xf32, #tpu.memory_space<hbm>> -> memref<80x128xf32, #tpu.memory_space<hbm>>
    tpu.enqueue_dma source(%arg14 : memref<80x128xf32, #tpu.memory_space<vmem>>) target(%dma_start3A_308 : memref<80x128xf32, #tpu.memory_space<hbm>>) target_semaphore(%arg27 : memref<!tpu.dma_semaphore, #tpu.memory_space<semaphore_mem>>)
    %add3A_309 = arith.constant 560 : i32
    %add3A_310 = arith.addi %mul3A_2, %add3A_309 : i32
    %add3A_311 = arith.constant 400 : i32
    %add3A_312 = arith.addi %mul3A_2, %add3A_311 : i32
    %dma_wait3A_313 = arith.constant 0 : i32
    %dma_wait3A_314 = tpu.memref_slice %arg5[%arg0, %add3A_312, %dma_wait3A_313] : memref<2x10240x128xf32, #tpu.memory_space<hbm>> -> memref<1x80x128xf32, #tpu.memory_space<hbm>>
    %dma_wait3A_315 = tpu.memref_squeeze %dma_wait3A_314 : memref<1x80x128xf32, #tpu.memory_space<hbm>> -> memref<80x128xf32, #tpu.memory_space<hbm>>
    %dma_wait3A_316 = arith.constant 0 : i32
    %dma_wait3A_317 = tpu.memref_slice %arg5[%arg0, %add3A_312, %dma_wait3A_316] : memref<2x10240x128xf32, #tpu.memory_space<hbm>> -> memref<1x80x128xf32, #tpu.memory_space<hbm>>
    %dma_wait3A_318 = tpu.memref_squeeze %dma_wait3A_317 : memref<1x80x128xf32, #tpu.memory_space<hbm>> -> memref<80x128xf32, #tpu.memory_space<hbm>>
    tpu.wait_dma2 semaphore(%arg28 : memref<!tpu.dma_semaphore, #tpu.memory_space<semaphore_mem>>) src(%arg15 : memref<80x128xf32, #tpu.memory_space<vmem>>) dst(%dma_wait3A_318 : memref<80x128xf32, #tpu.memory_space<hbm>>)
    "tpu.region"() ({
      %run_scoped3A = tpu.sem_alloc : memref<!tpu.dma_semaphore, #tpu.memory_space<semaphore_mem>>
      %dma_start3A_341 = arith.constant 0 : i32
      %dma_start3A_342 = tpu.memref_slice %arg18[%add3A_310, %dma_start3A_341] : memref<10240x128xf32, #tpu.memory_space<vmem_shared>> -> memref<80x128xf32, #tpu.memory_space<vmem_shared>>
      %dma_start3A_343 = arith.constant 0 : i32
      %dma_start3A_344 = tpu.memref_slice %arg18[%add3A_310, %dma_start3A_343] : memref<10240x128xf32, #tpu.memory_space<vmem_shared>> -> memref<80x128xf32, #tpu.memory_space<vmem_shared>>
      tpu.enqueue_dma source(%dma_start3A_344 : memref<80x128xf32, #tpu.memory_space<vmem_shared>>) target(%arg15 : memref<80x128xf32, #tpu.memory_space<vmem>>) target_semaphore(%run_scoped3A : memref<!tpu.dma_semaphore, #tpu.memory_space<semaphore_mem>>)
      %dma_wait3A_345 = arith.constant 0 : i32
      %dma_wait3A_346 = tpu.memref_slice %arg18[%add3A_310, %dma_wait3A_345] : memref<10240x128xf32, #tpu.memory_space<vmem_shared>> -> memref<80x128xf32, #tpu.memory_space<vmem_shared>>
      %dma_wait3A_347 = arith.constant 0 : i32
      %dma_wait3A_348 = tpu.memref_slice %arg18[%add3A_310, %dma_wait3A_347] : memref<10240x128xf32, #tpu.memory_space<vmem_shared>> -> memref<80x128xf32, #tpu.memory_space<vmem_shared>>
      tpu.wait_dma2 semaphore(%run_scoped3A : memref<!tpu.dma_semaphore, #tpu.memory_space<semaphore_mem>>) src(%dma_wait3A_348 : memref<80x128xf32, #tpu.memory_space<vmem_shared>>) dst(%arg15 : memref<80x128xf32, #tpu.memory_space<vmem>>)
      tpu.yield
    }) : () -> ()
    %dma_start3A_319 = arith.constant 0 : i32
    %dma_start3A_320 = tpu.memref_slice %arg5[%arg0, %add3A_310, %dma_start3A_319] : memref<2x10240x128xf32, #tpu.memory_space<hbm>> -> memref<1x80x128xf32, #tpu.memory_space<hbm>>
    %dma_start3A_321 = tpu.memref_squeeze %dma_start3A_320 : memref<1x80x128xf32, #tpu.memory_space<hbm>> -> memref<80x128xf32, #tpu.memory_space<hbm>>
    %dma_start3A_322 = arith.constant 0 : i32
    %dma_start3A_323 = tpu.memref_slice %arg5[%arg0, %add3A_310, %dma_start3A_322] : memref<2x10240x128xf32, #tpu.memory_space<hbm>> -> memref<1x80x128xf32, #tpu.memory_space<hbm>>
    %dma_start3A_324 = tpu.memref_squeeze %dma_start3A_323 : memref<1x80x128xf32, #tpu.memory_space<hbm>> -> memref<80x128xf32, #tpu.memory_space<hbm>>
    tpu.enqueue_dma source(%arg15 : memref<80x128xf32, #tpu.memory_space<vmem>>) target(%dma_start3A_324 : memref<80x128xf32, #tpu.memory_space<hbm>>) target_semaphore(%arg28 : memref<!tpu.dma_semaphore, #tpu.memory_space<semaphore_mem>>)
    %add3A_325 = arith.constant 480 : i32
    %add3A_326 = arith.addi %mul3A_2, %add3A_325 : i32
    %dma_wait3A_327 = arith.constant 0 : i32
    %dma_wait3A_328 = tpu.memref_slice %arg5[%arg0, %add3A_326, %dma_wait3A_327] : memref<2x10240x128xf32, #tpu.memory_space<hbm>> -> memref<1x80x128xf32, #tpu.memory_space<hbm>>
    %dma_wait3A_329 = tpu.memref_squeeze %dma_wait3A_328 : memref<1x80x128xf32, #tpu.memory_space<hbm>> -> memref<80x128xf32, #tpu.memory_space<hbm>>
    %dma_wait3A_330 = arith.constant 0 : i32
    %dma_wait3A_331 = tpu.memref_slice %arg5[%arg0, %add3A_326, %dma_wait3A_330] : memref<2x10240x128xf32, #tpu.memory_space<hbm>> -> memref<1x80x128xf32, #tpu.memory_space<hbm>>
    %dma_wait3A_332 = tpu.memref_squeeze %dma_wait3A_331 : memref<1x80x128xf32, #tpu.memory_space<hbm>> -> memref<80x128xf32, #tpu.memory_space<hbm>>
    tpu.wait_dma2 semaphore(%arg27 : memref<!tpu.dma_semaphore, #tpu.memory_space<semaphore_mem>>) src(%arg14 : memref<80x128xf32, #tpu.memory_space<vmem>>) dst(%dma_wait3A_332 : memref<80x128xf32, #tpu.memory_space<hbm>>)
    %add3A_333 = arith.constant 560 : i32
    %add3A_334 = arith.addi %mul3A_2, %add3A_333 : i32
    %dma_wait3A_335 = arith.constant 0 : i32
    %dma_wait3A_336 = tpu.memref_slice %arg5[%arg0, %add3A_334, %dma_wait3A_335] : memref<2x10240x128xf32, #tpu.memory_space<hbm>> -> memref<1x80x128xf32, #tpu.memory_space<hbm>>
    %dma_wait3A_337 = tpu.memref_squeeze %dma_wait3A_336 : memref<1x80x128xf32, #tpu.memory_space<hbm>> -> memref<80x128xf32, #tpu.memory_space<hbm>>
    %dma_wait3A_338 = arith.constant 0 : i32
    %dma_wait3A_339 = tpu.memref_slice %arg5[%arg0, %add3A_334, %dma_wait3A_338] : memref<2x10240x128xf32, #tpu.memory_space<hbm>> -> memref<1x80x128xf32, #tpu.memory_space<hbm>>
    %dma_wait3A_340 = tpu.memref_squeeze %dma_wait3A_339 : memref<1x80x128xf32, #tpu.memory_space<hbm>> -> memref<80x128xf32, #tpu.memory_space<hbm>>
    tpu.wait_dma2 semaphore(%arg28 : memref<!tpu.dma_semaphore, #tpu.memory_space<semaphore_mem>>) src(%arg15 : memref<80x128xf32, #tpu.memory_space<vmem>>) dst(%dma_wait3A_340 : memref<80x128xf32, #tpu.memory_space<hbm>>)
    return
  }
}

module attributes {stable_mosaic.version = 14 : i64} {
  func.func @_mm_body(%arg0: i32, %arg1: memref<2000x128xf32, #tpu.memory_space<vmem>>, %arg2: memref<128x128xf32, #tpu.memory_space<vmem>>, %arg3: memref<2000x128xf32, #tpu.memory_space<vmem>>) attributes {dimension_semantics = [#tpu.dimension_semantics<arbitrary>], iteration_bounds = array<i64: 5>, scalar_prefetch = 0 : i64, scratch_operands = 0 : i64, tpu.core_type = #tpu.core_type<tc>, window_params = [{transform_indices = @transform_0, window_bounds = array<i64: 2000, 128>}, {pipeline_mode = #tpu.pipeline_mode<synchronous>, transform_indices = @transform_1, window_bounds = array<i64: 128, 128>}, {transform_indices = @transform_2, window_bounds = array<i64: 2000, 128>}]} {
    %get3A = arith.constant 0 : index
    %get3A_0 = arith.constant 0 : index
    %get3A_1 = vector.load %arg1[%get3A, %get3A_0] : memref<2000x128xf32, #tpu.memory_space<vmem>>, vector<2000x128xf32>
    %get3A_2 = arith.constant 0 : index
    %get3A_3 = arith.constant 0 : index
    %get3A_4 = vector.load %arg2[%get3A_2, %get3A_3] : memref<128x128xf32, #tpu.memory_space<vmem>>, vector<128x128xf32>
    %dot_general3A = arith.constant dense<0.000000e+00> : vector<2000x128xf32>
    %dot_general3A_5 = tpu.matmul %get3A_1, %get3A_4, %dot_general3A {dimension_numbers = #tpu.dot_dimension_numbers<[1], [0], [0], [1], [0, 0, 1, 1], [], []>, transpose_lhs_hint = false} : vector<2000x128xf32>, vector<128x128xf32>, vector<2000x128xf32> -> vector<2000x128xf32>
    %swap3A = arith.constant 0 : index
    %swap3A_6 = arith.constant 0 : index
    %swap3A_7 = vector.load %arg3[%swap3A, %swap3A_6] : memref<2000x128xf32, #tpu.memory_space<vmem>>, vector<2000x128xf32>
    tpu.vector_store %arg3[%swap3A, %swap3A_6], %dot_general3A_5 {strides = array<i32>} : memref<2000x128xf32, #tpu.memory_space<vmem>>, vector<2000x128xf32>,
    return
  }
  func.func @transform_0(%arg0: i32) -> (i32, i32) {
    %c0_i32 = arith.constant 0 : i32
    %c0_i32_0 = arith.constant 0 : i32
    return %arg0, %c0_i32 : i32, i32
  }
  func.func @transform_1(%arg0: i32) -> (i32, i32) {
    %c0_i32 = arith.constant 0 : i32
    %c0_i32_0 = arith.constant 0 : i32
    %c0_i32_1 = arith.constant 0 : i32
    return %c0_i32, %c0_i32_0 : i32, i32
  }
  func.func @transform_2(%arg0: i32) -> (i32, i32) {
    %c0_i32 = arith.constant 0 : i32
    %c0_i32_0 = arith.constant 0 : i32
    return %arg0, %c0_i32 : i32, i32
  }
}

module attributes {stable_mosaic.version = 14 : i64} {
  func.func @_scale_body(%arg0: i32, %arg1: memref<2000x128xf32, #tpu.memory_space<vmem>>, %arg2: memref<2000x2xf32, #tpu.memory_space<vmem>>, %arg3: memref<2000x128xf32, #tpu.memory_space<vmem>>) attributes {dimension_semantics = [#tpu.dimension_semantics<arbitrary>], iteration_bounds = array<i64: 5>, scalar_prefetch = 0 : i64, scratch_operands = 0 : i64, tpu.core_type = #tpu.core_type<tc>, window_params = [{transform_indices = @transform_0, window_bounds = array<i64: 2000, 128>}, {transform_indices = @transform_1, window_bounds = array<i64: 2000, 2>}, {transform_indices = @transform_2, window_bounds = array<i64: 2000, 128>}]} {
    %get3A = arith.constant 0 : index
    %get3A_0 = arith.constant 0 : index
    %get3A_1 = vector.load %arg2[%get3A, %get3A_0] : memref<2000x2xf32, #tpu.memory_space<vmem>>, vector<2000x1xf32>
    %max3A = arith.constant 1.000000e+00 : f32
    %max3A_2 = vector.broadcast %max3A : f32 to vector<2000x1xf32>
    %max3A_3 = arith.maximumf %get3A_1, %max3A_2 : vector<2000x1xf32>
    %rsqrt3A = math.rsqrt %max3A_3 : vector<2000x1xf32>
    %get3A_4 = arith.constant 0 : index
    %get3A_5 = arith.constant 0 : index
    %get3A_6 = vector.load %arg1[%get3A_4, %get3A_5] : memref<2000x128xf32, #tpu.memory_space<vmem>>, vector<2000x128xf32>
    %mul3A = vector.broadcast %rsqrt3A : vector<2000x1xf32> to vector<2000x128xf32>
    %mul3A_7 = arith.mulf %get3A_6, %mul3A : vector<2000x128xf32>
    %swap3A = arith.constant 0 : index
    %swap3A_8 = arith.constant 0 : index
    %swap3A_9 = vector.load %arg3[%swap3A, %swap3A_8] : memref<2000x128xf32, #tpu.memory_space<vmem>>, vector<2000x128xf32>
    tpu.vector_store %arg3[%swap3A, %swap3A_8], %mul3A_7 {strides = array<i32>} : memref<2000x128xf32, #tpu.memory_space<vmem>>, vector<2000x128xf32>,
    return
  }
  func.func @transform_0(%arg0: i32) -> (i32, i32) {
    %c0_i32 = arith.constant 0 : i32
    %c0_i32_0 = arith.constant 0 : i32
    return %arg0, %c0_i32 : i32, i32
  }
  func.func @transform_1(%arg0: i32) -> (i32, i32) {
    %c0_i32 = arith.constant 0 : i32
    %c0_i32_0 = arith.constant 0 : i32
    return %arg0, %c0_i32 : i32, i32
  }
  func.func @transform_2(%arg0: i32) -> (i32, i32) {
    %c0_i32 = arith.constant 0 : i32
    %c0_i32_0 = arith.constant 0 : i32
    return %arg0, %c0_i32 : i32, i32
  }
}

module attributes {stable_mosaic.version = 14 : i64} {
  func.func @_fin_body(%arg0: i32, %arg1: memref<1x2000x128xf32, #tpu.memory_space<vmem>>, %arg2: memref<1x2000x128xf32, #tpu.memory_space<vmem>>, %arg3: memref<2000x2xf32, #tpu.memory_space<vmem>>, %arg4: memref<1x128xf32, #tpu.memory_space<vmem>>, %arg5: memref<2000x128xf32, #tpu.memory_space<vmem>>) attributes {dimension_semantics = [#tpu.dimension_semantics<arbitrary>], iteration_bounds = array<i64: 5>, scalar_prefetch = 0 : i64, scratch_operands = 0 : i64, tpu.core_type = #tpu.core_type<tc>, window_params = [{transform_indices = @transform_0, window_bounds = array<i64: 1, 2000, 128>}, {transform_indices = @transform_1, window_bounds = array<i64: 1, 2000, 128>}, {transform_indices = @transform_2, window_bounds = array<i64: 2000, 2>}, {pipeline_mode = #tpu.pipeline_mode<synchronous>, transform_indices = @transform_3, window_bounds = array<i64: 1, 128>}, {transform_indices = @transform_4, window_bounds = array<i64: 2000, 128>}]} {
    %get3A = arith.constant 0 : index
    %get3A_0 = arith.constant 1 : index
    %get3A_1 = vector.load %arg3[%get3A, %get3A_0] : memref<2000x2xf32, #tpu.memory_space<vmem>>, vector<2000x1xf32>
    %max3A = arith.constant 1.000000e+00 : f32
    %max3A_2 = vector.broadcast %max3A : f32 to vector<2000x1xf32>
    %max3A_3 = arith.maximumf %get3A_1, %max3A_2 : vector<2000x1xf32>
    %rsqrt3A = math.rsqrt %max3A_3 : vector<2000x1xf32>
    %get3A_4 = arith.constant 0 : index
    %get3A_5 = arith.constant 0 : index
    %get3A_6 = arith.constant 0 : index
    %get3A_7 = vector.load %arg1[%get3A_4, %get3A_5, %get3A_6] : memref<1x2000x128xf32, #tpu.memory_space<vmem>>, vector<1x2000x128xf32>
    %get3A_8 = vector.shape_cast %get3A_7 : vector<1x2000x128xf32> to vector<2000x128xf32>
    %get3A_9 = arith.constant 0 : index
    %get3A_10 = arith.constant 0 : index
    %get3A_11 = arith.constant 0 : index
    %get3A_12 = vector.load %arg2[%get3A_9, %get3A_10, %get3A_11] : memref<1x2000x128xf32, #tpu.memory_space<vmem>>, vector<1x2000x128xf32>
    %get3A_13 = vector.shape_cast %get3A_12 : vector<1x2000x128xf32> to vector<2000x128xf32>
    %add3A = arith.addf %get3A_8, %get3A_13 : vector<2000x128xf32>
    %mul3A = vector.broadcast %rsqrt3A : vector<2000x1xf32> to vector<2000x128xf32>
    %mul3A_14 = arith.mulf %add3A, %mul3A : vector<2000x128xf32>
    %get3A_15 = arith.constant 0 : index
    %get3A_16 = arith.constant 0 : index
    %get3A_17 = vector.load %arg4[%get3A_15, %get3A_16] : memref<1x128xf32, #tpu.memory_space<vmem>>, vector<1x128xf32>
    %add3A_18 = vector.broadcast %get3A_17 : vector<1x128xf32> to vector<2000x128xf32>
    %add3A_19 = arith.addf %mul3A_14, %add3A_18 : vector<2000x128xf32>
    %max3A_20 = arith.constant 0.000000e+00 : f32
    %max3A_21 = vector.broadcast %max3A_20 : f32 to vector<2000x128xf32>
    %max3A_22 = arith.maximumf %add3A_19, %max3A_21 : vector<2000x128xf32>
    %swap3A = arith.constant 0 : index
    %swap3A_23 = arith.constant 0 : index
    %swap3A_24 = vector.load %arg5[%swap3A, %swap3A_23] : memref<2000x128xf32, #tpu.memory_space<vmem>>, vector<2000x128xf32>
    tpu.vector_store %arg5[%swap3A, %swap3A_23], %max3A_22 {strides = array<i32>} : memref<2000x128xf32, #tpu.memory_space<vmem>>, vector<2000x128xf32>,
    return
  }
  func.func @transform_0(%arg0: i32) -> (i32, i32, i32) {
    %c0_i32 = arith.constant 0 : i32
    %c0_i32_0 = arith.constant 0 : i32
    %c0_i32_1 = arith.constant 0 : i32
    return %c0_i32, %arg0, %c0_i32_0 : i32, i32, i32
  }
  func.func @transform_1(%arg0: i32) -> (i32, i32, i32) {
    %c1_i32 = arith.constant 1 : i32
    %c0_i32 = arith.constant 0 : i32
    %c0_i32_0 = arith.constant 0 : i32
    return %c1_i32, %arg0, %c0_i32 : i32, i32, i32
  }
  func.func @transform_2(%arg0: i32) -> (i32, i32) {
    %c0_i32 = arith.constant 0 : i32
    %c0_i32_0 = arith.constant 0 : i32
    return %arg0, %c0_i32 : i32, i32
  }
  func.func @transform_3(%arg0: i32) -> (i32, i32) {
    %c0_i32 = arith.constant 0 : i32
    %c0_i32_0 = arith.constant 0 : i32
    %c0_i32_1 = arith.constant 0 : i32
    return %c0_i32, %c0_i32_0 : i32, i32
  }
  func.func @transform_4(%arg0: i32) -> (i32, i32) {
    %c0_i32 = arith.constant 0 : i32
    %c0_i32_0 = arith.constant 0 : i32
    return %arg0, %c0_i32 : i32, i32
  }
}

</mosaic_0001>

<sc_bundles>
// kernel: kernel.10.cloned.1.call-start
scs
__scs_entry_jumppad:
0x0: {  	(pc) =	sbr.rel $0x88, $3  }
0x1: {  	(tag) =	ssettag $0x0;
	lr =	simm.s32 $0x1  }
0x2: {  	[smem:$0x3F9D] =	sst lr;
	_ =	strace $0xD0000000  }
0x3: {  	_ = 	snop  }
0x4: {  	_ = 	snop  }
0x5: {  	_ = 	snop  }
0x6: {  	_ = 	snop  }
0x7: {  	_ = 	snop  }
__scs_overlays_trampoline_lowered:
0x8: {  	[smem:$0x3FAC] =	sst s0  }
0x9: {  	[smem:$0x3FAD] =	sst s1  }
0xa: {  	[smem:$0x3FAE] =	sst s2  }
0xb: {  	[smem:$0x3FAF] =	sst s3  }
0xc: {  	[smem:$0x3FB0] =	sst s4  }
0xd: {  	[smem:$0x3FB1] =	sst s5  }
0xe: {  	[smem:$0x3FB2] =	sst s6  }
0xf: {  	[smem:$0x3FB3] =	sst s7  }
0x10: {  	[smem:$0x3FB4] =	sst s8  }
0x11: {  	[smem:$0x3FB5] =	sst s9;
	s0 =	simm.s32 @!p0 $0x0  }
0x12: {  	s1 =	sld [smem:$0x3F9B];
	s0 =	simm.s32 @p0 $0x1  }
0x13: {  	[smem:$0x3FB6] =	sst s0;
	s0 =	simm.s32 @!p1 $0x0  }
0x14: {  	s2 =	sld [smem:$0x3F9A];
	s0 =	simm.s32 @p1 $0x1  }
0x15: {  	[smem:$0x3FB7] =	sst s0;
	s0 =	simm.s32 @!p2 $0x0  }
0x16: {  	s3 =	sld [smem:$0x3FDB];
	s0 =	simm.s32 @p2 $0x1  }
0x17: {  	s4 =	simm.s32 $0x1BF5;
	[smem:$0x3FB9] =	sst s0  }
0x18: {  	s0 =	sld [smem:$0x3F9C];
	_ =	swait.ge [sflag:s4], $0x0  }
0x19: {  	s7 =	sld [smem:$0x3F9D]  }
0x1a: {  	s8 =	sadd.s32 $0xFFFFE003, lr  }
0x1b: {  	s9 =	sadd.s32 $0xFFFFFEF7, lr;
	s5 =	simm.s32 $0xFFFFFFFF;
	p2 =	slt.u32 s8, $0xFFFFF086  }
0x1c: {  	p1 =	slt.u32 s9, $0xF7A;
	s5 =	simm.s32 @!p2 $0x0  }
0x1d: {  	s5 =	simm.s32 @p1 $0x1;
	p0 =	seq.s32 s7, s2  }
0x1e: {  	s7 =	smul.u32 @!p0 $0xF7A, s2;
	p2 =	seq.s32 @!p0 s5, $0x0  }
0x1f: {  	s9 =	smul.u32 $0xF7A, s1;
	s8 =	simm.s32 @!p0 $0x1BF5;
	p2 =	por !p2, p0  }
0x20: {  	[sflag:s8] =	ssyncset.s32 @!p0 $0xFFFFF086;
	s6 =	sadd.s32 @!p0 s3, s7;
	s7 =	simm.s32 @!p0 $0x108  }
0x21: {  	s3 =	sadd.s32 s3, s9;
	s6 =	sadd.s32 @!p0 $0x88, s6;
	s7 =	simm.s32 @p2 $0x1082  }
0x22: {  	[simem:s7], [sflag:s8] =	dma.local @!p0 [hbm:s6], $0xF7A  }
0x23: {  	s9 =	sor.u32 $0xD0000000, s2;
	s6 =	simm.s32 $0x108;
	_ =	swait.ge @!p0 [sflag:s8], $0x0  }
0x24: {  	s3 =	sadd.s32 $0x88, s3;
	s6 =	simm.s32 @!p1 $0x1082;
	[sflag:s4] =	ssyncset.s32 $0xFFFFF086  }
0x25: {  	[simem:s6], [sflag:s4] =	dma.local [hbm:s3], $0xF7A  }
0x26: {  	[smem:$0x3F9D] =	sst s1;
	(tag) =	ssettag s2;
	_ =	strace s9  }
0x27: {  	s1 =	sld [smem:$0x3FAD]  }
0x28: {  	s2 =	sld [smem:$0x3FAE]  }
0x29: {  	s4 =	sld [smem:$0x3FB0]  }
0x2a: {  	p0 =	seq.s32 s5, $0x0;
	s5 =	sld [smem:$0x3FB1]  }
0x2b: {  	s6 =	sld [smem:$0x3FB2]  }
0x2c: {  	s7 =	sld [smem:$0x3FB3]  }
0x2d: {  	s3 =	simm.s32 $0x108;
	s8 =	sld [smem:$0x3FB4]  }
0x2e: {  	s3 =	simm.s32 @!p0 $0x1082;
	s9 =	sld [smem:$0x3FB5]  }
0x2f: {  	lr =	sadd.s32 s0, s3;
	s0 =	sld [smem:$0x3FAC]  }
0x30: {  	s3 =	sld [smem:$0x3FAF]  }
0x31: {  	[smem:$0x3FB8] =	sst s10  }
0x32: {  	s10 =	sld [smem:$0x3FB6];
	_ =	sdelay $0x3  }
0x33: {  	p0 =	seq.s32 s10, $0x1;
	s10 =	sld [smem:$0x3FB8];
	_ =	sdelay $0x3  }
0x34: {  	[smem:$0x3FB8] =	sst s10  }
0x35: {  	s10 =	sld [smem:$0x3FB7];
	_ =	sdelay $0x3  }
0x36: {  	p1 =	seq.s32 s10, $0x1;
	s10 =	sld [smem:$0x3FB8];
	_ =	sdelay $0x3  }
0x37: {  	[smem:$0x3FB8] =	sst s10  }
0x38: {  	s10 =	sld [smem:$0x3FB9]  }
0x39: {  	_ = 	snop;
	(pc) =	sbr.ind lr, $3  }
0x3a: {  	_ = 	snop  }
0x3b: {  	_ = 	snop  }
0x3c: {  	p2 =	seq.s32 s10, $0x1;
	s10 =	sld [smem:$0x3FB8]  }
0x3d: {  	_ =	shalt  }
0x3e: {  	_ =	shalt  }
0x3f: {  	_ =	shalt  }
0x40: {  	_ =	shalt  }
0x41: {  	_ =	shalt  }
0x42: {  	_ =	shalt  }
0x43: {  	_ =	shalt  }
0x44: {  	_ =	shalt  }
0x45: {  	_ =	shalt  }
0x46: {  	_ =	shalt  }
0x47: {  	_ =	shalt  }
0x48: {  	_ =	shalt  }
0x49: {  	_ =	shalt  }
0x4a: {  	_ =	shalt  }
0x4b: {  	_ =	shalt  }
0x4c: {  	_ =	shalt  }
0x4d: {  	_ =	shalt  }
0x4e: {  	_ =	shalt  }
0x4f: {  	_ =	shalt  }
0x50: {  	_ =	shalt  }
0x51: {  	_ =	shalt  }
0x52: {  	_ =	shalt  }
0x53: {  	_ =	shalt  }
0x54: {  	_ =	shalt  }
0x55: {  	_ =	shalt  }
0x56: {  	_ =	shalt  }
0x57: {  	_ =	shalt  }
0x58: {  	_ =	shalt  }
0x59: {  	_ =	shalt  }
0x5a: {  	_ =	shalt  }
0x5b: {  	_ =	shalt  }
0x5c: {  	_ =	shalt  }
0x5d: {  	_ =	shalt  }
0x5e: {  	_ =	shalt  }
0x5f: {  	_ =	shalt  }
0x60: {  	_ =	shalt  }
0x61: {  	_ =	shalt  }
0x62: {  	_ =	shalt  }
0x63: {  	_ =	shalt  }
0x64: {  	_ =	shalt  }
0x65: {  	_ =	shalt  }
0x66: {  	_ =	shalt  }
0x67: {  	_ =	shalt  }
0x68: {  	_ =	shalt  }
0x69: {  	_ =	shalt  }
0x6a: {  	_ =	shalt  }
0x6b: {  	_ =	shalt  }
0x6c: {  	_ =	shalt  }
0x6d: {  	_ =	shalt  }
0x6e: {  	_ =	shalt  }
0x6f: {  	_ =	shalt  }
0x70: {  	_ =	shalt  }
0x71: {  	_ =	shalt  }
0x72: {  	_ =	shalt  }
0x73: {  	_ =	shalt  }
0x74: {  	_ =	shalt  }
0x75: {  	_ =	shalt  }
0x76: {  	_ =	shalt  }
0x77: {  	_ =	shalt  }
0x78: {  	_ =	shalt  }
0x79: {  	_ =	shalt  }
0x7a: {  	_ =	shalt  }
0x7b: {  	_ =	shalt  }
0x7c: {  	_ =	shalt  }
0x7d: {  	_ =	shalt  }
0x7e: {  	_ =	shalt  }
0x7f: {  	_ =	shalt  }
0x80: {  	_ =	shalt  }
0x81: {  	_ =	shalt  }
0x82: {  	_ =	shalt  }
0x83: {  	_ =	shalt  }
0x84: {  	_ =	shalt  }
0x85: {  	_ =	shalt  }
0x86: {  	_ =	shalt  }
0x87: {  	_ =	shalt  }
.Lfunc_end0:
.L_simem_size_0:
called_computation.1_lowered:
.L_overlay_start_0:
0x88: {  	s2 =	sld [smem:$0x3FD9]  }
0x89: {  	s3 =	sld [smem:$0x3FFE];
	_ =	sdelay $0x1  }
0x8a: {  	s1 =	srdreg.scid  }
0x8b: {  	s0 =	sand.u32 $0x1, s1  }
0x8c: {  	s14 =	sshll.u32 s0, $0xA;
	s2 =	sadd.s32 s3, s2  }
0x8d: {  	s2 =	sadd.s32 s2, s14  }
0x8e: {  	[smem:$0x3FC4] =	sst s2  }
0x8f: {  	_ = 	snop  }
0x90: {  	s2 =	sld [smem:$0x3FD0];
	_ =	sdelay $0x2  }
0x91: {  	s15 =	simm.s32 $0xA;
	s4 =	simm.s32 $0x10  }
0x92: {  	[smem:s4], [sflag:s15] =	dma.local [hbm:s2], $0x1  }
0x93: {  	_ =	swait.eq [sflag:s15], $0x1  }
0x94: {  	[sflag:s15] =	ssyncset.done $0x0  }
0x95: {  	s16 =	sld [smem:$0x10];
	[sflag:s15] =	ssyncadd.s32 $0xFFFFFFFF  }
0x96: {  	s17 =	sld [smem:$0x11];
	(tm) =	ssettm $0x1  }
0x97: {  	s18 =	sld [smem:$0x3FFB];
	_ =	sdelay $0x3  }
0x98: {  	_ =	strace s18  }
0x99: {  	s4 =	sld [smem:$0x3FFC];
	_ =	sdelay $0x3  }
0x9a: {  	_ =	strace s4  }
0x9b: {  	s4 =	sld [smem:$0x3FFD];
	_ =	sdelay $0x3  }
0x9c: {  	_ =	strace s4  }
0x9d: {  	_ =	strace $0x8FFFFFFF  }
0x9e: {  	s19 =	sld [smem:$0x3FDB];
	_ =	sdelay $0x1  }
0x9f: {  	s5 =	simm.s32 $_scs_section_size  }
0xa0: {  	s6 =	simm.s32 $_size__tile_overlayer_lowered;
	s7 =	simm.s32 $_tile_overlayer_lowered  }
0xa1: {  	s22 =	simm.s32 $0x1BFF;
	s21 =	sshll.u32 s7, $0x1;
	s4 =	sadd.s32 s5, s19  }
0xa2: {  	s8 =	simm.s32 $0x0;
	s20 =	sshll.u32 s6, $0x1;
	s6 =	sadd.s32 s21, s4  }
0xa3: {  	[timem:s8], [sflag:s22] =	dma.local [hbm:s6], s20  }
0xa4: {  	_ =	swait.ge [sflag:s22], s20  }
0xa5: {  	s5 =	ssub.s32 $0x0, s20;
	[sflag:s22] =	ssyncset.done $0x0  }
0xa6: {  	[sflag:s22] =	ssyncadd.s32 s5;
	_ =	sdelay $0x1  }
0xa7: {  	s23 =	simm.s32 $0x1B8B  }
0xa8: {  	_ =	swait.ge [sflag:s23], $0x1  }
0xa9: {  	[sflag:s23] =	ssyncset.done $0x0  }
0xaa: {  	s25 =	simm.s32 $0x1B8E;
	s24 =	sld [smem:$0x3FFE];
	[sflag:s23] =	ssyncadd.s32 $0xFFFFFFFF  }
0xab: {  	s26 =	simm.s32 $execute0_lowered;
	[smem:$0x3FD2] =	sst s25  }
0xac: {  	s6 =	sshll.u32 s26, $0x1;
	_ =	strace $0x80000049;
	[dreg:$0x1] =	wrdreg $0xFFFFFFFF  }
0xad: {  	s28 =	simm.s32 $_size_execute0_lowered;
	s4 =	sadd.s32 s4, s6;
	[dreg:$0x0] =	wrdreg $0x0  }
0xae: {  	s6 =	sshll.u32 s28, $0x1;
	[dreg:$0x2] =	wrdreg s4  }
0xaf: {  	[dreg:$0x3] =	wrdreg s6  }
0xb0: {  	[dreg:$0x4] =	wrdreg $0xC0  }
0xb1: {  	_ =	task [dreg:s8], $0x5FFFF  }
0xb2: {  	[dreg:$0x1] =	wrdreg $0xFFFFFFFF  }
0xb3: {  	[dreg:$0x0] =	wrdreg $0x60  }
0xb4: {  	[dreg:$0x2] =	wrdreg s17  }
0xb5: {  	[dreg:$0x3] =	wrdreg s24  }
0xb6: {  	[dreg:$0x4] =	wrdreg s16  }
0xb7: {  	[dreg:$0x5] =	wrdreg $0xA4000  }
0xb8: {  	[dreg:$0x6] =	wrdreg $0x9  }
0xb9: {  	_ =	task.clear_ibuf [dreg:s8], $0x7FFFF;
	_ =	strace $0x90000049  }
0xba: {  	s29 =	simm.s32 $0x9;
	_ =	strace $0x8000004B  }
0xbb: {  	_ =	swait.ge [sflag:s29], $0x1  }
0xbc: {  	[sflag:s29] =	ssyncadd.s32 $0xFFFFFFFF  }
0xbd: {  	_ =	strace $0x9000004B  }
0xbe: {  	_ =	sfence  }
0xbf: {  	s30 =	sld [smem:$0x0];
	_ =	sdelay $0x2  }
0xc0: {  	s31 =	sshll.u32 s1, $0xD;
	s1 =	sshrl.u32 s1, $0x2  }
0xc1: {  	s3 =	sand.u32 $0x4000, s31;
	s1 =	sadd.s32 s1, s30  }
0xc2: {  	s0 =	sor.u32 s3, s0;
	s1 =	sshll.u32 s1, $0x11  }
0xc3: {  	s0 =	sor.u32 s1, s0  }
0xc4: {  	s0 =	sadd.s32 $0x8F2B, s0  }
0xc5: {  	[sflag:s0] =	ssyncadd.remote.s32 $0x1  }
0xc6: {  	_ =	sfence.sel $0xFFFF  }
0xc7: {  	[dreg:$0x0] =	wrdreg $0xFFFFFFFF;
	(pc) =	sbr.abs _section_cstart, $3  }
0xc8: {  	[dreg:$0x1] =	wrdreg $0xFFFFFFFF  }
0xc9: {  	_ =	task.clear_ibuf [dreg:s8], $0x2FFFF;
	_ =	strace $0x9FFFFFFF  }
0xca: {  	(tm) =	ssettm $0x7FFFFFFF  }
0xcb: {  	_ =	shalt  }
tec
execute0_lowered:
.L_overlay_start_1:
0x0: {  	(tag) =	ssettag $0x1  }
0x1: {  	s1 =	rddreg [dreg:$0x0]  }
0x2: {  	s0 =	rddreg [dreg:$0x1]  }
0x3: {  	s3 =	rddreg [dreg:$0x3];
	s5 =	simm.s32 $0x0  }
0x4: {  	s2 =	srdreg.scid;
	s13 =	stileid.u32;
	s31 =	simm.s32 $0x11  }
0x5: {  	s28 =	simm.s32 $0x2C00;
	[smem:$0x7FF] =	sst s5;
	s4 =	smul.u32 $0x50000, s13  }
0x6: {  	s2 =	sand.u32 $0x1, s2;
	s6 =	sadd.s32 $0x1600, s0;
	s8 =	smul.u32 $0x14000, s13  }
0x7: {  	s0 =	sadd.s32 $0x21600, s0;
	s13 =	sshll.u32 s13, $0xE;
	_ =	strace $0x8000004A  }
0x8: {  	s7 =	ssub.s32 $0x2, s2;
	s14 =	smul.u32 $0x140000, s2;
	s2 =	sshll.u32 s2, $0x12  }
0x9: {  	s9 =	sshrl.u32 s7, $0x1;
	s4 =	sshrl.u32 s4, $0x2;
	s20 =	sor.u32 $0x2800, s8  }
0xa: {  	s21 =	sadd.s32 $0x5000, s8;
	s10 =	sadd.s32 $0x7800, s8;
	s23 =	sadd.s32 $0xA000, s8  }
0xb: {  	s12 =	sadd.s32 $0xC800, s8;
	s15 =	sadd.s32 $0xF000, s8;
	s13 =	sor.u32 s13, s2  }
0xc: {  	s7 =	ssub.s32 s7, s9;
	s25 =	sadd.s32 s4, s3;
	s26 =	sadd.s32 s20, s3  }
0xd: {  	s11 =	sadd.s32 s21, s3;
	s22 =	sadd.s32 s10, s3;
	s16 =	sadd.s32 s23, s3  }
0xe: {  	s18 =	sadd.s32 s12, s3;
	s24 =	sadd.s32 s8, s14;
	s29 =	sadd.s32 s15, s3  }
0xf: {  	s4 =	sadd.s32 s14, s20;
	s8 =	sadd.s32 $0x11800, s8;
	s9 =	sadd.s32 s14, s21  }
0x10: {  	s17 =	sadd.s32 s14, s10;
	s19 =	sadd.s32 s14, s23;
	[dreg:$0x7] =	wrdreg s11  }
0x11: {  	s23 =	sadd.s32 s14, s15;
	s15 =	sor.u32 $0x180, s13;
	[dreg:$0x8] =	wrdreg s22  }
0x12: {  	s2 =	sshrl.u32 s24, $0x3;
	s4 =	sshrl.u32 s4, $0x3;
	[dreg:$0x5] =	wrdreg s25  }
0x13: {  	s21 =	sshrl.u32 s19, $0x3;
	s22 =	sadd.s32 s14, s12;
	[dreg:$0x6] =	wrdreg s26  }
0x14: {  	s24 =	sadd.s32 s14, s8;
	s11 =	sshrl.u32 s13, $0x3;
	[dreg:$0xa] =	wrdreg s18  }
0x15: {  	s30 =	sadd.s32 s8, s3;
	s7 =	smax.u32 s7, $0x1;
	[dreg:$0xb] =	wrdreg s29  }
0x16: {  	s8 =	simm.s32 $0xA;
	s2 =	sadd.s32 s0, s2;
	[dreg:$0x17] =	wrdreg s7  }
0x17: {  	s10 =	sshrl.u32 s24, $0x3;
	s12 =	sadd.s32 s6, s11;
	[dreg:$0x14] =	wrdreg s30  }
0x18: {  	s7 =	smov.u32 s16;
	s11 =	simm.s32 $0xB;
	[dreg:$0xc] =	wrdreg s2  }
0x19: {  	s16 =	simm.s32 $0x8;
	s2 =	sadd.s32 s0, s4;
	[dreg:$0x15] =	wrdreg s12  }
0x1a: {  	s4 =	sshrl.u32 s17, $0x3;
	s17 =	sor.u32 $0x80180, s13;
	[dreg:$0x9] =	wrdreg s7  }
0x1b: {  	s24 =	sadd.s32 $0x10020, s12;
	[dreg:$0xd] =	wrdreg s2;
	s2 =	sshrl.u32 s9, $0x3  }
0x1c: {  	s20 =	sadd.s32 s0, s4;
	s4 =	sshrl.u32 s23, $0x3;
	[dreg:$0x1d] =	wrdreg s24  }
0x1d: {  	s23 =	sor.u32 $0x80000, s13;
	s2 =	sadd.s32 s0, s2;
	[dreg:$0xf] =	wrdreg s20  }
0x1e: {  	s9 =	simm.s32 $0x6;
	s4 =	sadd.s32 s0, s4;
	[dreg:$0xe] =	wrdreg s2  }
0x1f: {  	s24 =	simm.s32 $0xC;
	s20 =	sadd.s32 $0x10, s12;
	[dreg:$0x12] =	wrdreg s4  }
0x20: {  	s14 =	sshrl.u32 s23, $0x3;
	s2 =	sadd.s32 s0, s21;
	[dreg:$0x1a] =	wrdreg s20  }
0x21: {  	s21 =	sadd.s32 $0x10010, s12;
	s20 =	simm.s32 $0x50;
	[dreg:$0x10] =	wrdreg s2  }
0x22: {  	s4 =	simm.s32 $0x5;
	s2 =	sshrl.u32 s22, $0x3;
	[dreg:$0x1b] =	wrdreg s21  }
0x23: {  	s22 =	sadd.s32 $0x20, s12;
	s12 =	simm.s32 $0x7;
	s21 =	simm.s32 $0xE  }
0x24: {  	s2 =	sadd.s32 s0, s2;
	s0 =	sadd.s32 s0, s10;
	[dreg:$0x1c] =	wrdreg s22  }
0x25: {  	s10 =	simm.s32 $0xD;
	s22 =	simm.s32 $0xF;
	[dreg:$0x11] =	wrdreg s2  }
.Ltmp0:
0x26: {  	[dreg:$0x13] =	wrdreg s0;
	s0 =	sadd.s32 s6, s14;
	(pc) =	sbr.rel .LBB2_1-.Ltmp0, $4  }
0x27: {  	s2 =	sshrl.u32 s17, $0x3;
	s17 =	simm.s32 $0x9;
	s14 =	simm.s32 $0x280  }
0x28: {  	[dreg:$0x16] =	wrdreg s0;
	s0 =	sshrl.u32 s15, $0x3;
	s19 =	sadd.s32 s2, s6  }
0x29: {  	s15 =	simm.s32 $0x400;
	s0 =	sadd.s32 s0, s6;
	[dreg:$0x19] =	wrdreg s19  }
0x2a: {  	s19 =	simm.s32 $0x300;
	[dreg:$0x18] =	wrdreg s0;
	s0 =	simm.s32 $0x0  }
.LBB2_4:
0x2b: {  	_ =	swait.ge [sflag:s24], $0x2800  }
0x2c: {  	[sflag:s24] =	ssyncset.done $0x0  }
0x2d: {  	[sflag:s24] =	ssyncadd.s32 $0xFFFFD800  }
0x2e: {  	_ =	swait.ge [sflag:s16], $0x80  }
0x2f: {  	[sflag:s16] =	ssyncset.done $0x0  }
0x30: {  	[sflag:s16] =	ssyncadd.s32 $0xFFFFFF80  }
0x31: {  	[spmem:s3] =	stream.indirect.scatter.add.f32 [tilespmem:s19], [sflag:$0x10], $0x80, s0, s20, $0xb8;
	[tilespmem:$0x1E400] =	vst v63  }
0x32: {  	_ =	swait.ge [sflag:s17], $0x2800  }
0x33: {  	[sflag:s17] =	ssyncset.done $0x0  }
0x34: {  	[sflag:s17] =	ssyncadd.s32 $0xFFFFD800  }
0x35: {  	_ =	swait.ge [sflag:s4], $0x80  }
0x36: {  	[sflag:s4] =	ssyncset.done $0x0  }
0x37: {  	[sflag:s4] =	ssyncadd.s32 $0xFFFFFF80  }
0x38: {  	[spmem:s3] =	stream.indirect.scatter.add.f32 [tilespmem:s15], [sflag:$0xD], $0x80, s7, s20, $0xb8;
	[tilespmem:$0x1E400] =	vst v63  }
0x39: {  	_ =	swait.ge [sflag:s21], $0x2800  }
0x3a: {  	[sflag:s21] =	ssyncset.done $0x0  }
0x3b: {  	[sflag:s21] =	ssyncadd.s32 $0xFFFFD800  }
0x3c: {  	_ =	swait.ge [sflag:s22], $0x2800  }
0x3d: {  	[sflag:s22] =	ssyncset.done $0x0  }
0x3e: {  	s7 =	simm.s32 $0x10;
	[sflag:s22] =	ssyncadd.s32 $0xFFFFD800  }
0x3f: {  	_ =	swait.ge [sflag:s7], $0x2800  }
0x40: {  	[sflag:s7] =	ssyncset.done $0x0  }
0x41: {  	[sflag:s7] =	ssyncadd.s32 $0xFFFFD800  }
0x42: {  	_ =	swait.ge [sflag:s10], $0x2800  }
0x43: {  	[sflag:s10] =	ssyncset.done $0x0  }
0x44: {  	[sflag:s10] =	ssyncadd.s32 $0xFFFFD800  }
0x45: {  	[bflag:$0x0] =	sbarrier.arrive $0xFFFF  }
0x46: {  	s31 =	simm.s32 $0x11;
	s25 =	rddreg [dreg:$0x5]  }
0x47: {  	[tilespmem:s15], [sflag:$0x11] =	stream.linear.gather [spmem:s25], $0x2800, $0x38;
	[tilespmem:$0x1E400] =	vst v63  }
0x48: {  	_ =	swait.ge [sflag:s31], $0x2800  }
0x49: {  	[sflag:s31] =	ssyncset.done $0x0  }
0x4a: {  	s2 =	rddreg [dreg:$0xc];
	[sflag:s31] =	ssyncadd.s32 $0xFFFFD800  }
0x4b: {  	[hbm4b:s2+s5] =	stream.linear.scatter [tilespmem:s15], [sflag:$0x9], $0x2800, $0x38;
	[tilespmem:$0x1E400] =	vst v63  }
0x4c: {  	s26 =	rddreg [dreg:$0x6]  }
0x4d: {  	[tilespmem:s28], [sflag:$0x11] =	stream.linear.gather [spmem:s26], $0x2800, $0x38;
	[tilespmem:$0x1E400] =	vst v63  }
0x4e: {  	_ =	swait.ge [sflag:s31], $0x2800  }
0x4f: {  	[sflag:s31] =	ssyncset.done $0x0  }
0x50: {  	s18 =	rddreg [dreg:$0xd];
	[sflag:s31] =	ssyncadd.s32 $0xFFFFD800  }
0x51: {  	[hbm4b:s18+s5] =	stream.linear.scatter [tilespmem:s28], [sflag:$0xA], $0x2800, $0x38;
	[tilespmem:$0x1E400] =	vst v63  }
0x52: {  	_ =	swait.ge [sflag:s17], $0x2800  }
0x53: {  	[sflag:s17] =	ssyncset.done $0x0  }
0x54: {  	s19 =	rddreg [dreg:$0x7];
	[sflag:s17] =	ssyncadd.s32 $0xFFFFD800  }
0x55: {  	[tilespmem:s15], [sflag:$0x11] =	stream.linear.gather [spmem:s19], $0x2800, $0x38;
	[tilespmem:$0x1E400] =	vst v63  }
0x56: {  	_ =	swait.ge [sflag:s31], $0x2800  }
0x57: {  	[sflag:s31] =	ssyncset.done $0x0  }
0x58: {  	s0 =	rddreg [dreg:$0xe];
	[sflag:s31] =	ssyncadd.s32 $0xFFFFD800  }
0x59: {  	[hbm4b:s0+s5] =	stream.linear.scatter [tilespmem:s15], [sflag:$0x9], $0x2800, $0x38;
	[tilespmem:$0x1E400] =	vst v63  }
0x5a: {  	_ =	swait.ge [sflag:s8], $0x2800  }
0x5b: {  	[sflag:s8] =	ssyncset.done $0x0  }
0x5c: {  	s7 =	rddreg [dreg:$0x8];
	[sflag:s8] =	ssyncadd.s32 $0xFFFFD800  }
0x5d: {  	[tilespmem:s28], [sflag:$0x11] =	stream.linear.gather [spmem:s7], $0x2800, $0x38;
	[tilespmem:$0x1E400] =	vst v63  }
0x5e: {  	_ =	swait.ge [sflag:s31], $0x2800  }
0x5f: {  	[sflag:s31] =	ssyncset.done $0x0  }
0x60: {  	s18 =	rddreg [dreg:$0xf];
	[sflag:s31] =	ssyncadd.s32 $0xFFFFD800  }
0x61: {  	[hbm4b:s18+s5] =	stream.linear.scatter [tilespmem:s28], [sflag:$0xA], $0x2800, $0x38;
	[tilespmem:$0x1E400] =	vst v63  }
0x62: {  	_ =	swait.ge [sflag:s17], $0x2800  }
0x63: {  	[sflag:s17] =	ssyncset.done $0x0  }
0x64: {  	s7 =	rddreg [dreg:$0x9];
	[sflag:s17] =	ssyncadd.s32 $0xFFFFD800  }
0x65: {  	[tilespmem:s15], [sflag:$0x11] =	stream.linear.gather [spmem:s7], $0x2800, $0x38;
	[tilespmem:$0x1E400] =	vst v63  }
0x66: {  	_ =	swait.ge [sflag:s31], $0x2800  }
0x67: {  	[sflag:s31] =	ssyncset.done $0x0  }
0x68: {  	s19 =	rddreg [dreg:$0x10];
	[sflag:s31] =	ssyncadd.s32 $0xFFFFD800  }
0x69: {  	[hbm4b:s19+s5] =	stream.linear.scatter [tilespmem:s15], [sflag:$0x9], $0x2800, $0x38;
	[tilespmem:$0x1E400] =	vst v63  }
0x6a: {  	_ =	swait.ge [sflag:s8], $0x2800  }
0x6b: {  	[sflag:s8] =	ssyncset.done $0x0  }
0x6c: {  	s18 =	rddreg [dreg:$0xa];
	[sflag:s8] =	ssyncadd.s32 $0xFFFFD800  }
0x6d: {  	[tilespmem:s28], [sflag:$0x11] =	stream.linear.gather [spmem:s18], $0x2800, $0x38;
	[tilespmem:$0x1E400] =	vst v63  }
0x6e: {  	_ =	swait.ge [sflag:s31], $0x2800  }
0x6f: {  	[sflag:s31] =	ssyncset.done $0x0  }
0x70: {  	s0 =	rddreg [dreg:$0x11];
	[sflag:s31] =	ssyncadd.s32 $0xFFFFD800  }
0x71: {  	[hbm4b:s0+s5] =	stream.linear.scatter [tilespmem:s28], [sflag:$0xA], $0x2800, $0x38;
	[tilespmem:$0x1E400] =	vst v63  }
0x72: {  	_ =	swait.ge [sflag:s17], $0x2800  }
0x73: {  	[sflag:s17] =	ssyncset.done $0x0  }
0x74: {  	s29 =	rddreg [dreg:$0xb];
	[sflag:s17] =	ssyncadd.s32 $0xFFFFD800  }
0x75: {  	[tilespmem:s15], [sflag:$0x11] =	stream.linear.gather [spmem:s29], $0x2800, $0x38;
	[tilespmem:$0x1E400] =	vst v63  }
0x76: {  	_ =	swait.ge [sflag:s31], $0x2800  }
0x77: {  	[sflag:s31] =	ssyncset.done $0x0  }
0x78: {  	s19 =	rddreg [dreg:$0x12];
	[sflag:s31] =	ssyncadd.s32 $0xFFFFD800  }
0x79: {  	[hbm4b:s19+s5] =	stream.linear.scatter [tilespmem:s15], [sflag:$0x9], $0x2800, $0x38;
	[tilespmem:$0x1E400] =	vst v63  }
0x7a: {  	_ =	swait.ge [sflag:s8], $0x2800  }
0x7b: {  	[sflag:s8] =	ssyncset.done $0x0  }
0x7c: {  	s30 =	rddreg [dreg:$0x14];
	[sflag:s8] =	ssyncadd.s32 $0xFFFFD800  }
0x7d: {  	[tilespmem:s28], [sflag:$0x11] =	stream.linear.gather [spmem:s30], $0x2800, $0x38;
	[tilespmem:$0x1E400] =	vst v63  }
0x7e: {  	_ =	swait.ge [sflag:s31], $0x2800  }
0x7f: {  	[sflag:s31] =	ssyncset.done $0x0  }
0x80: {  	s0 =	rddreg [dreg:$0x13];
	[sflag:s31] =	ssyncadd.s32 $0xFFFFD800  }
0x81: {  	[hbm4b:s0+s5] =	stream.linear.scatter [tilespmem:s28], [sflag:$0xA], $0x2800, $0x38;
	[tilespmem:$0x1E400] =	vst v63  }
0x82: {  	_ =	swait.ge [sflag:s17], $0x2800  }
0x83: {  	[sflag:s17] =	ssyncset.done $0x0  }
0x84: {  	[sflag:s17] =	ssyncadd.s32 $0xFFFFD800  }
0x85: {  	_ =	swait.ge [sflag:s8], $0x2800  }
0x86: {  	s2 =	rddreg [dreg:$0x1e]  }
0x87: {  	s19 =	rddreg [dreg:$0x17];
	s0 =	sadd.s32 $0x1, s2  }
0x88: {  	p0 =	sne.s32 s0, s19  }
.Ltmp1:
0x89: {  	_ = 	snop;
	(pc) =	sbr.rel @!p0 .LBB2_5-.Ltmp1, $3  }
0x8a: {  	_ =	sdelay $0x1  }
0x8b: {  	[sflag:s8] =	ssyncset.done $0x0  }
0x8c: {  	[sflag:s8] =	ssyncadd.s32 $0xFFFFD800;
	s19 =	simm.s32 $0x300  }
.LBB2_1:
0x8d: {  	[dreg:$0x1e] =	wrdreg s0  }
0x8e: {  	s2 =	rddreg [dreg:$0x2]  }
0x8f: {  	[tilespmem:s15], [sflag:$0x11] =	stream.linear.gather [hbm4b:s2+s5], $0x2800, $0x38;
	[tilespmem:$0x1E400] =	vst v63  }
0x90: {  	_ =	swait.ge [sflag:s31], $0x2800  }
0x91: {  	[sflag:s31] =	ssyncset.done $0x0  }
0x92: {  	[sflag:s31] =	ssyncadd.s32 $0xFFFFD800  }
0x93: {  	[spmem:s25] =	stream.linear.scatter [tilespmem:s15], [sflag:$0x9], $0x2800, $0x38;
	[tilespmem:$0x1E400] =	vst v63  }
0x94: {  	_ = 	snop  }
0x95: {  	[spmem:s26] =	stream.linear.scatter [tilespmem:s15], [sflag:$0x9], $0x2800, $0x38;
	[tilespmem:$0x1E400] =	vst v63  }
0x96: {  	s25 =	rddreg [dreg:$0x7]  }
0x97: {  	[spmem:s25] =	stream.linear.scatter [tilespmem:s15], [sflag:$0x9], $0x2800, $0x38;
	[tilespmem:$0x1E400] =	vst v63  }
0x98: {  	s26 =	rddreg [dreg:$0x8]  }
0x99: {  	[spmem:s26] =	stream.linear.scatter [tilespmem:s15], [sflag:$0x9], $0x2800, $0x38;
	[tilespmem:$0x1E400] =	vst v63  }
0x9a: {  	_ = 	snop  }
0x9b: {  	[spmem:s7] =	stream.linear.scatter [tilespmem:s15], [sflag:$0x9], $0x2800, $0x38;
	[tilespmem:$0x1E400] =	vst v63  }
0x9c: {  	_ = 	snop  }
0x9d: {  	[spmem:s18] =	stream.linear.scatter [tilespmem:s15], [sflag:$0x9], $0x2800, $0x38;
	[tilespmem:$0x1E400] =	vst v63  }
0x9e: {  	_ = 	snop  }
0x9f: {  	[spmem:s29] =	stream.linear.scatter [tilespmem:s15], [sflag:$0x9], $0x2800, $0x38;
	[tilespmem:$0x1E400] =	vst v63  }
0xa0: {  	_ = 	snop  }
0xa1: {  	[spmem:s30] =	stream.linear.scatter [tilespmem:s15], [sflag:$0x9], $0x2800, $0x38;
	[tilespmem:$0x1E400] =	vst v63  }
0xa2: {  	_ =	swait.ge [sflag:s17], $0x2800  }
0xa3: {  	[sflag:s17] =	ssyncset.done $0x0  }
0xa4: {  	[sflag:s17] =	ssyncadd.s32 $0xFFFFD800  }
0xa5: {  	_ =	swait.ge [sflag:s17], $0x2800  }
0xa6: {  	[sflag:s17] =	ssyncset.done $0x0  }
0xa7: {  	[sflag:s17] =	ssyncadd.s32 $0xFFFFD800  }
0xa8: {  	_ =	swait.ge [sflag:s17], $0x2800  }
0xa9: {  	[sflag:s17] =	ssyncset.done $0x0  }
0xaa: {  	[sflag:s17] =	ssyncadd.s32 $0xFFFFD800  }
0xab: {  	_ =	swait.ge [sflag:s17], $0x2800  }
0xac: {  	[sflag:s17] =	ssyncset.done $0x0  }
0xad: {  	[sflag:s17] =	ssyncadd.s32 $0xFFFFD800  }
0xae: {  	_ =	swait.ge [sflag:s17], $0x2800  }
0xaf: {  	[sflag:s17] =	ssyncset.done $0x0  }
0xb0: {  	[sflag:s17] =	ssyncadd.s32 $0xFFFFD800  }
0xb1: {  	_ =	swait.ge [sflag:s17], $0x2800  }
0xb2: {  	[sflag:s17] =	ssyncset.done $0x0  }
0xb3: {  	[sflag:s17] =	ssyncadd.s32 $0xFFFFD800  }
0xb4: {  	_ =	swait.ge [sflag:s17], $0x2800  }
0xb5: {  	[sflag:s17] =	ssyncset.done $0x0  }
0xb6: {  	[sflag:s17] =	ssyncadd.s32 $0xFFFFD800  }
0xb7: {  	_ =	swait.ge [sflag:s17], $0x2800  }
0xb8: {  	[sflag:s17] =	ssyncset.done $0x0  }
0xb9: {  	[sflag:s17] =	ssyncadd.s32 $0xFFFFD800  }
0xba: {  	[bflag:$0x0] =	sbarrier.arrive $0xFFFF  }
0xbb: {  	s30 =	rddreg [dreg:$0x15]  }
0xbc: {  	[tilespmem:s5], [sflag:$0x1] =	stream.linear.gather [hbm4b:s30+s5], $0x80, $0x38;
	[tilespmem:$0x1E400] =	vst v63  }
0xbd: {  	s7 =	simm.s32 $0x200;
	s18 =	simm.s32 $0x1;
	s0 =	rddreg [dreg:$0x16]  }
0xbe: {  	[tilespmem:s7], [sflag:$0x5] =	stream.linear.gather [hbm4b:s0+s5], $0x80, $0x38;
	[tilespmem:$0x1E400] =	vst v63  }
0xbf: {  	_ =	swait.ge [sflag:s18], $0x80  }
0xc0: {  	[sflag:s18] =	ssyncset.done $0x0  }
0xc1: {  	[sflag:s18] =	ssyncadd.s32 $0xFFFFFF80  }
0xc2: {  	[tilespmem:s15], [sflag:$0x9] =	stream.indirect.gather [hbm4b:s1+s20], $0x80, s5, s20, $0xb8;
	[tilespmem:$0x1E400] =	vst v63  }
0xc3: {  	s26 =	simm.s32 $0x80;
	s25 =	rddreg [dreg:$0x1a]  }
0xc4: {  	[tilespmem:s26], [sflag:$0x2] =	stream.linear.gather [hbm4b:s25+s5], $0x80, $0x38;
	[tilespmem:$0x1E400] =	vst v63  }
0xc5: {  	s0 =	simm.s32 $0x2;
	s30 =	rddreg [dreg:$0x1b]  }
0xc6: {  	[tilespmem:s14], [sflag:$0x6] =	stream.linear.gather [hbm4b:s30+s5], $0x80, $0x38;
	[tilespmem:$0x1E400] =	vst v63  }
0xc7: {  	_ =	swait.ge [sflag:s0], $0x80  }
0xc8: {  	[sflag:s0] =	ssyncset.done $0x0  }
0xc9: {  	[sflag:s0] =	ssyncadd.s32 $0xFFFFFF80  }
0xca: {  	[tilespmem:s28], [sflag:$0xA] =	stream.indirect.gather [hbm4b:s1+s20], $0x80, s26, s20, $0xb8;
	[tilespmem:$0x1E400] =	vst v63  }
0xcb: {  	s18 =	simm.s32 $0x100;
	s7 =	rddreg [dreg:$0x1c]  }
0xcc: {  	[tilespmem:s18], [sflag:$0x3] =	stream.linear.gather [hbm4b:s7+s5], $0x80, $0x38;
	[tilespmem:$0x1E400] =	vst v63  }
0xcd: {  	s30 =	simm.s32 $0x3;
	s26 =	rddreg [dreg:$0x1d]  }
0xce: {  	[tilespmem:s19], [sflag:$0x7] =	stream.linear.gather [hbm4b:s26+s5], $0x80, $0x38;
	[tilespmem:$0x1E400] =	vst v63  }
0xcf: {  	s31 =	simm.s32 $0x300;
	_ =	swait.ge [sflag:s30], $0x80  }
0xd0: {  	s25 =	simm.s32 $0x300;
	s0 =	simm.s32 $0x380;
	[sflag:s30] =	ssyncset.done $0x0  }
0xd1: {  	s26 =	simm.s32 $0x5400;
	s29 =	rddreg [dreg:$0x19];
	[sflag:s30] =	ssyncadd.s32 $0xFFFFFF80  }
0xd2: {  	[tilespmem:s26], [sflag:$0xB] =	stream.indirect.gather [hbm4b:s1+s20], $0x80, s18, s20, $0xb8;
	[tilespmem:$0x1E400] =	vst v63  }
0xd3: {  	s7 =	simm.s32 $0x200;
	s19 =	simm.s32 $0x7C00;
	s18 =	rddreg [dreg:$0x18]  }
.LBB2_2:
0xd4: {  	_ =	swait.ge [sflag:s17], $0x2800  }
0xd5: {  	[sflag:s17] =	ssyncset.done $0x0  }
0xd6: {  	[sflag:s17] =	ssyncadd.s32 $0xFFFFD800  }
0xd7: {  	_ =	swait.ge [sflag:s4], $0x80  }
0xd8: {  	p0 =	seq.s32 s31, $0x300;
	[sflag:s4] =	ssyncset.done $0x0  }
0xd9: {  	s30 =	simm.s32 @!p0 $0x10;
	[sflag:s4] =	ssyncadd.s32 $0xFFFFFF80  }
0xda: {  	[spmem:s3] =	stream.indirect.scatter.add.f32 [tilespmem:s15], [sflag:$0xD], $0x80, s7, s20, $0xb8;
	[tilespmem:$0x1E400] =	vst v63  }
0xdb: {  	_ =	swait.ge @!p0 [sflag:s30], $0x2800  }
0xdc: {  	[sflag:s30] =	ssyncset.done @!p0 $0x0  }
0xdd: {  	s2 =	simm.s32 $0x180;
	[sflag:s30] =	ssyncadd.s32 @!p0 $0xFFFFD800  }
0xde: {  	[tilespmem:s2], [sflag:$0x4] =	stream.linear.gather [hbm4b:s18+s5], $0x80, $0x38;
	[tilespmem:$0x1E400] =	vst v63  }
0xdf: {  	s30 =	simm.s32 $0x4  }
0xe0: {  	[tilespmem:s0], [sflag:$0x8] =	stream.linear.gather [hbm4b:s29+s5], $0x80, $0x38;
	[tilespmem:$0x1E400] =	vst v63  }
0xe1: {  	_ =	swait.ge [sflag:s30], $0x80  }
0xe2: {  	[sflag:s30] =	ssyncset.done $0x0  }
0xe3: {  	[sflag:s30] =	ssyncadd.s32 $0xFFFFFF80  }
0xe4: {  	[tilespmem:s19], [sflag:$0xC] =	stream.indirect.gather [hbm4b:s1+s20], $0x80, s2, s20, $0xb8;
	[tilespmem:$0x1E400] =	vst v63  }
0xe5: {  	_ =	swait.ge [sflag:s8], $0x2800  }
0xe6: {  	[sflag:s8] =	ssyncset.done $0x0  }
0xe7: {  	[sflag:s8] =	ssyncadd.s32 $0xFFFFD800  }
0xe8: {  	s30 =	sadd.s32 $0xFFFFFF00, s31;
	_ =	swait.ge [sflag:s9], $0x80  }
0xe9: {  	s2 =	sand.u32 $0x7C00, s30;
	[sflag:s9] =	ssyncset.done $0x0  }
0xea: {  	s30 =	sand.u32 $0x200, s30;
	s7 =	sadd.s32 s13, s2;
	[sflag:s9] =	ssyncadd.s32 $0xFFFFFF80  }
0xeb: {  	[spmem:s3] =	stream.indirect.scatter.add.f32 [tilespmem:s28], [sflag:$0xE], $0x80, s14, s20, $0xb8;
	[tilespmem:$0x1E400] =	vst v63  }
0xec: {  	s2 =	sadd.s32 s23, s2;
	s7 =	sor.u32 s30, s7;
	_ =	swait.ge [sflag:s10], $0x2800  }
0xed: {  	s2 =	sor.u32 s30, s2;
	s7 =	sshrl.u32 s7, $0x3;
	[sflag:s10] =	ssyncset.done $0x0  }
0xee: {  	s2 =	sshrl.u32 s2, $0x3;
	s7 =	sadd.s32 s6, s7;
	[sflag:s10] =	ssyncadd.s32 $0xFFFFD800  }
0xef: {  	[tilespmem:s5], [sflag:$0x1] =	stream.linear.gather [hbm4b:s7+s5], $0x80, $0x38;
	[tilespmem:$0x1E400] =	vst v63  }
0xf0: {  	s30 =	simm.s32 $0x1;
	s2 =	sadd.s32 s6, s2;
	s7 =	simm.s32 $0x200  }
0xf1: {  	[tilespmem:s7], [sflag:$0x5] =	stream.linear.gather [hbm4b:s2+s5], $0x80, $0x38;
	[tilespmem:$0x1E400] =	vst v63  }
0xf2: {  	_ =	swait.ge [sflag:s30], $0x80  }
0xf3: {  	[sflag:s30] =	ssyncset.done $0x0  }
0xf4: {  	[sflag:s30] =	ssyncadd.s32 $0xFFFFFF80  }
0xf5: {  	[tilespmem:s15], [sflag:$0x9] =	stream.indirect.gather [hbm4b:s1+s20], $0x80, s5, s20, $0xb8;
	[tilespmem:$0x1E400] =	vst v63  }
0xf6: {  	_ =	swait.ge [sflag:s11], $0x2800  }
0xf7: {  	p0 =	seq.s32 s31, $0x3F00;
	[sflag:s11] =	ssyncset.done $0x0  }
.Ltmp2:
0xf8: {  	[sflag:s11] =	ssyncadd.s32 $0xFFFFD800;
	(pc) =	sbr.rel @p0 .LBB2_4-.Ltmp2, $4  }
0xf9: {  	_ =	swait.ge [sflag:s12], $0x80  }
0xfa: {  	[sflag:s12] =	ssyncset.done $0x0  }
0xfb: {  	[sflag:s12] =	ssyncadd.s32 $0xFFFFFF80  }
0xfc: {  	[spmem:s3] =	stream.indirect.scatter.add.f32 [tilespmem:s26], [sflag:$0xF], $0x80, s25, s20, $0xb8;
	[tilespmem:$0x1E400] =	vst v63  }
0xfd: {  	s2 =	sadd.s32 $0xFFFFFF80, s31  }
0xfe: {  	s7 =	sand.u32 $0x7C00, s2  }
0xff: {  	_ =	swait.ge [sflag:s21], $0x2800;
	s2 =	sand.u32 $0x280, s2;
	s30 =	sadd.s32 s13, s7  }
0x100: {  	s14 =	simm.s32 $0x80;
	s7 =	sadd.s32 s23, s7;
	s30 =	sor.u32 s2, s30  }
0x101: {  	[sflag:s21] =	ssyncset.done $0x0;
	s2 =	sor.u32 s2, s7;
	s30 =	sshrl.u32 s30, $0x3  }
0x102: {  	[sflag:s21] =	ssyncadd.s32 $0xFFFFD800;
	s2 =	sshrl.u32 s2, $0x3;
	s30 =	sadd.s32 s6, s30  }
0x103: {  	[tilespmem:s14], [sflag:$0x2] =	stream.linear.gather [hbm4b:s30+s5], $0x80, $0x38;
	[tilespmem:$0x1E400] =	vst v63  }
0x104: {  	s28 =	simm.s32 $0x280;
	s7 =	simm.s32 $0x2;
	s2 =	sadd.s32 s6, s2  }
0x105: {  	[tilespmem:s28], [sflag:$0x6] =	stream.linear.gather [hbm4b:s2+s5], $0x80, $0x38;
	[tilespmem:$0x1E400] =	vst v63  }
0x106: {  	_ =	swait.ge [sflag:s7], $0x80  }
0x107: {  	[sflag:s7] =	ssyncset.done $0x0  }
0x108: {  	s28 =	simm.s32 $0x2C00;
	[sflag:s7] =	ssyncadd.s32 $0xFFFFFF80  }
0x109: {  	[tilespmem:s28], [sflag:$0xA] =	stream.indirect.gather [hbm4b:s1+s20], $0x80, s14, s20, $0xb8;
	[tilespmem:$0x1E400] =	vst v63  }
0x10a: {  	_ =	swait.ge [sflag:s24], $0x2800  }
0x10b: {  	[sflag:s24] =	ssyncset.done $0x0  }
0x10c: {  	[sflag:s24] =	ssyncadd.s32 $0xFFFFD800  }
0x10d: {  	_ =	swait.ge [sflag:s16], $0x80  }
0x10e: {  	s30 =	sand.u32 $0x300, s31;
	s2 =	sand.u32 $0x7C00, s31;
	[sflag:s16] =	ssyncset.done $0x0  }
0x10f: {  	s15 =	sadd.s32 s13, s2;
	s2 =	sadd.s32 s23, s2;
	[sflag:s16] =	ssyncadd.s32 $0xFFFFFF80  }
0x110: {  	[spmem:s3] =	stream.indirect.scatter.add.f32 [tilespmem:s19], [sflag:$0x10], $0x80, s0, s20, $0xb8;
	[tilespmem:$0x1E400] =	vst v63  }
0x111: {  	s2 =	sor.u32 s30, s2;
	s7 =	sor.u32 s30, s15;
	_ =	swait.ge [sflag:s22], $0x2800  }
0x112: {  	s15 =	simm.s32 $0x100;
	s7 =	sshrl.u32 s7, $0x3;
	[sflag:s22] =	ssyncset.done $0x0  }
0x113: {  	s2 =	sshrl.u32 s2, $0x3;
	s7 =	sadd.s32 s6, s7;
	[sflag:s22] =	ssyncadd.s32 $0xFFFFD800  }
0x114: {  	[tilespmem:s15], [sflag:$0x3] =	stream.linear.gather [hbm4b:s7+s5], $0x80, $0x38;
	[tilespmem:$0x1E400] =	vst v63  }
0x115: {  	s30 =	simm.s32 $0x3;
	s2 =	sadd.s32 s6, s2  }
0x116: {  	[tilespmem:s25], [sflag:$0x7] =	stream.linear.gather [hbm4b:s2+s5], $0x80, $0x38;
	[tilespmem:$0x1E400] =	vst v63  }
.Ltmp3:
0x117: {  	_ =	swait.ge [sflag:s30], $0x80;
	(pc) =	sbr.rel .LBB2_2-.Ltmp3, $4  }
0x118: {  	s18 =	sadd.s32 $0x40, s18;
	[sflag:s30] =	ssyncset.done $0x0  }
0x119: {  	s29 =	sadd.s32 $0x40, s29;
	s31 =	sadd.s32 $0x200, s31;
	[sflag:s30] =	ssyncadd.s32 $0xFFFFFF80  }
0x11a: {  	[tilespmem:s26], [sflag:$0xB] =	stream.indirect.gather [hbm4b:s1+s20], $0x80, s15, s20, $0xb8;
	[tilespmem:$0x1E400] =	vst v63  }
0x11b: {  	s14 =	simm.s32 $0x280;
	s7 =	simm.s32 $0x200;
	s15 =	simm.s32 $0x400  }
.LBB2_5:
0x11c: {  	_ =	sfence.sel $0x180000  }
0x11d: {  	[bflag:$0x0] =	sbarrier.arrive $0xFFFF  }
0x11e: {  	_ =	strace $0x9000004A  }
0x11f: {  	s0 =	stileid.u32;
	[bflag:$0x2] =	sbarrier.arrive $0xFFFF  }
0x120: {  	p0 =	sne.s32 s0, $0x0;
	s0 =	rddreg [dreg:$0x4]  }
0x121: {  	s0 =	sadd.s32 @!p0 $0x100000, s0  }
0x122: {  	[sflag:s0] =	ssyncadd.tile.s32 @!p0 $0x1;
	_ =	shalt  }
.Lfunc_end2:
_tile_overlayer_lowered:
.L_overlay_start_2:
0x123: {  	(tag) =	ssettag $0x2  }
0x124: {  	s0 =	rddreg [dreg:$0x0];
	s2 =	stileid.u32  }
0x125: {  	s1 =	rddreg [dreg:$0x1];
	p0 =	sne.s32 s2, $0x0  }
0x126: {  	s3 =	rddreg [dreg:$0x2];
	[bflag:$0x3] =	sbarrier.arrive $0xFFFF;
	s2 =	simm.s32 @!p0 $0x1C11  }
0x127: {  	[timem:s3], [sflag:s2] =	dma.local @!p0 [hbm:s0], s1  }
0x128: {  	s0 =	simm.s32 @!p0 $0x11  }
0x129: {  	_ =	swait.ge @!p0 [sflag:s0], s1  }
0x12a: {  	s1 =	ssub.s32 @!p0 $0x0, s1;
	[sflag:s0] =	ssyncset.done @!p0 $0x0  }
0x12b: {  	[sflag:s0] =	ssyncadd.s32 @!p0 s1  }
0x12c: {  	[bflag:$0x3] =	sbarrier.arrive $0xFFFF  }
0x12d: {  	_ =	shalt  }

// kernel: kernel.7.cloned.1.call-start
scs
__scs_entry_jumppad:
0x0: {  	(pc) =	sbr.rel $0x88, $3  }
0x1: {  	(tag) =	ssettag $0x0;
	lr =	simm.s32 $0x1  }
0x2: {  	[smem:$0x3F9D] =	sst lr;
	_ =	strace $0xD0000000  }
0x3: {  	_ = 	snop  }
0x4: {  	_ = 	snop  }
0x5: {  	_ = 	snop  }
0x6: {  	_ = 	snop  }
0x7: {  	_ = 	snop  }
__scs_overlays_trampoline_lowered:
0x8: {  	[smem:$0x3FAC] =	sst s0  }
0x9: {  	[smem:$0x3FAD] =	sst s1  }
0xa: {  	[smem:$0x3FAE] =	sst s2  }
0xb: {  	[smem:$0x3FAF] =	sst s3  }
0xc: {  	[smem:$0x3FB0] =	sst s4  }
0xd: {  	[smem:$0x3FB1] =	sst s5  }
0xe: {  	[smem:$0x3FB2] =	sst s6  }
0xf: {  	[smem:$0x3FB3] =	sst s7  }
0x10: {  	[smem:$0x3FB4] =	sst s8  }
0x11: {  	[smem:$0x3FB5] =	sst s9;
	s0 =	simm.s32 @!p0 $0x0  }
0x12: {  	s1 =	sld [smem:$0x3F9B];
	s0 =	simm.s32 @p0 $0x1  }
0x13: {  	[smem:$0x3FB6] =	sst s0;
	s0 =	simm.s32 @!p1 $0x0  }
0x14: {  	s2 =	sld [smem:$0x3F9A];
	s0 =	simm.s32 @p1 $0x1  }
0x15: {  	[smem:$0x3FB7] =	sst s0;
	s0 =	simm.s32 @!p2 $0x0  }
0x16: {  	s3 =	sld [smem:$0x3FDB];
	s0 =	simm.s32 @p2 $0x1  }
0x17: {  	s4 =	simm.s32 $0x1BF5;
	[smem:$0x3FB9] =	sst s0  }
0x18: {  	s0 =	sld [smem:$0x3F9C];
	_ =	swait.ge [sflag:s4], $0x0  }
0x19: {  	s7 =	sld [smem:$0x3F9D]  }
0x1a: {  	s8 =	sadd.s32 $0xFFFFE003, lr  }
0x1b: {  	s9 =	sadd.s32 $0xFFFFFEF7, lr;
	s5 =	simm.s32 $0xFFFFFFFF;
	p2 =	slt.u32 s8, $0xFFFFF086  }
0x1c: {  	p1 =	slt.u32 s9, $0xF7A;
	s5 =	simm.s32 @!p2 $0x0  }
0x1d: {  	s5 =	simm.s32 @p1 $0x1;
	p0 =	seq.s32 s7, s2  }
0x1e: {  	s7 =	smul.u32 @!p0 $0xF7A, s2;
	p2 =	seq.s32 @!p0 s5, $0x0  }
0x1f: {  	s9 =	smul.u32 $0xF7A, s1;
	s8 =	simm.s32 @!p0 $0x1BF5;
	p2 =	por !p2, p0  }
0x20: {  	[sflag:s8] =	ssyncset.s32 @!p0 $0xFFFFF086;
	s6 =	sadd.s32 @!p0 s3, s7;
	s7 =	simm.s32 @!p0 $0x108  }
0x21: {  	s3 =	sadd.s32 s3, s9;
	s6 =	sadd.s32 @!p0 $0x88, s6;
	s7 =	simm.s32 @p2 $0x1082  }
0x22: {  	[simem:s7], [sflag:s8] =	dma.local @!p0 [hbm:s6], $0xF7A  }
0x23: {  	s9 =	sor.u32 $0xD0000000, s2;
	s6 =	simm.s32 $0x108;
	_ =	swait.ge @!p0 [sflag:s8], $0x0  }
0x24: {  	s3 =	sadd.s32 $0x88, s3;
	s6 =	simm.s32 @!p1 $0x1082;
	[sflag:s4] =	ssyncset.s32 $0xFFFFF086  }
0x25: {  	[simem:s6], [sflag:s4] =	dma.local [hbm:s3], $0xF7A  }
0x26: {  	[smem:$0x3F9D] =	sst s1;
	(tag) =	ssettag s2;
	_ =	strace s9  }
0x27: {  	s1 =	sld [smem:$0x3FAD]  }
0x28: {  	s2 =	sld [smem:$0x3FAE]  }
0x29: {  	s4 =	sld [smem:$0x3FB0]  }
0x2a: {  	p0 =	seq.s32 s5, $0x0;
	s5 =	sld [smem:$0x3FB1]  }
0x2b: {  	s6 =	sld [smem:$0x3FB2]  }
0x2c: {  	s7 =	sld [smem:$0x3FB3]  }
0x2d: {  	s3 =	simm.s32 $0x108;
	s8 =	sld [smem:$0x3FB4]  }
0x2e: {  	s3 =	simm.s32 @!p0 $0x1082;
	s9 =	sld [smem:$0x3FB5]  }
0x2f: {  	lr =	sadd.s32 s0, s3;
	s0 =	sld [smem:$0x3FAC]  }
0x30: {  	s3 =	sld [smem:$0x3FAF]  }
0x31: {  	[smem:$0x3FB8] =	sst s10  }
0x32: {  	s10 =	sld [smem:$0x3FB6];
	_ =	sdelay $0x3  }
0x33: {  	p0 =	seq.s32 s10, $0x1;
	s10 =	sld [smem:$0x3FB8];
	_ =	sdelay $0x3  }
0x34: {  	[smem:$0x3FB8] =	sst s10  }
0x35: {  	s10 =	sld [smem:$0x3FB7];
	_ =	sdelay $0x3  }
0x36: {  	p1 =	seq.s32 s10, $0x1;
	s10 =	sld [smem:$0x3FB8];
	_ =	sdelay $0x3  }
0x37: {  	[smem:$0x3FB8] =	sst s10  }
0x38: {  	s10 =	sld [smem:$0x3FB9]  }
0x39: {  	_ = 	snop;
	(pc) =	sbr.ind lr, $3  }
0x3a: {  	_ = 	snop  }
0x3b: {  	_ = 	snop  }
0x3c: {  	p2 =	seq.s32 s10, $0x1;
	s10 =	sld [smem:$0x3FB8]  }
0x3d: {  	_ =	shalt  }
0x3e: {  	_ =	shalt  }
0x3f: {  	_ =	shalt  }
0x40: {  	_ =	shalt  }
0x41: {  	_ =	shalt  }
0x42: {  	_ =	shalt  }
0x43: {  	_ =	shalt  }
0x44: {  	_ =	shalt  }
0x45: {  	_ =	shalt  }
0x46: {  	_ =	shalt  }
0x47: {  	_ =	shalt  }
0x48: {  	_ =	shalt  }
0x49: {  	_ =	shalt  }
0x4a: {  	_ =	shalt  }
0x4b: {  	_ =	shalt  }
0x4c: {  	_ =	shalt  }
0x4d: {  	_ =	shalt  }
0x4e: {  	_ =	shalt  }
0x4f: {  	_ =	shalt  }
0x50: {  	_ =	shalt  }
0x51: {  	_ =	shalt  }
0x52: {  	_ =	shalt  }
0x53: {  	_ =	shalt  }
0x54: {  	_ =	shalt  }
0x55: {  	_ =	shalt  }
0x56: {  	_ =	shalt  }
0x57: {  	_ =	shalt  }
0x58: {  	_ =	shalt  }
0x59: {  	_ =	shalt  }
0x5a: {  	_ =	shalt  }
0x5b: {  	_ =	shalt  }
0x5c: {  	_ =	shalt  }
0x5d: {  	_ =	shalt  }
0x5e: {  	_ =	shalt  }
0x5f: {  	_ =	shalt  }
0x60: {  	_ =	shalt  }
0x61: {  	_ =	shalt  }
0x62: {  	_ =	shalt  }
0x63: {  	_ =	shalt  }
0x64: {  	_ =	shalt  }
0x65: {  	_ =	shalt  }
0x66: {  	_ =	shalt  }
0x67: {  	_ =	shalt  }
0x68: {  	_ =	shalt  }
0x69: {  	_ =	shalt  }
0x6a: {  	_ =	shalt  }
0x6b: {  	_ =	shalt  }
0x6c: {  	_ =	shalt  }
0x6d: {  	_ =	shalt  }
0x6e: {  	_ =	shalt  }
0x6f: {  	_ =	shalt  }
0x70: {  	_ =	shalt  }
0x71: {  	_ =	shalt  }
0x72: {  	_ =	shalt  }
0x73: {  	_ =	shalt  }
0x74: {  	_ =	shalt  }
0x75: {  	_ =	shalt  }
0x76: {  	_ =	shalt  }
0x77: {  	_ =	shalt  }
0x78: {  	_ =	shalt  }
0x79: {  	_ =	shalt  }
0x7a: {  	_ =	shalt  }
0x7b: {  	_ =	shalt  }
0x7c: {  	_ =	shalt  }
0x7d: {  	_ =	shalt  }
0x7e: {  	_ =	shalt  }
0x7f: {  	_ =	shalt  }
0x80: {  	_ =	shalt  }
0x81: {  	_ =	shalt  }
0x82: {  	_ =	shalt  }
0x83: {  	_ =	shalt  }
0x84: {  	_ =	shalt  }
0x85: {  	_ =	shalt  }
0x86: {  	_ =	shalt  }
0x87: {  	_ =	shalt  }
.Lfunc_end0:
.L_simem_size_0:
called_computation_lowered:
.L_overlay_start_0:
0x88: {  	s2 =	sld [smem:$0x3FD9]  }
0x89: {  	s3 =	sld [smem:$0x3FFE];
	_ =	sdelay $0x1  }
0x8a: {  	s1 =	srdreg.scid  }
0x8b: {  	s0 =	sand.u32 $0x1, s1  }
0x8c: {  	s14 =	sshll.u32 s0, $0xA;
	s2 =	sadd.s32 s3, s2  }
0x8d: {  	s2 =	sadd.s32 s2, s14  }
0x8e: {  	[smem:$0x3FC4] =	sst s2  }
0x8f: {  	_ = 	snop  }
0x90: {  	s2 =	sld [smem:$0x3FD0];
	_ =	sdelay $0x2  }
0x91: {  	s15 =	simm.s32 $0xA;
	s4 =	simm.s32 $0x10  }
0x92: {  	[smem:s4], [sflag:s15] =	dma.local [hbm:s2], $0x1  }
0x93: {  	_ =	swait.eq [sflag:s15], $0x1  }
0x94: {  	[sflag:s15] =	ssyncset.done $0x0  }
0x95: {  	s16 =	sld [smem:$0x10];
	[sflag:s15] =	ssyncadd.s32 $0xFFFFFFFF  }
0x96: {  	s17 =	sld [smem:$0x11];
	(tm) =	ssettm $0x1  }
0x97: {  	s18 =	sld [smem:$0x3FFB];
	_ =	sdelay $0x3  }
0x98: {  	_ =	strace s18  }
0x99: {  	s4 =	sld [smem:$0x3FFC];
	_ =	sdelay $0x3  }
0x9a: {  	_ =	strace s4  }
0x9b: {  	s4 =	sld [smem:$0x3FFD];
	_ =	sdelay $0x3  }
0x9c: {  	_ =	strace s4  }
0x9d: {  	_ =	strace $0x8FFFFFFF  }
0x9e: {  	s19 =	sld [smem:$0x3FDB];
	_ =	sdelay $0x1  }
0x9f: {  	s5 =	simm.s32 $_scs_section_size  }
0xa0: {  	s6 =	simm.s32 $_size__tile_overlayer_lowered;
	s7 =	simm.s32 $_tile_overlayer_lowered  }
0xa1: {  	s22 =	simm.s32 $0x1BFF;
	s21 =	sshll.u32 s7, $0x1;
	s4 =	sadd.s32 s5, s19  }
0xa2: {  	s8 =	simm.s32 $0x0;
	s20 =	sshll.u32 s6, $0x1;
	s6 =	sadd.s32 s21, s4  }
0xa3: {  	[timem:s8], [sflag:s22] =	dma.local [hbm:s6], s20  }
0xa4: {  	_ =	swait.ge [sflag:s22], s20  }
0xa5: {  	s5 =	ssub.s32 $0x0, s20;
	[sflag:s22] =	ssyncset.done $0x0  }
0xa6: {  	[sflag:s22] =	ssyncadd.s32 s5;
	_ =	sdelay $0x1  }
0xa7: {  	s23 =	simm.s32 $0x1B8B  }
0xa8: {  	_ =	swait.ge [sflag:s23], $0x1  }
0xa9: {  	[sflag:s23] =	ssyncset.done $0x0  }
0xaa: {  	s25 =	simm.s32 $0x1B8E;
	s24 =	sld [smem:$0x3FFE];
	[sflag:s23] =	ssyncadd.s32 $0xFFFFFFFF  }
0xab: {  	s26 =	simm.s32 $execute0_lowered;
	[smem:$0x3FD2] =	sst s25  }
0xac: {  	s6 =	sshll.u32 s26, $0x1;
	_ =	strace $0x80000046;
	[dreg:$0x1] =	wrdreg $0xFFFFFFFF  }
0xad: {  	s28 =	simm.s32 $_size_execute0_lowered;
	s4 =	sadd.s32 s4, s6;
	[dreg:$0x0] =	wrdreg $0x0  }
0xae: {  	s6 =	sshll.u32 s28, $0x1;
	[dreg:$0x2] =	wrdreg s4  }
0xaf: {  	[dreg:$0x3] =	wrdreg s6  }
0xb0: {  	[dreg:$0x4] =	wrdreg $0xC0  }
0xb1: {  	_ =	task [dreg:s8], $0x5FFFF  }
0xb2: {  	[dreg:$0x1] =	wrdreg $0xFFFFFFFF  }
0xb3: {  	[dreg:$0x0] =	wrdreg $0x60  }
0xb4: {  	[dreg:$0x2] =	wrdreg s24  }
0xb5: {  	[dreg:$0x3] =	wrdreg s17  }
0xb6: {  	[dreg:$0x4] =	wrdreg s16  }
0xb7: {  	[dreg:$0x5] =	wrdreg $0x85800  }
0xb8: {  	[dreg:$0x6] =	wrdreg $0x88000  }
0xb9: {  	[dreg:$0x7] =	wrdreg $0x9  }
0xba: {  	_ =	task.clear_ibuf [dreg:s8], $0x8FFFF;
	_ =	strace $0x90000046  }
0xbb: {  	s29 =	simm.s32 $0x9;
	_ =	strace $0x80000048  }
0xbc: {  	_ =	swait.ge [sflag:s29], $0x1  }
0xbd: {  	[sflag:s29] =	ssyncadd.s32 $0xFFFFFFFF  }
0xbe: {  	_ =	strace $0x90000048  }
0xbf: {  	_ =	sfence  }
0xc0: {  	s30 =	sld [smem:$0x0];
	_ =	sdelay $0x2  }
0xc1: {  	s31 =	sshll.u32 s1, $0xD;
	s1 =	sshrl.u32 s1, $0x2  }
0xc2: {  	s3 =	sand.u32 $0x4000, s31;
	s1 =	sadd.s32 s1, s30  }
0xc3: {  	s0 =	sor.u32 s3, s0;
	s1 =	sshll.u32 s1, $0x11  }
0xc4: {  	s0 =	sor.u32 s1, s0  }
0xc5: {  	s0 =	sadd.s32 $0x8F2B, s0  }
0xc6: {  	[sflag:s0] =	ssyncadd.remote.s32 $0x1  }
0xc7: {  	_ =	sfence.sel $0xFFFF  }
0xc8: {  	[dreg:$0x0] =	wrdreg $0xFFFFFFFF;
	(pc) =	sbr.abs _section_cstart, $3  }
0xc9: {  	[dreg:$0x1] =	wrdreg $0xFFFFFFFF  }
0xca: {  	_ =	task.clear_ibuf [dreg:s8], $0x2FFFF;
	_ =	strace $0x9FFFFFFF  }
0xcb: {  	(tm) =	ssettm $0x7FFFFFFF  }
tec
execute0_lowered:
.L_overlay_start_1:
0x0: {  	(tag) =	ssettag $0x1  }
0x1: {  	s6 =	rddreg [dreg:$0x0]  }
0x2: {  	s1 =	rddreg [dreg:$0x1]  }
0x3: {  	s10 =	rddreg [dreg:$0x2]  }
0x4: {  	s2 =	rddreg [dreg:$0x3]  }
0x5: {  	s4 =	rddreg [dreg:$0x4]  }
0x6: {  	s0 =	rddreg [dreg:$0x5];
	s7 =	srdreg.scid  }
0x7: {  	s5 =	simm.s32 $0x0;
	s3 =	stileid.u32;
	s14 =	simm.s32 $0x3  }
0x8: {  	s15 =	simm.s32 $0x4000;
	s16 =	simm.s32 $0x8000;
	s17 =	simm.s32 $0x8080  }
0x9: {  	s18 =	simm.s32 $0x50;
	s19 =	simm.s32 $0x1;
	s20 =	simm.s32 $0x2  }
0xa: {  	s21 =	simm.s32 $0x8300;
	s22 =	simm.s32 $0x0;
	s7 =	sand.u32 $0x1, s7  }
0xb: {  	s9 =	sshll.u32 s3, $0xB;
	s11 =	smul.u32 $0x280, s3;
	[smem:$0x7FF] =	sst s5  }
0xc: {  	s8 =	sshll.u32 s7, $0xF;
	s30 =	smul.u32 $0x5000, s7;
	s7 =	ssub.s32 $0x2, s7  }
0xd: {  	_ =	strace $0x80000047;
	s8 =	sor.u32 s9, s8;
	s12 =	sshrl.u32 s7, $0x1  }
0xe: {  	s8 =	sadd.s32 s8, s6;
	s6 =	sadd.s32 $0x21600, s6;
	s9 =	sadd.s32 s11, s30  }
0xf: {  	s13 =	ssub.s32 s7, s12;
	s7 =	sadd.s32 $0x1600, s8;
	s31 =	sshrl.u32 s9, $0x3  }
0x10: {  	s8 =	sadd.s32 $0x11600, s8;
	s9 =	sadd.s32 s11, s2;
	s10 =	sadd.s32 s10, s31  }
0x11: {  	s11 =	sadd.s32 s11, s4;
	s13 =	smax.u32 s13, $0x1;
	s12 =	sadd.s32 $0x500, s10  }
.LBB2_1:
0x12: {  	[tilespmem:s5], [sflag:$0x3] =	stream.linear.gather [hbm4b:s7+s5], $0x3E80, $0x38;
	[tilespmem:$0x8A80] =	vst v63  }
0x13: {  	_ =	swait.ge [sflag:s14], $0x3E80  }
0x14: {  	[sflag:s14] =	ssyncset.done $0x0  }
0x15: {  	[sflag:s14] =	ssyncadd.s32 $0xFFFFC180  }
0x16: {  	[tilespmem:s15], [sflag:$0x3] =	stream.linear.gather [hbm4b:s8+s5], $0x3E80, $0x38;
	[tilespmem:$0x8A80] =	vst v63  }
0x17: {  	_ =	swait.ge [sflag:s14], $0x3E80  }
0x18: {  	[sflag:s14] =	ssyncset.done $0x0  }
0x19: {  	[sflag:s14] =	ssyncadd.s32 $0xFFFFC180  }
0x1a: {  	[tilespmem:s16], [sflag:$0x3] =	stream.linear.gather [hbm4b:s6+s5], $0x80, $0x38;
	[tilespmem:$0x8A80] =	vst v63  }
0x1b: {  	_ =	swait.ge [sflag:s14], $0x80  }
0x1c: {  	[sflag:s14] =	ssyncset.done $0x0  }
0x1d: {  	[sflag:s14] =	ssyncadd.s32 $0xFFFFFF80  }
0x1e: {  	[tilespmem:s17], [sflag:$0x3] =	stream.linear.gather [hbm4b:s1+s5], $0x280, $0x38;
	[tilespmem:$0x8A80] =	vst v63  }
0x1f: {  	_ =	swait.ge [sflag:s14], $0x280  }
0x20: {  	[sflag:s14] =	ssyncset.done $0x0  }
0x21: {  	[sflag:s14] =	ssyncadd.s32 $0xFFFFFD80  }
0x22: {  	[spmem:s9] =	stream.linear.scatter [tilespmem:s17], [sflag:$0x3], $0x280, $0x38;
	[tilespmem:$0x8A80] =	vst v63  }
0x23: {  	_ =	swait.ge [sflag:s14], $0x280  }
0x24: {  	[sflag:s14] =	ssyncset.done $0x0  }
0x25: {  	[sflag:s14] =	ssyncadd.s32 $0xFFFFFD80  }
0x26: {  	[spmem:s11] =	stream.linear.scatter [tilespmem:s17], [sflag:$0x3], $0x280, $0x38;
	[tilespmem:$0x8A80] =	vst v63  }
0x27: {  	_ =	swait.ge [sflag:s14], $0x280  }
0x28: {  	[sflag:s14] =	ssyncset.done $0x0  }
0x29: {  	[sflag:s14] =	ssyncadd.s32 $0xFFFFFD80  }
0x2a: {  	s23 =	simm.s32 $0x0;
	[bflag:$0x0] =	sbarrier.arrive $0xFFFF  }
0x2b: {  	[spmem:s2] =	stream.indirect.scatter.add.f32 [tilespmem:s16], [sflag:$0x1], $0x1, s23, s18, $0xb8;
	[tilespmem:$0x8A80] =	vst v63  }
0x2c: {  	s30 =	simm.s32 $0x4000  }
0x2d: {  	[spmem:s4] =	stream.indirect.scatter.add.f32 [tilespmem:s16], [sflag:$0x2], $0x1, s30, s18, $0xb8;
	[tilespmem:$0x8A80] =	vst v63  }
0x2e: {  	s31 =	simm.s32 $0x80  }
0x2f: {  	[spmem:s2] =	stream.indirect.scatter.add.f32 [tilespmem:s16], [sflag:$0x1], $0x1, s31, s18, $0xb8;
	[tilespmem:$0x8A80] =	vst v63  }
0x30: {  	s24 =	simm.s32 $0x4080  }
0x31: {  	[spmem:s4] =	stream.indirect.scatter.add.f32 [tilespmem:s16], [sflag:$0x2], $0x1, s24, s18, $0xb8;
	[tilespmem:$0x8A80] =	vst v63  }
0x32: {  	s25 =	simm.s32 $0x100  }
0x33: {  	[spmem:s2] =	stream.indirect.scatter.add.f32 [tilespmem:s16], [sflag:$0x1], $0x1, s25, s18, $0xb8;
	[tilespmem:$0x8A80] =	vst v63  }
0x34: {  	s26 =	simm.s32 $0x4100  }
0x35: {  	[spmem:s4] =	stream.indirect.scatter.add.f32 [tilespmem:s16], [sflag:$0x2], $0x1, s26, s18, $0xb8;
	[tilespmem:$0x8A80] =	vst v63  }
0x36: {  	s28 =	simm.s32 $0x180  }
0x37: {  	[spmem:s2] =	stream.indirect.scatter.add.f32 [tilespmem:s16], [sflag:$0x1], $0x1, s28, s18, $0xb8;
	[tilespmem:$0x8A80] =	vst v63  }
0x38: {  	s29 =	simm.s32 $0x4180  }
0x39: {  	[spmem:s4] =	stream.indirect.scatter.add.f32 [tilespmem:s16], [sflag:$0x2], $0x1, s29, s18, $0xb8;
	[tilespmem:$0x8A80] =	vst v63  }
0x3a: {  	p0 =	por $0x1, $0x1;
	s30 =	simm.s32 $0x200  }
0x3b: {  	[spmem:s2] =	stream.indirect.scatter.add.f32 [tilespmem:s16], [sflag:$0x1], $0x1, s30, s18, $0xb8;
	[tilespmem:$0x8A80] =	vst v63  }
0x3c: {  	s23 =	simm.s32 @!p0 $0x1;
	s31 =	simm.s32 $0x4200  }
0x3d: {  	[spmem:s4] =	stream.indirect.scatter.add.f32 [tilespmem:s16], [sflag:$0x2], $0x1, s31, s18, $0xb8;
	[tilespmem:$0x8A80] =	vst v63  }
0x3e: {  	_ =	swait.ge @!p0 [sflag:s23], $0x50  }
0x3f: {  	[sflag:s23] =	ssyncset.done @!p0 $0x0  }
0x40: {  	s25 =	simm.s32 @!p0 $0x2;
	[sflag:s23] =	ssyncadd.s32 @!p0 $0xFFFFFFB0  }
0x41: {  	_ =	swait.ge @!p0 [sflag:s25], $0x50  }
0x42: {  	[sflag:s25] =	ssyncset.done @!p0 $0x0  }
0x43: {  	[sflag:s25] =	ssyncadd.s32 @!p0 $0xFFFFFFB0  }
0x44: {  	_ =	swait.ge @!p0 [sflag:s23], $0x50  }
0x45: {  	[sflag:s23] =	ssyncset.done @!p0 $0x0  }
0x46: {  	[sflag:s23] =	ssyncadd.s32 @!p0 $0xFFFFFFB0  }
0x47: {  	_ =	swait.ge @!p0 [sflag:s25], $0x50  }
0x48: {  	[sflag:s25] =	ssyncset.done @!p0 $0x0  }
0x49: {  	[sflag:s25] =	ssyncadd.s32 @!p0 $0xFFFFFFB0  }
0x4a: {  	_ =	swait.ge @!p0 [sflag:s23], $0x50  }
0x4b: {  	[sflag:s23] =	ssyncset.done @!p0 $0x0  }
0x4c: {  	[sflag:s23] =	ssyncadd.s32 @!p0 $0xFFFFFFB0  }
0x4d: {  	_ =	swait.ge @!p0 [sflag:s25], $0x50  }
0x4e: {  	[sflag:s25] =	ssyncset.done @!p0 $0x0  }
0x4f: {  	[sflag:s25] =	ssyncadd.s32 @!p0 $0xFFFFFFB0  }
0x50: {  	_ =	swait.ge @!p0 [sflag:s23], $0x50  }
0x51: {  	[sflag:s23] =	ssyncset.done @!p0 $0x0  }
0x52: {  	[sflag:s23] =	ssyncadd.s32 @!p0 $0xFFFFFFB0  }
0x53: {  	_ =	swait.ge @!p0 [sflag:s25], $0x50  }
0x54: {  	[sflag:s25] =	ssyncset.done @!p0 $0x0  }
0x55: {  	[sflag:s25] =	ssyncadd.s32 @!p0 $0xFFFFFFB0  }
0x56: {  	_ =	swait.ge @!p0 [sflag:s23], $0x50  }
0x57: {  	[sflag:s23] =	ssyncset.done @!p0 $0x0  }
0x58: {  	[sflag:s23] =	ssyncadd.s32 @!p0 $0xFFFFFFB0  }
0x59: {  	s24 =	simm.s32 $0x0;
	s23 =	simm.s32 $0xA00;
	_ =	swait.ge @!p0 [sflag:s25], $0x50  }
.LBB2_2:
0x5a: {  	[sflag:s25] =	ssyncset.done @!p0 $0x0  }
0x5b: {  	s24 =	sadd.s32 $0x1, s24;
	s26 =	smov.u32 s23;
	s23 =	sadd.s32 $0xA00, s23  }
0x5c: {  	s26 =	sshra.s32 s26, $0x2;
	p1 =	sne.s32 s23, $0xFA00;
	[sflag:s25] =	ssyncadd.s32 @!p0 $0xFFFFFFB0  }
0x5d: {  	[spmem:s2] =	stream.indirect.scatter.add.f32 [tilespmem:s16], [sflag:$0x1], $0x1, s26, s18, $0xb8;
	[tilespmem:$0x8A80] =	vst v63  }
0x5e: {  	s25 =	sadd.s32 $0x4000, s26  }
0x5f: {  	[spmem:s4] =	stream.indirect.scatter.add.f32 [tilespmem:s16], [sflag:$0x2], $0x1, s25, s18, $0xb8;
	[tilespmem:$0x8A80] =	vst v63  }
0x60: {  	s25 =	sadd.s32 $0x80, s26  }
0x61: {  	[spmem:s2] =	stream.indirect.scatter.add.f32 [tilespmem:s16], [sflag:$0x1], $0x1, s25, s18, $0xb8;
	[tilespmem:$0x8A80] =	vst v63  }
0x62: {  	s25 =	sadd.s32 $0x4080, s26  }
0x63: {  	[spmem:s4] =	stream.indirect.scatter.add.f32 [tilespmem:s16], [sflag:$0x2], $0x1, s25, s18, $0xb8;
	[tilespmem:$0x8A80] =	vst v63  }
0x64: {  	s25 =	sadd.s32 $0x100, s26  }
0x65: {  	[spmem:s2] =	stream.indirect.scatter.add.f32 [tilespmem:s16], [sflag:$0x1], $0x1, s25, s18, $0xb8;
	[tilespmem:$0x8A80] =	vst v63  }
0x66: {  	s25 =	sadd.s32 $0x4100, s26  }
0x67: {  	[spmem:s4] =	stream.indirect.scatter.add.f32 [tilespmem:s16], [sflag:$0x2], $0x1, s25, s18, $0xb8;
	[tilespmem:$0x8A80] =	vst v63  }
0x68: {  	s25 =	sadd.s32 $0x180, s26  }
0x69: {  	[spmem:s2] =	stream.indirect.scatter.add.f32 [tilespmem:s16], [sflag:$0x1], $0x1, s25, s18, $0xb8;
	[tilespmem:$0x8A80] =	vst v63  }
0x6a: {  	s25 =	sadd.s32 $0x4180, s26  }
0x6b: {  	[spmem:s4] =	stream.indirect.scatter.add.f32 [tilespmem:s16], [sflag:$0x2], $0x1, s25, s18, $0xb8;
	[tilespmem:$0x8A80] =	vst v63  }
0x6c: {  	s25 =	sadd.s32 $0x200, s26  }
0x6d: {  	[spmem:s2] =	stream.indirect.scatter.add.f32 [tilespmem:s16], [sflag:$0x1], $0x1, s25, s18, $0xb8;
	[tilespmem:$0x8A80] =	vst v63  }
0x6e: {  	p0 =	slt.u32 s24, $0x8;
	s25 =	sadd.s32 $0x4200, s26  }
0x6f: {  	[spmem:s4] =	stream.indirect.scatter.add.f32 [tilespmem:s16], [sflag:$0x2], $0x1, s25, s18, $0xb8;
	[tilespmem:$0x8A80] =	vst v63  }
0x70: {  	s26 =	simm.s32 @!p0 $0x1  }
0x71: {  	_ =	swait.ge @!p0 [sflag:s26], $0x50  }
0x72: {  	s25 =	simm.s32 @!p0 $0x2;
	[sflag:s26] =	ssyncset.done @!p0 $0x0  }
0x73: {  	[sflag:s26] =	ssyncadd.s32 @!p0 $0xFFFFFFB0  }
0x74: {  	_ =	swait.ge @!p0 [sflag:s25], $0x50  }
0x75: {  	[sflag:s25] =	ssyncset.done @!p0 $0x0  }
0x76: {  	[sflag:s25] =	ssyncadd.s32 @!p0 $0xFFFFFFB0  }
0x77: {  	_ =	swait.ge @!p0 [sflag:s26], $0x50  }
0x78: {  	[sflag:s26] =	ssyncset.done @!p0 $0x0  }
0x79: {  	[sflag:s26] =	ssyncadd.s32 @!p0 $0xFFFFFFB0  }
0x7a: {  	_ =	swait.ge @!p0 [sflag:s25], $0x50  }
0x7b: {  	[sflag:s25] =	ssyncset.done @!p0 $0x0  }
0x7c: {  	[sflag:s25] =	ssyncadd.s32 @!p0 $0xFFFFFFB0  }
0x7d: {  	_ =	swait.ge @!p0 [sflag:s26], $0x50  }
0x7e: {  	[sflag:s26] =	ssyncset.done @!p0 $0x0  }
0x7f: {  	[sflag:s26] =	ssyncadd.s32 @!p0 $0xFFFFFFB0  }
0x80: {  	_ =	swait.ge @!p0 [sflag:s25], $0x50  }
0x81: {  	[sflag:s25] =	ssyncset.done @!p0 $0x0  }
0x82: {  	[sflag:s25] =	ssyncadd.s32 @!p0 $0xFFFFFFB0  }
0x83: {  	_ =	swait.ge @!p0 [sflag:s26], $0x50  }
0x84: {  	[sflag:s26] =	ssyncset.done @!p0 $0x0  }
0x85: {  	[sflag:s26] =	ssyncadd.s32 @!p0 $0xFFFFFFB0  }
0x86: {  	_ =	swait.ge @!p0 [sflag:s25], $0x50  }
0x87: {  	[sflag:s25] =	ssyncset.done @!p0 $0x0  }
.Ltmp0:
0x88: {  	[sflag:s25] =	ssyncadd.s32 @!p0 $0xFFFFFFB0;
	(pc) =	sbr.rel @p1 .LBB2_2-.Ltmp0, $4  }
0x89: {  	_ =	swait.ge @!p0 [sflag:s26], $0x50  }
0x8a: {  	[sflag:s26] =	ssyncset.done @!p0 $0x0  }
0x8b: {  	[sflag:s26] =	ssyncadd.s32 @!p0 $0xFFFFFFB0  }
0x8c: {  	_ =	swait.ge @!p0 [sflag:s25], $0x50  }
0x8d: {  	[sflag:s25] =	ssyncset.done @!p0 $0x0  }
0x8e: {  	[sflag:s25] =	ssyncadd.s32 @!p0 $0xFFFFFFB0  }
0x8f: {  	_ =	swait.ge [sflag:s19], $0x50  }
0x90: {  	[sflag:s19] =	ssyncset.done $0x0  }
0x91: {  	[sflag:s19] =	ssyncadd.s32 $0xFFFFFFB0  }
0x92: {  	_ =	swait.ge [sflag:s20], $0x50  }
0x93: {  	[sflag:s20] =	ssyncset.done $0x0  }
0x94: {  	[sflag:s20] =	ssyncadd.s32 $0xFFFFFFB0  }
0x95: {  	_ =	swait.ge [sflag:s19], $0x50  }
0x96: {  	[sflag:s19] =	ssyncset.done $0x0  }
0x97: {  	[sflag:s19] =	ssyncadd.s32 $0xFFFFFFB0  }
0x98: {  	_ =	swait.ge [sflag:s20], $0x50  }
0x99: {  	[sflag:s20] =	ssyncset.done $0x0  }
0x9a: {  	[sflag:s20] =	ssyncadd.s32 $0xFFFFFFB0  }
0x9b: {  	_ =	swait.ge [sflag:s19], $0x50  }
0x9c: {  	[sflag:s19] =	ssyncset.done $0x0  }
0x9d: {  	[sflag:s19] =	ssyncadd.s32 $0xFFFFFFB0  }
0x9e: {  	_ =	swait.ge [sflag:s20], $0x50  }
0x9f: {  	[sflag:s20] =	ssyncset.done $0x0  }
0xa0: {  	[sflag:s20] =	ssyncadd.s32 $0xFFFFFFB0  }
0xa1: {  	_ =	swait.ge [sflag:s19], $0x50  }
0xa2: {  	[sflag:s19] =	ssyncset.done $0x0  }
0xa3: {  	[sflag:s19] =	ssyncadd.s32 $0xFFFFFFB0  }
0xa4: {  	_ =	swait.ge [sflag:s20], $0x50  }
0xa5: {  	[sflag:s20] =	ssyncset.done $0x0  }
0xa6: {  	[sflag:s20] =	ssyncadd.s32 $0xFFFFFFB0  }
0xa7: {  	_ =	swait.ge [sflag:s19], $0x50  }
0xa8: {  	[sflag:s19] =	ssyncset.done $0x0  }
0xa9: {  	[sflag:s19] =	ssyncadd.s32 $0xFFFFFFB0  }
0xaa: {  	_ =	swait.ge [sflag:s20], $0x50  }
0xab: {  	s23 =	simm.s32 $0x7;
	[sflag:s20] =	ssyncset.done $0x0  }
.LBB2_4:
0xac: {  	p0 =	sne.s32 s23, $0x1;
	s23 =	sadd.s32 $0xFFFFFFFF, s23;
	[sflag:s20] =	ssyncadd.s32 $0xFFFFFFB0  }
0xad: {  	_ =	swait.ge [sflag:s19], $0x50  }
0xae: {  	[sflag:s19] =	ssyncset.done $0x0  }
0xaf: {  	[sflag:s19] =	ssyncadd.s32 $0xFFFFFFB0  }
0xb0: {  	_ =	swait.ge [sflag:s20], $0x50  }
0xb1: {  	[sflag:s20] =	ssyncset.done $0x0  }
0xb2: {  	[sflag:s20] =	ssyncadd.s32 $0xFFFFFFB0  }
0xb3: {  	_ =	swait.ge [sflag:s19], $0x50  }
0xb4: {  	[sflag:s19] =	ssyncset.done $0x0  }
0xb5: {  	[sflag:s19] =	ssyncadd.s32 $0xFFFFFFB0  }
0xb6: {  	_ =	swait.ge [sflag:s20], $0x50  }
0xb7: {  	[sflag:s20] =	ssyncset.done $0x0  }
0xb8: {  	[sflag:s20] =	ssyncadd.s32 $0xFFFFFFB0  }
0xb9: {  	_ =	swait.ge [sflag:s19], $0x50  }
0xba: {  	[sflag:s19] =	ssyncset.done $0x0  }
0xbb: {  	[sflag:s19] =	ssyncadd.s32 $0xFFFFFFB0  }
0xbc: {  	_ =	swait.ge [sflag:s20], $0x50  }
0xbd: {  	[sflag:s20] =	ssyncset.done $0x0  }
0xbe: {  	[sflag:s20] =	ssyncadd.s32 $0xFFFFFFB0  }
0xbf: {  	_ =	swait.ge [sflag:s19], $0x50  }
0xc0: {  	[sflag:s19] =	ssyncset.done $0x0  }
0xc1: {  	[sflag:s19] =	ssyncadd.s32 $0xFFFFFFB0  }
0xc2: {  	_ =	swait.ge [sflag:s20], $0x50  }
0xc3: {  	[sflag:s20] =	ssyncset.done $0x0  }
0xc4: {  	[sflag:s20] =	ssyncadd.s32 $0xFFFFFFB0  }
.Ltmp1:
0xc5: {  	_ =	swait.ge [sflag:s19], $0x50;
	(pc) =	sbr.rel @p0 .LBB2_4-.Ltmp1, $4  }
0xc6: {  	[sflag:s19] =	ssyncset.done $0x0  }
0xc7: {  	[sflag:s19] =	ssyncadd.s32 $0xFFFFFFB0  }
0xc8: {  	_ =	swait.ge [sflag:s20], $0x50  }
0xc9: {  	[sflag:s20] =	ssyncset.done $0x0  }
0xca: {  	[sflag:s20] =	ssyncadd.s32 $0xFFFFFFB0  }
0xcb: {  	[bflag:$0x0] =	sbarrier.arrive $0xFFFF  }
0xcc: {  	[tilespmem:s21], [sflag:$0x3] =	stream.linear.gather [spmem:s9], $0x280, $0x38;
	[tilespmem:$0x8A80] =	vst v63  }
0xcd: {  	_ =	swait.ge [sflag:s14], $0x280  }
0xce: {  	[sflag:s14] =	ssyncset.done $0x0  }
0xcf: {  	[sflag:s14] =	ssyncadd.s32 $0xFFFFFD80  }
0xd0: {  	[hbm4b:s10+s5] =	stream.linear.scatter [tilespmem:s21], [sflag:$0x3], $0x280, $0x38;
	[tilespmem:$0x8A80] =	vst v63  }
0xd1: {  	_ =	swait.ge [sflag:s14], $0x280  }
0xd2: {  	[sflag:s14] =	ssyncset.done $0x0  }
0xd3: {  	[sflag:s14] =	ssyncadd.s32 $0xFFFFFD80  }
0xd4: {  	[tilespmem:s21], [sflag:$0x3] =	stream.linear.gather [spmem:s11], $0x280, $0x38;
	[tilespmem:$0x8A80] =	vst v63  }
0xd5: {  	s22 =	sadd.s32 $0x1, s22;
	_ =	swait.ge [sflag:s14], $0x280  }
0xd6: {  	p0 =	sne.s32 s22, s13;
	[sflag:s14] =	ssyncset.done $0x0  }
.Ltmp2:
0xd7: {  	[sflag:s14] =	ssyncadd.s32 $0xFFFFFD80;
	(pc) =	sbr.rel @p0 .LBB2_1-.Ltmp2, $4  }
0xd8: {  	[hbm4b:s12+s5] =	stream.linear.scatter [tilespmem:s21], [sflag:$0x3], $0x280, $0x38;
	[tilespmem:$0x8A80] =	vst v63  }
0xd9: {  	_ =	swait.ge [sflag:s14], $0x280  }
0xda: {  	[sflag:s14] =	ssyncset.done $0x0  }
0xdb: {  	[sflag:s14] =	ssyncadd.s32 $0xFFFFFD80  }
0xdc: {  	_ =	sfence.sel $0x180000  }
0xdd: {  	[bflag:$0x0] =	sbarrier.arrive $0xFFFF  }
0xde: {  	p0 =	sne.s32 s3, $0x0;
	_ =	strace $0x90000047  }
0xdf: {  	s0 =	sadd.s32 @!p0 $0x100000, s0;
	[bflag:$0x2] =	sbarrier.arrive $0xFFFF  }
0xe0: {  	[sflag:s0] =	ssyncadd.tile.s32 @!p0 $0x1;
	_ =	shalt  }
.Lfunc_end2:
_tile_overlayer_lowered:
.L_overlay_start_2:
0xe1: {  	(tag) =	ssettag $0x2  }
0xe2: {  	s0 =	rddreg [dreg:$0x0];
	s2 =	stileid.u32  }
0xe3: {  	s1 =	rddreg [dreg:$0x1];
	p0 =	sne.s32 s2, $0x0  }
0xe4: {  	s3 =	rddreg [dreg:$0x2];
	[bflag:$0x3] =	sbarrier.arrive $0xFFFF;
	s2 =	simm.s32 @!p0 $0x1C03  }
0xe5: {  	[timem:s3], [sflag:s2] =	dma.local @!p0 [hbm:s0], s1  }
0xe6: {  	s0 =	simm.s32 @!p0 $0x3  }
0xe7: {  	_ =	swait.ge @!p0 [sflag:s0], s1  }
0xe8: {  	s1 =	ssub.s32 @!p0 $0x0, s1;
	[sflag:s0] =	ssyncset.done @!p0 $0x0  }
0xe9: {  	[sflag:s0] =	ssyncadd.s32 @!p0 s1  }
0xea: {  	[bflag:$0x3] =	sbarrier.arrive $0xFFFF  }
0xeb: {  	_ =	shalt  }

</sc_bundles>
